<compile_context>
chip_gen: v7x
topology: tpu7x:2x2x1
jax: 0.10.2.dev20260603
libtpu: 0.0.44.dev20260713+nightly
codegen_flags: <defaults>
</compile_context>

<pallas_src>
import functools
import jax
import jax.numpy as jnp
from jax import lax
from jax.experimental import pallas as pl
from jax.experimental.pallas import tpu as pltpu
from jax.experimental.pallas import tpu_sc as plsc

N = 10000
NPAD = 10240
E = 320000
D = 128
H = 4
DH = 32
R = 32
V = 100
G = 32
CUT = 6.0
GAMMA = (R / CUT) ** 2

BN = 512
NBN = NPAD // BN
EPAD = E
BE = 512
NBE = EPAD // BE

NW = 32
EPT = EPAD // NW
CH = 80
NCH = EPT // CH
RPS = NPAD // 16
NR = NPAD * H // 128


def _ln(x, eps=1e-5):
    m = jnp.mean(x, axis=-1, keepdims=True)
    v = jnp.var(x, axis=-1, keepdims=True)
    return (x - m) / jnp.sqrt(v + eps)



def _embed_body(x_ref, pos_ref, emb_ref, win_ref, b_ref, h_ref):
    xb = x_ref[0, 0, :]
    oh = (xb[:, None] == lax.broadcasted_iota(jnp.int32, (BN, V), 1)
          ).astype(jnp.float32)
    w = win_ref[...]
    he = jnp.dot(oh, emb_ref[...], preferred_element_type=jnp.float32)
    t = jnp.dot(he, w[0:32, :], preferred_element_type=jnp.float32)
    t += jnp.dot(pos_ref[...][:, 0:3].reshape(BN, 3), w[32:35, :],
                 preferred_element_type=jnp.float32)
    t += b_ref[...]
    h_ref[...] = _ln(jax.nn.gelu(t))


def _tc_embed(x3, pos16, emb, W_in, b_in2):
    return pl.pallas_call(
        _embed_body,
        grid=(NBN,),
        in_specs=[
            pl.BlockSpec((1, 1, BN), lambda i: (i, 0, 0)),
            pl.BlockSpec((BN, D), lambda i: (i, 0)),
            pl.BlockSpec((V, 32), lambda i: (0, 0)),
            pl.BlockSpec((35, D), lambda i: (0, 0)),
            pl.BlockSpec((1, D), lambda i: (0, 0)),
        ],
        out_specs=pl.BlockSpec((BN, D), lambda i: (i, 0)),
        out_shape=jax.ShapeDtypeStruct((NPAD, D), jnp.float32),
    )(x3, pos16, emb, W_in, b_in2)


def _proj_body(h_ref, wq_ref, wk_ref, wv_ref, q_ref, kv_ref):
    h = h_ref[...]
    q_ref[...] = jnp.dot(h, wq_ref[...], preferred_element_type=jnp.float32)
    k = jnp.dot(h, wk_ref[...], preferred_element_type=jnp.float32)
    v = jnp.dot(h, wv_ref[...], preferred_element_type=jnp.float32)
    kv_ref[...] = jnp.concatenate([k, v], axis=1)


def _tc_proj(h, wq, wk, wv):
    return pl.pallas_call(
        _proj_body,
        grid=(NBN,),
        in_specs=[
            pl.BlockSpec((BN, D), lambda i: (i, 0)),
            pl.BlockSpec((D, D), lambda i: (0, 0)),
            pl.BlockSpec((D, D), lambda i: (0, 0)),
            pl.BlockSpec((D, D), lambda i: (0, 0)),
        ],
        out_specs=[
            pl.BlockSpec((BN, D), lambda i: (i, 0)),
            pl.BlockSpec((BN, 2 * D), lambda i: (i, 0)),
        ],
        out_shape=[
            jax.ShapeDtypeStruct((NPAD, D), jnp.float32),
            jax.ShapeDtypeStruct((NPAD, 2 * D), jnp.float32),
        ],
    )(h, wq, wk, wv)


def _edge_body(dm_ref, ps_ref, pd_ref, kvs_ref, qd_ref, we_ref,
               msg_ref, p128_ref):
    d3 = ps_ref[...][:, 0:3] - pd_ref[...][:, 0:3]
    dist = jnp.sqrt(jnp.sum(d3 * d3, axis=1, keepdims=True) + 1e-12)
    centers = lax.broadcasted_iota(jnp.int32, (1, R), 1).astype(
        jnp.float32) * (CUT / (R - 1))
    rbf = jnp.exp(-GAMMA * (dist - centers) ** 2)
    ee = jnp.dot(rbf, we_ref[...], preferred_element_type=jnp.float32)
    kvs = kvs_ref[...]
    k2 = kvs[:, 0:D] + ee
    v2 = kvs[:, D:2 * D] + ee
    gmatT = (lax.broadcasted_iota(jnp.int32, (D, H), 0) // DH ==
             lax.broadcasted_iota(jnp.int32, (D, H), 1)).astype(jnp.float32)
    gmat = (lax.broadcasted_iota(jnp.int32, (H, D), 1) // DH ==
            lax.broadcasted_iota(jnp.int32, (H, D), 0)).astype(jnp.float32)
    s = jnp.dot(qd_ref[...] * k2, gmatT,
                preferred_element_type=jnp.float32) / (DH ** 0.5)
    ex = jnp.exp(s)
    msg_ref[...] = jnp.dot(ex, gmat, preferred_element_type=jnp.float32) * v2
    rmat = (lax.broadcasted_iota(jnp.int32, (H, D), 1) % H ==
            lax.broadcasted_iota(jnp.int32, (H, D), 0)).astype(jnp.float32)
    dstm = dm_ref[0, 0, :]
    lane_grp = lax.broadcasted_iota(jnp.int32, (BE, D), 1) // H
    p128_ref[...] = jnp.where(
        lane_grp == dstm[:, None],
        jnp.dot(ex, rmat, preferred_element_type=jnp.float32), 0.0)


def _tc_edge(dstm3, poss, posd, kvs, qd, we):
    return pl.pallas_call(
        _edge_body,
        grid=(NBE,),
        in_specs=[
            pl.BlockSpec((1, 1, BE), lambda i: (i, 0, 0)),
            pl.BlockSpec((BE, D), lambda i: (i, 0)),
            pl.BlockSpec((BE, D), lambda i: (i, 0)),
            pl.BlockSpec((BE, 2 * D), lambda i: (i, 0)),
            pl.BlockSpec((BE, D), lambda i: (i, 0)),
            pl.BlockSpec((R, D), lambda i: (0, 0)),
        ],
        out_specs=[
            pl.BlockSpec((BE, D), lambda i: (i, 0)),
            pl.BlockSpec((BE, D), lambda i: (i, 0)),
        ],
        out_shape=[
            jax.ShapeDtypeStruct((EPAD, D), jnp.float32),
            jax.ShapeDtypeStruct((EPAD, D), jnp.float32),
        ],
    )(dstm3, poss, posd, kvs, qd, we)


def _update_body(acc_ref, den_ref, h_ref, wskip_ref, wfc_ref, bfc_ref, o_ref):
    acc = acc_ref[0] + acc_ref[1]
    den = den_ref[0] + den_ref[1]
    gmat = (lax.broadcasted_iota(jnp.int32, (H, D), 1) // DH ==
            lax.broadcasted_iota(jnp.int32, (H, D), 0)).astype(jnp.float32)
    den128 = jnp.dot(den, gmat, preferred_element_type=jnp.float32)
    out = acc / (den128 + 1e-16) + jnp.dot(
        h_ref[...], wskip_ref[...], preferred_element_type=jnp.float32)
    t = jnp.dot(out, wfc_ref[...], preferred_element_type=jnp.float32)
    o_ref[...] = _ln(jax.nn.gelu(t + bfc_ref[...]))


def _tc_update(acc2, den2, h, wskip, wfc, bfc2):
    return pl.pallas_call(
        _update_body,
        grid=(NBN,),
        in_specs=[
            pl.BlockSpec((2, BN, D), lambda i: (0, i, 0)),
            pl.BlockSpec((2, BN, H), lambda i: (0, i, 0)),
            pl.BlockSpec((BN, D), lambda i: (i, 0)),
            pl.BlockSpec((D, D), lambda i: (0, 0)),
            pl.BlockSpec((D, D), lambda i: (0, 0)),
            pl.BlockSpec((1, D), lambda i: (0, 0)),
        ],
        out_specs=pl.BlockSpec((BN, D), lambda i: (i, 0)),
        out_shape=jax.ShapeDtypeStruct((NPAD, D), jnp.float32),
    )(acc2, den2, h, wskip, wfc, bfc2)


def _pool_body(b_ref, h_ref, o_ref):
    @pl.when(pl.program_id(0) == 0)
    def _():
        o_ref[...] = jnp.zeros((G, D), jnp.float32)
    bb = b_ref[0, 0, :]
    oh = (bb[:, None] == lax.broadcasted_iota(jnp.int32, (BN, G), 1)
          ).astype(jnp.float32)
    o_ref[...] += lax.dot_general(
        oh, h_ref[...], (((0,), (0,)), ((), ())),
        preferred_element_type=jnp.float32)


def _tc_pool(batch3, h):
    return pl.pallas_call(
        _pool_body,
        grid=(NBN,),
        in_specs=[
            pl.BlockSpec((1, 1, BN), lambda i: (i, 0, 0)),
            pl.BlockSpec((BN, D), lambda i: (i, 0)),
        ],
        out_specs=pl.BlockSpec((G, D), lambda i: (0, 0)),
        out_shape=jax.ShapeDtypeStruct((G, D), jnp.float32),
    )(batch3, h)



def _sc_gather2(tbl_a, idx_a, tbl_b, idx_b):
    da = tbl_a.shape[1]
    db = tbl_b.shape[1]
    mesh = plsc.VectorSubcoreMesh(core_axis_name="c", subcore_axis_name="s")

    @functools.partial(
        pl.kernel, mesh=mesh,
        out_type=[
            jax.ShapeDtypeStruct((EPAD, da), jnp.float32),
            jax.ShapeDtypeStruct((EPAD, db), jnp.float32),
        ],
        scratch_types=[
            pltpu.VMEM((CH,), jnp.int32),
            pltpu.VMEM((CH, da), jnp.float32),
            pltpu.VMEM((CH,), jnp.int32),
            pltpu.VMEM((CH, db), jnp.float32),
            pltpu.SemaphoreType.DMA,
        ],
    )
    def k(ta_h, ia_h, tb_h, ib_h, oa_h, ob_h, ia_v, ra_v, ib_v, rb_v, sem):
        wid = lax.axis_index("s") * 2 + lax.axis_index("c")

        def drain_wb():
            pltpu.make_async_copy(oa_h.at[pl.ds(0, CH)], ra_v, sem).wait()
            pltpu.make_async_copy(ob_h.at[pl.ds(0, CH)], rb_v, sem).wait()

        def body(i, carry):
            base = wid * EPT + i * CH
            h1 = pltpu.async_copy(ia_h.at[pl.ds(base, CH)], ia_v, sem)
            h2 = pltpu.async_copy(ib_h.at[pl.ds(base, CH)], ib_v, sem)
            h1.wait()
            h2.wait()

            @pl.when(i > 0)
            def _():
                drain_wb()

            g1 = pltpu.async_copy(ta_h.at[ia_v], ra_v, sem)
            g2 = pltpu.async_copy(tb_h.at[ib_v], rb_v, sem)
            g1.wait()
            g2.wait()
            pltpu.async_copy(ra_v, oa_h.at[pl.ds(base, CH)], sem)
            pltpu.async_copy(rb_v, ob_h.at[pl.ds(base, CH)], sem)
            return carry

        lax.fori_loop(0, NCH, body, 0)
        drain_wb()

    return k(tbl_a, idx_a, tbl_b, idx_b)


def _sc_scatter(msg, p128, dst, dstdiv, z128, z320):
    mesh = plsc.VectorSubcoreMesh(core_axis_name="c", subcore_axis_name="s")

    @functools.partial(
        pl.kernel, mesh=mesh,
        out_type=[
            jax.ShapeDtypeStruct((2, NPAD, D), jnp.float32),
            jax.ShapeDtypeStruct((2, NR, D), jnp.float32),
        ],
        scratch_types=[
            pltpu.VMEM((CH,), jnp.int32),
            pltpu.VMEM((CH,), jnp.int32),
            pltpu.VMEM((CH, D), jnp.float32),
            pltpu.VMEM((CH, D), jnp.float32),
            pltpu.VMEM_SHARED((NPAD, D), jnp.float32),
            pltpu.VMEM_SHARED((NR, D), jnp.float32),
            pltpu.SemaphoreType.DMA,
        ],
    )
    def k(msg_h, p_h, dst_h, dd_h, z128_h, z320_h, acc_h, den_h,
          idx_v, idx2_v, m_v, p_v, acc_s, den_s, sem):
        cid = lax.axis_index("c")
        sid = lax.axis_index("s")
        wid = sid * 2 + cid
        r0 = sid * RPS
        pltpu.sync_copy(z128_h, acc_s.at[pl.ds(r0, RPS)])

        @pl.when(sid == 0)
        def _():
            pltpu.sync_copy(z320_h, den_s)

        plsc.subcore_barrier()

        def drain_adds():
            pltpu.make_async_copy(msg_h.at[pl.ds(0, CH)], m_v, sem).wait()
            pltpu.make_async_copy(p_h.at[pl.ds(0, CH)], p_v, sem).wait()

        def body(i, carry):
            base = wid * EPT + i * CH
            h1 = pltpu.async_copy(dst_h.at[pl.ds(base, CH)], idx_v, sem)
            h2 = pltpu.async_copy(dd_h.at[pl.ds(base, CH)], idx2_v, sem)
            h3 = pltpu.async_copy(msg_h.at[pl.ds(base, CH)], m_v, sem)
            h4 = pltpu.async_copy(p_h.at[pl.ds(base, CH)], p_v, sem)
            h1.wait()
            h2.wait()
            h3.wait()
            h4.wait()
            pltpu.async_copy(m_v, acc_s.at[idx_v], sem, add=True)
            pltpu.async_copy(p_v, den_s.at[idx2_v], sem, add=True)
            return carry

        def body_wrapped(i, carry):
            @pl.when(i > 0)
            def _():
                drain_adds()

            return body(i, carry)

        lax.fori_loop(0, NCH, body_wrapped, 0)
        drain_adds()
        plsc.subcore_barrier()
        pltpu.sync_copy(acc_s.at[pl.ds(r0, RPS)], acc_h.at[cid, pl.ds(r0, RPS)])

        @pl.when(sid == 0)
        def _():
            pltpu.sync_copy(den_s, den_h.at[cid])

    return k(msg, p128, dst, dstdiv, z128, z320)



def kernel(x, pos, edge_index, batch, emb, W_in, b_in,
           Wq, Wk, Wv, We, Wskip, Wfc, bfc):
    x3 = jnp.pad(x.astype(jnp.int32), (0, NPAD - N)).reshape(NBN, 1, BN)
    pos128 = jnp.pad(pos.astype(jnp.float32), ((0, NPAD - N), (0, D - 3)))
    src = edge_index[0].astype(jnp.int32)
    dst = edge_index[1].astype(jnp.int32)
    dstm3 = (dst % 32).reshape(NBE, 1, BE)
    dstdiv = dst // 32
    batch3 = jnp.pad(batch.astype(jnp.int32), (0, NPAD - N),
                     constant_values=G).reshape(NBN, 1, BN)
    b_in2 = b_in.reshape(1, D)
    z128 = jnp.zeros((RPS, D), jnp.float32)
    z320 = jnp.zeros((NR, D), jnp.float32)

    h = _tc_embed(x3, pos128, emb, W_in, b_in2)
    poss, posd = _sc_gather2(pos128, src, pos128, dst)
    for l in range(2):
        q, kv = _tc_proj(h, Wq[l], Wk[l], Wv[l])
        kvs, qd = _sc_gather2(kv, src, q, dst)
        msg, p128 = _tc_edge(dstm3, poss, posd, kvs, qd, We[l])
        acc2, den2 = _sc_scatter(msg, p128, dst, dstdiv, z128, z320)
        h = _tc_update(acc2, den2.reshape(2, NPAD, H), h,
                       Wskip[l], Wfc[l], bfc[l].reshape(1, D))
    return _tc_pool(batch3, h)

# --- scband reference (transcript-rebuilt; emitter-appended) ---
"""Pipeline reference for scband-point-encoder-5463198401072 (READ-ONLY COPY).

The authoritative reference and input builder live on the scoring server;
editing this copy changes nothing except your own understanding.
"""

import jax, jax.numpy as jnp
import numpy as np

N = 10000
E = 320000
D = 128
H = 4
DH = 32
R = 32
V = 100
G = 32
CUT = 6.0


def _ln(x, eps=1e-5):
    m = jnp.mean(x, axis=-1, keepdims=True)
    v = jnp.var(x, axis=-1, keepdims=True)
    return (x - m) / jnp.sqrt(v + eps)


def _forward(pos, emb, W_in, b_in, Wq, Wk, Wv, We, Wskip, Wfc, bfc, x, edge_index, batch):
    src = edge_index[0]
    dst = edge_index[1]
    # atom type embedding + concat cartesian positions to atom features
    h = jnp.concatenate([emb[x], pos], axis=1)  # [N, 32+3]
    h = _ln(jax.nn.gelu(h @ W_in + b_in))  # [N, D]
    # gaussian radial basis expansion of edge lengths
    diff = pos[src] - pos[dst]
    dist = jnp.sqrt(jnp.sum(diff * diff, axis=1) + 1e-12)
    centers = jnp.linspace(0.0, CUT, R)
    gamma = (R / CUT) ** 2
    rbf = jnp.exp(-gamma * (dist[:, None] - centers[None, :]) ** 2)  # [E, R]
    for l in range(2):
        # TransformerConv: edge features added to key and value
        q = (h @ Wq[l])[dst].reshape(E, H, DH)
        e = (rbf @ We[l]).reshape(E, H, DH)
        k = (h @ Wk[l])[src].reshape(E, H, DH) + e
        v = (h @ Wv[l])[src].reshape(E, H, DH) + e
        score = jnp.sum(q * k, axis=-1) / (DH ** 0.5)  # [E, H]
        m = jax.ops.segment_max(score, dst, num_segments=N)
        m = jnp.where(jnp.isfinite(m), m, 0.0)
        ex = jnp.exp(score - m[dst])
        den = jax.ops.segment_sum(ex, dst, num_segments=N)
        alpha = ex / (den[dst] + 1e-16)  # segment softmax over incoming edges
        msg = (alpha[:, :, None] * v).reshape(E, D)
        out = jax.ops.segment_sum(msg, dst, num_segments=N) + h @ Wskip[l]
        # nodewise FC layer + norm
        h = _ln(jax.nn.gelu(out @ Wfc[l] + bfc[l]))
    # graph aggregator: sum-pool nodes into per-graph embeddings
    return jax.ops.segment_sum(h, batch, num_segments=G)


def setup_inputs(seed: int = 0):
    key = jax.random.key(seed)
    ks = jax.random.split(key, 14)
    s = 0.05
    return {
        "x": jax.random.randint(ks[0], (N,), 0, V),
        "pos": jax.random.normal(ks[1], (N, 3), dtype=jnp.float32) * 5.0,
        "edge_index": jax.random.randint(ks[2], (2, E), 0, N),
        "batch": jnp.sort(jax.random.randint(ks[3], (N,), 0, G)),
        "emb": jax.random.normal(ks[4], (V, 32), dtype=jnp.float32) * s,
        "W_in": jax.random.normal(ks[5], (35, D), dtype=jnp.float32) * s,
        "b_in": jnp.zeros((D,), dtype=jnp.float32),
        "Wq": jax.random.normal(ks[6], (2, D, D), dtype=jnp.float32) * s,
        "Wk": jax.random.normal(ks[7], (2, D, D), dtype=jnp.float32) * s,
        "Wv": jax.random.normal(ks[8], (2, D, D), dtype=jnp.float32) * s,
        "We": jax.random.normal(ks[9], (2, R, D), dtype=jnp.float32) * s,
        "Wskip": jax.random.normal(ks[10], (2, D, D), dtype=jnp.float32) * s,
        "Wfc": jax.random.normal(ks[11], (2, D, D), dtype=jnp.float32) * s,
        "bfc": jnp.zeros((2, D), dtype=jnp.float32),
    }


def reference(x, pos, edge_index, batch, emb, W_in, b_in, Wq, Wk, Wv, We, Wskip, Wfc, bfc):
    return _forward(pos, emb, W_in, b_in, Wq, Wk, Wv, We, Wskip, Wfc, bfc, x, edge_index, batch)

if __name__ == "__main__":
    import jax
    _d = setup_inputs()
    print(jax.jit(kernel)(*tuple(_d.values())))

</pallas_src>

<mosaic_0001>
#map = affine_map<(d0, d1) -> (0, 0)>
#map1 = affine_map<(d0, d1) -> (0)>
module attributes {stable_mosaic.version = 14 : i64} {
  func.func @k(%arg0: i32, %arg1: i32, %arg2: memref<10240x256xf32, #tpu.memory_space<hbm>>, %arg3: memref<320000xi32, #tpu.memory_space<hbm>>, %arg4: memref<10240x128xf32, #tpu.memory_space<hbm>>, %arg5: memref<320000xi32, #tpu.memory_space<hbm>>, %arg6: memref<320000x256xf32, #tpu.memory_space<hbm>>, %arg7: memref<320000x128xf32, #tpu.memory_space<hbm>>, %arg8: memref<80xi32, #tpu.memory_space<vmem>>, %arg9: memref<80x256xf32, #tpu.memory_space<vmem>>, %arg10: memref<80xi32, #tpu.memory_space<vmem>>, %arg11: memref<80x128xf32, #tpu.memory_space<vmem>>, %arg12: memref<!tpu.dma_semaphore, #tpu.memory_space<semaphore_mem>>) attributes {dimension_semantics = [#tpu.dimension_semantics<core_parallel>, #tpu.dimension_semantics<subcore_parallel>], iteration_bounds = array<i64: 2, 16>, scalar_prefetch = 0 : i64, scratch_operands = 5 : i64, tpu.core_type = #tpu.core_type<sc_vector_subcore>, window_params = [{transform_indices = #map}, {transform_indices = #map1}, {transform_indices = #map}, {transform_indices = #map1}, {transform_indices = #map}, {transform_indices = #map}]} {
    %mul3A = arith.constant 2 : i32
    %mul3A_0 = arith.muli %arg1, %mul3A : i32
    %add3A = arith.addi %mul3A_0, %arg0 : i32
    %scan3A = arith.constant 0 : i32
    %scan3A_1 = arith.constant 0 : i32
    %scan3A_2 = arith.constant 125 : i32
    %scan3A_3 = arith.addi %scan3A_1, %scan3A_2 : i32
    %scan3A_4 = arith.constant 1 : i32
    scf.for %scan3A_17 = %scan3A_1 to %scan3A_3 step %scan3A_4  : i32 {
      %mul3A_18 = arith.constant 10000 : i32
      %mul3A_19 = arith.muli %add3A, %mul3A_18 : i32
      %mul3A_20 = arith.constant 80 : i32
      %mul3A_21 = arith.muli %scan3A_17, %mul3A_20 : i32
      %add3A_22 = arith.addi %mul3A_19, %mul3A_21 : i32
      %dma_start3A = tpu.memref_slice %arg3[%add3A_22] : memref<320000xi32, #tpu.memory_space<hbm>> -> memref<80xi32, #tpu.memory_space<hbm>>
      %dma_start3A_23 = tpu.memref_slice %arg3[%add3A_22] : memref<320000xi32, #tpu.memory_space<hbm>> -> memref<80xi32, #tpu.memory_space<hbm>>
      tpu.enqueue_dma source(%dma_start3A_23 : memref<80xi32, #tpu.memory_space<hbm>>) target(%arg8 : memref<80xi32, #tpu.memory_space<vmem>>) target_semaphore(%arg12 : memref<!tpu.dma_semaphore, #tpu.memory_space<semaphore_mem>>)
      %dma_start3A_24 = tpu.memref_slice %arg5[%add3A_22] : memref<320000xi32, #tpu.memory_space<hbm>> -> memref<80xi32, #tpu.memory_space<hbm>>
      %dma_start3A_25 = tpu.memref_slice %arg5[%add3A_22] : memref<320000xi32, #tpu.memory_space<hbm>> -> memref<80xi32, #tpu.memory_space<hbm>>
      tpu.enqueue_dma source(%dma_start3A_25 : memref<80xi32, #tpu.memory_space<hbm>>) target(%arg10 : memref<80xi32, #tpu.memory_space<vmem>>) target_semaphore(%arg12 : memref<!tpu.dma_semaphore, #tpu.memory_space<semaphore_mem>>)
      %dma_wait3A_26 = tpu.memref_slice %arg3[%add3A_22] : memref<320000xi32, #tpu.memory_space<hbm>> -> memref<80xi32, #tpu.memory_space<hbm>>
      %dma_wait3A_27 = tpu.memref_slice %arg3[%add3A_22] : memref<320000xi32, #tpu.memory_space<hbm>> -> memref<80xi32, #tpu.memory_space<hbm>>
      tpu.wait_dma2 semaphore(%arg12 : memref<!tpu.dma_semaphore, #tpu.memory_space<semaphore_mem>>) src(%dma_wait3A_27 : memref<80xi32, #tpu.memory_space<hbm>>) dst(%arg8 : memref<80xi32, #tpu.memory_space<vmem>>)
      %dma_wait3A_28 = tpu.memref_slice %arg5[%add3A_22] : memref<320000xi32, #tpu.memory_space<hbm>> -> memref<80xi32, #tpu.memory_space<hbm>>
      %dma_wait3A_29 = tpu.memref_slice %arg5[%add3A_22] : memref<320000xi32, #tpu.memory_space<hbm>> -> memref<80xi32, #tpu.memory_space<hbm>>
      tpu.wait_dma2 semaphore(%arg12 : memref<!tpu.dma_semaphore, #tpu.memory_space<semaphore_mem>>) src(%dma_wait3A_29 : memref<80xi32, #tpu.memory_space<hbm>>) dst(%arg10 : memref<80xi32, #tpu.memory_space<vmem>>)
      %gt3A = arith.constant 0 : i32
      %gt3A_30 = arith.cmpi sgt, %scan3A_17, %gt3A : i32
      %convert_element_type3A = arith.extui %gt3A_30 : i1 to i32
      %cond3A = arith.constant 0 : i32
      %cond3A_31 = arith.cmpi ne, %convert_element_type3A, %cond3A : i32
      scf.if %cond3A_31 {
        %dma_wait3A_52 = arith.constant 0 : i32
        %dma_wait3A_53 = arith.constant 0 : i32
        %dma_wait3A_54 = tpu.memref_slice %arg6[%dma_wait3A_52, %dma_wait3A_53] : memref<320000x256xf32, #tpu.memory_space<hbm>> -> memref<80x256xf32, #tpu.memory_space<hbm>>
        %dma_wait3A_55 = arith.constant 0 : i32
        %dma_wait3A_56 = arith.constant 0 : i32
        %dma_wait3A_57 = tpu.memref_slice %arg6[%dma_wait3A_55, %dma_wait3A_56] : memref<320000x256xf32, #tpu.memory_space<hbm>> -> memref<80x256xf32, #tpu.memory_space<hbm>>
        tpu.wait_dma2 semaphore(%arg12 : memref<!tpu.dma_semaphore, #tpu.memory_space<semaphore_mem>>) src(%dma_wait3A_57 : memref<80x256xf32, #tpu.memory_space<hbm>>) dst(%arg9 : memref<80x256xf32, #tpu.memory_space<vmem>>)
        %dma_wait3A_58 = arith.constant 0 : i32
        %dma_wait3A_59 = arith.constant 0 : i32
        %dma_wait3A_60 = tpu.memref_slice %arg7[%dma_wait3A_58, %dma_wait3A_59] : memref<320000x128xf32, #tpu.memory_space<hbm>> -> memref<80x128xf32, #tpu.memory_space<hbm>>
        %dma_wait3A_61 = arith.constant 0 : i32
        %dma_wait3A_62 = arith.constant 0 : i32
        %dma_wait3A_63 = tpu.memref_slice %arg7[%dma_wait3A_61, %dma_wait3A_62] : memref<320000x128xf32, #tpu.memory_space<hbm>> -> memref<80x128xf32, #tpu.memory_space<hbm>>
        tpu.wait_dma2 semaphore(%arg12 : memref<!tpu.dma_semaphore, #tpu.memory_space<semaphore_mem>>) src(%dma_wait3A_63 : memref<80x128xf32, #tpu.memory_space<hbm>>) dst(%arg11 : memref<80x128xf32, #tpu.memory_space<vmem>>)
      } else {
      }
      %dma_start3A_32 = arith.constant 0 : i32
      %dma_start3A_33 = arith.constant 0 : i32
      %dma_start3A_34 = tpu.memref_slice %arg2[%dma_start3A_32, %dma_start3A_33] : memref<10240x256xf32, #tpu.memory_space<hbm>> -> memref<10240x256xf32, #tpu.memory_space<hbm>>
      tpu.enqueue_indirect_dma source(%dma_start3A_34 : memref<10240x256xf32, #tpu.memory_space<hbm>>) target(%arg9 : memref<80x256xf32, #tpu.memory_space<vmem>>) offsets(%arg8 : memref<80xi32, #tpu.memory_space<vmem>>) semaphore(%arg12 : memref<!tpu.dma_semaphore, #tpu.memory_space<semaphore_mem>>)
      %dma_start3A_35 = arith.constant 0 : i32
      %dma_start3A_36 = arith.constant 0 : i32
      %dma_start3A_37 = tpu.memref_slice %arg4[%dma_start3A_35, %dma_start3A_36] : memref<10240x128xf32, #tpu.memory_space<hbm>> -> memref<10240x128xf32, #tpu.memory_space<hbm>>
      tpu.enqueue_indirect_dma source(%dma_start3A_37 : memref<10240x128xf32, #tpu.memory_space<hbm>>) target(%arg11 : memref<80x128xf32, #tpu.memory_space<vmem>>) offsets(%arg10 : memref<80xi32, #tpu.memory_space<vmem>>) semaphore(%arg12 : memref<!tpu.dma_semaphore, #tpu.memory_space<semaphore_mem>>)
      %dma_wait3A_38 = arith.constant 0 : i32
      %dma_wait3A_39 = arith.constant 0 : i32
      %dma_wait3A_40 = tpu.memref_slice %arg2[%dma_wait3A_38, %dma_wait3A_39] : memref<10240x256xf32, #tpu.memory_space<hbm>> -> memref<10240x256xf32, #tpu.memory_space<hbm>>
      tpu.wait_indirect_dma semaphore(%arg12 : memref<!tpu.dma_semaphore, #tpu.memory_space<semaphore_mem>>) src(%dma_wait3A_40 : memref<10240x256xf32, #tpu.memory_space<hbm>>) dst(%arg9 : memref<80x256xf32, #tpu.memory_space<vmem>>)
      %dma_wait3A_41 = arith.constant 0 : i32
      %dma_wait3A_42 = arith.constant 0 : i32
      %dma_wait3A_43 = tpu.memref_slice %arg4[%dma_wait3A_41, %dma_wait3A_42] : memref<10240x128xf32, #tpu.memory_space<hbm>> -> memref<10240x128xf32, #tpu.memory_space<hbm>>
      tpu.wait_indirect_dma semaphore(%arg12 : memref<!tpu.dma_semaphore, #tpu.memory_space<semaphore_mem>>) src(%dma_wait3A_43 : memref<10240x128xf32, #tpu.memory_space<hbm>>) dst(%arg11 : memref<80x128xf32, #tpu.memory_space<vmem>>)
      %dma_start3A_44 = arith.constant 0 : i32
      %dma_start3A_45 = tpu.memref_slice %arg6[%add3A_22, %dma_start3A_44] : memref<320000x256xf32, #tpu.memory_space<hbm>> -> memref<80x256xf32, #tpu.memory_space<hbm>>
      %dma_start3A_46 = arith.constant 0 : i32
      %dma_start3A_47 = tpu.memref_slice %arg6[%add3A_22, %dma_start3A_46] : memref<320000x256xf32, #tpu.memory_space<hbm>> -> memref<80x256xf32, #tpu.memory_space<hbm>>
      tpu.enqueue_dma source(%arg9 : memref<80x256xf32, #tpu.memory_space<vmem>>) target(%dma_start3A_47 : memref<80x256xf32, #tpu.memory_space<hbm>>) target_semaphore(%arg12 : memref<!tpu.dma_semaphore, #tpu.memory_space<semaphore_mem>>)
      %dma_start3A_48 = arith.constant 0 : i32
      %dma_start3A_49 = tpu.memref_slice %arg7[%add3A_22, %dma_start3A_48] : memref<320000x128xf32, #tpu.memory_space<hbm>> -> memref<80x128xf32, #tpu.memory_space<hbm>>
      %dma_start3A_50 = arith.constant 0 : i32
      %dma_start3A_51 = tpu.memref_slice %arg7[%add3A_22, %dma_start3A_50] : memref<320000x128xf32, #tpu.memory_space<hbm>> -> memref<80x128xf32, #tpu.memory_space<hbm>>
      tpu.enqueue_dma source(%arg11 : memref<80x128xf32, #tpu.memory_space<vmem>>) target(%dma_start3A_51 : memref<80x128xf32, #tpu.memory_space<hbm>>) target_semaphore(%arg12 : memref<!tpu.dma_semaphore, #tpu.memory_space<semaphore_mem>>)
    }
    %scan3A_5 = arith.constant 125 : i32
    %dma_wait3A = arith.constant 0 : i32
    %dma_wait3A_6 = arith.constant 0 : i32
    %dma_wait3A_7 = tpu.memref_slice %arg6[%dma_wait3A, %dma_wait3A_6] : memref<320000x256xf32, #tpu.memory_space<hbm>> -> memref<80x256xf32, #tpu.memory_space<hbm>>
    %dma_wait3A_8 = arith.constant 0 : i32
    %dma_wait3A_9 = arith.constant 0 : i32
    %dma_wait3A_10 = tpu.memref_slice %arg6[%dma_wait3A_8, %dma_wait3A_9] : memref<320000x256xf32, #tpu.memory_space<hbm>> -> memref<80x256xf32, #tpu.memory_space<hbm>>
    tpu.wait_dma2 semaphore(%arg12 : memref<!tpu.dma_semaphore, #tpu.memory_space<semaphore_mem>>) src(%dma_wait3A_10 : memref<80x256xf32, #tpu.memory_space<hbm>>) dst(%arg9 : memref<80x256xf32, #tpu.memory_space<vmem>>)
    %dma_wait3A_11 = arith.constant 0 : i32
    %dma_wait3A_12 = arith.constant 0 : i32
    %dma_wait3A_13 = tpu.memref_slice %arg7[%dma_wait3A_11, %dma_wait3A_12] : memref<320000x128xf32, #tpu.memory_space<hbm>> -> memref<80x128xf32, #tpu.memory_space<hbm>>
    %dma_wait3A_14 = arith.constant 0 : i32
    %dma_wait3A_15 = arith.constant 0 : i32
    %dma_wait3A_16 = tpu.memref_slice %arg7[%dma_wait3A_14, %dma_wait3A_15] : memref<320000x128xf32, #tpu.memory_space<hbm>> -> memref<80x128xf32, #tpu.memory_space<hbm>>
    tpu.wait_dma2 semaphore(%arg12 : memref<!tpu.dma_semaphore, #tpu.memory_space<semaphore_mem>>) src(%dma_wait3A_16 : memref<80x128xf32, #tpu.memory_space<hbm>>) dst(%arg11 : memref<80x128xf32, #tpu.memory_space<vmem>>)
    return
  }
}

#map = affine_map<(d0, d1) -> (0, 0)>
#map1 = affine_map<(d0, d1) -> (0)>
module attributes {stable_mosaic.version = 14 : i64} {
  func.func @k(%arg0: i32, %arg1: i32, %arg2: memref<10240x256xf32, #tpu.memory_space<hbm>>, %arg3: memref<320000xi32, #tpu.memory_space<hbm>>, %arg4: memref<10240x128xf32, #tpu.memory_space<hbm>>, %arg5: memref<320000xi32, #tpu.memory_space<hbm>>, %arg6: memref<320000x256xf32, #tpu.memory_space<hbm>>, %arg7: memref<320000x128xf32, #tpu.memory_space<hbm>>, %arg8: memref<80xi32, #tpu.memory_space<vmem>>, %arg9: memref<80x256xf32, #tpu.memory_space<vmem>>, %arg10: memref<80xi32, #tpu.memory_space<vmem>>, %arg11: memref<80x128xf32, #tpu.memory_space<vmem>>, %arg12: memref<!tpu.dma_semaphore, #tpu.memory_space<semaphore_mem>>) attributes {dimension_semantics = [#tpu.dimension_semantics<core_parallel>, #tpu.dimension_semantics<subcore_parallel>], iteration_bounds = array<i64: 2, 16>, scalar_prefetch = 0 : i64, scratch_operands = 5 : i64, tpu.core_type = #tpu.core_type<sc_vector_subcore>, window_params = [{transform_indices = #map}, {transform_indices = #map1}, {transform_indices = #map}, {transform_indices = #map1}, {transform_indices = #map}, {transform_indices = #map}]} {
    %mul3A = arith.constant 2 : i32
    %mul3A_0 = arith.muli %arg1, %mul3A : i32
    %add3A = arith.addi %mul3A_0, %arg0 : i32
    %scan3A = arith.constant 0 : i32
    %scan3A_1 = arith.constant 0 : i32
    %scan3A_2 = arith.constant 125 : i32
    %scan3A_3 = arith.addi %scan3A_1, %scan3A_2 : i32
    %scan3A_4 = arith.constant 1 : i32
    scf.for %scan3A_17 = %scan3A_1 to %scan3A_3 step %scan3A_4  : i32 {
      %mul3A_18 = arith.constant 10000 : i32
      %mul3A_19 = arith.muli %add3A, %mul3A_18 : i32
      %mul3A_20 = arith.constant 80 : i32
      %mul3A_21 = arith.muli %scan3A_17, %mul3A_20 : i32
      %add3A_22 = arith.addi %mul3A_19, %mul3A_21 : i32
      %dma_start3A = tpu.memref_slice %arg3[%add3A_22] : memref<320000xi32, #tpu.memory_space<hbm>> -> memref<80xi32, #tpu.memory_space<hbm>>
      %dma_start3A_23 = tpu.memref_slice %arg3[%add3A_22] : memref<320000xi32, #tpu.memory_space<hbm>> -> memref<80xi32, #tpu.memory_space<hbm>>
      tpu.enqueue_dma source(%dma_start3A_23 : memref<80xi32, #tpu.memory_space<hbm>>) target(%arg8 : memref<80xi32, #tpu.memory_space<vmem>>) target_semaphore(%arg12 : memref<!tpu.dma_semaphore, #tpu.memory_space<semaphore_mem>>)
      %dma_start3A_24 = tpu.memref_slice %arg5[%add3A_22] : memref<320000xi32, #tpu.memory_space<hbm>> -> memref<80xi32, #tpu.memory_space<hbm>>
      %dma_start3A_25 = tpu.memref_slice %arg5[%add3A_22] : memref<320000xi32, #tpu.memory_space<hbm>> -> memref<80xi32, #tpu.memory_space<hbm>>
      tpu.enqueue_dma source(%dma_start3A_25 : memref<80xi32, #tpu.memory_space<hbm>>) target(%arg10 : memref<80xi32, #tpu.memory_space<vmem>>) target_semaphore(%arg12 : memref<!tpu.dma_semaphore, #tpu.memory_space<semaphore_mem>>)
      %dma_wait3A_26 = tpu.memref_slice %arg3[%add3A_22] : memref<320000xi32, #tpu.memory_space<hbm>> -> memref<80xi32, #tpu.memory_space<hbm>>
      %dma_wait3A_27 = tpu.memref_slice %arg3[%add3A_22] : memref<320000xi32, #tpu.memory_space<hbm>> -> memref<80xi32, #tpu.memory_space<hbm>>
      tpu.wait_dma2 semaphore(%arg12 : memref<!tpu.dma_semaphore, #tpu.memory_space<semaphore_mem>>) src(%dma_wait3A_27 : memref<80xi32, #tpu.memory_space<hbm>>) dst(%arg8 : memref<80xi32, #tpu.memory_space<vmem>>)
      %dma_wait3A_28 = tpu.memref_slice %arg5[%add3A_22] : memref<320000xi32, #tpu.memory_space<hbm>> -> memref<80xi32, #tpu.memory_space<hbm>>
      %dma_wait3A_29 = tpu.memref_slice %arg5[%add3A_22] : memref<320000xi32, #tpu.memory_space<hbm>> -> memref<80xi32, #tpu.memory_space<hbm>>
      tpu.wait_dma2 semaphore(%arg12 : memref<!tpu.dma_semaphore, #tpu.memory_space<semaphore_mem>>) src(%dma_wait3A_29 : memref<80xi32, #tpu.memory_space<hbm>>) dst(%arg10 : memref<80xi32, #tpu.memory_space<vmem>>)
      %gt3A = arith.constant 0 : i32
      %gt3A_30 = arith.cmpi sgt, %scan3A_17, %gt3A : i32
      %convert_element_type3A = arith.extui %gt3A_30 : i1 to i32
      %cond3A = arith.constant 0 : i32
      %cond3A_31 = arith.cmpi ne, %convert_element_type3A, %cond3A : i32
      scf.if %cond3A_31 {
        %dma_wait3A_52 = arith.constant 0 : i32
        %dma_wait3A_53 = arith.constant 0 : i32
        %dma_wait3A_54 = tpu.memref_slice %arg6[%dma_wait3A_52, %dma_wait3A_53] : memref<320000x256xf32, #tpu.memory_space<hbm>> -> memref<80x256xf32, #tpu.memory_space<hbm>>
        %dma_wait3A_55 = arith.constant 0 : i32
        %dma_wait3A_56 = arith.constant 0 : i32
        %dma_wait3A_57 = tpu.memref_slice %arg6[%dma_wait3A_55, %dma_wait3A_56] : memref<320000x256xf32, #tpu.memory_space<hbm>> -> memref<80x256xf32, #tpu.memory_space<hbm>>
        tpu.wait_dma2 semaphore(%arg12 : memref<!tpu.dma_semaphore, #tpu.memory_space<semaphore_mem>>) src(%dma_wait3A_57 : memref<80x256xf32, #tpu.memory_space<hbm>>) dst(%arg9 : memref<80x256xf32, #tpu.memory_space<vmem>>)
        %dma_wait3A_58 = arith.constant 0 : i32
        %dma_wait3A_59 = arith.constant 0 : i32
        %dma_wait3A_60 = tpu.memref_slice %arg7[%dma_wait3A_58, %dma_wait3A_59] : memref<320000x128xf32, #tpu.memory_space<hbm>> -> memref<80x128xf32, #tpu.memory_space<hbm>>
        %dma_wait3A_61 = arith.constant 0 : i32
        %dma_wait3A_62 = arith.constant 0 : i32
        %dma_wait3A_63 = tpu.memref_slice %arg7[%dma_wait3A_61, %dma_wait3A_62] : memref<320000x128xf32, #tpu.memory_space<hbm>> -> memref<80x128xf32, #tpu.memory_space<hbm>>
        tpu.wait_dma2 semaphore(%arg12 : memref<!tpu.dma_semaphore, #tpu.memory_space<semaphore_mem>>) src(%dma_wait3A_63 : memref<80x128xf32, #tpu.memory_space<hbm>>) dst(%arg11 : memref<80x128xf32, #tpu.memory_space<vmem>>)
      } else {
      }
      %dma_start3A_32 = arith.constant 0 : i32
      %dma_start3A_33 = arith.constant 0 : i32
      %dma_start3A_34 = tpu.memref_slice %arg2[%dma_start3A_32, %dma_start3A_33] : memref<10240x256xf32, #tpu.memory_space<hbm>> -> memref<10240x256xf32, #tpu.memory_space<hbm>>
      tpu.enqueue_indirect_dma source(%dma_start3A_34 : memref<10240x256xf32, #tpu.memory_space<hbm>>) target(%arg9 : memref<80x256xf32, #tpu.memory_space<vmem>>) offsets(%arg8 : memref<80xi32, #tpu.memory_space<vmem>>) semaphore(%arg12 : memref<!tpu.dma_semaphore, #tpu.memory_space<semaphore_mem>>)
      %dma_start3A_35 = arith.constant 0 : i32
      %dma_start3A_36 = arith.constant 0 : i32
      %dma_start3A_37 = tpu.memref_slice %arg4[%dma_start3A_35, %dma_start3A_36] : memref<10240x128xf32, #tpu.memory_space<hbm>> -> memref<10240x128xf32, #tpu.memory_space<hbm>>
      tpu.enqueue_indirect_dma source(%dma_start3A_37 : memref<10240x128xf32, #tpu.memory_space<hbm>>) target(%arg11 : memref<80x128xf32, #tpu.memory_space<vmem>>) offsets(%arg10 : memref<80xi32, #tpu.memory_space<vmem>>) semaphore(%arg12 : memref<!tpu.dma_semaphore, #tpu.memory_space<semaphore_mem>>)
      %dma_wait3A_38 = arith.constant 0 : i32
      %dma_wait3A_39 = arith.constant 0 : i32
      %dma_wait3A_40 = tpu.memref_slice %arg2[%dma_wait3A_38, %dma_wait3A_39] : memref<10240x256xf32, #tpu.memory_space<hbm>> -> memref<10240x256xf32, #tpu.memory_space<hbm>>
      tpu.wait_indirect_dma semaphore(%arg12 : memref<!tpu.dma_semaphore, #tpu.memory_space<semaphore_mem>>) src(%dma_wait3A_40 : memref<10240x256xf32, #tpu.memory_space<hbm>>) dst(%arg9 : memref<80x256xf32, #tpu.memory_space<vmem>>)
      %dma_wait3A_41 = arith.constant 0 : i32
      %dma_wait3A_42 = arith.constant 0 : i32
      %dma_wait3A_43 = tpu.memref_slice %arg4[%dma_wait3A_41, %dma_wait3A_42] : memref<10240x128xf32, #tpu.memory_space<hbm>> -> memref<10240x128xf32, #tpu.memory_space<hbm>>
      tpu.wait_indirect_dma semaphore(%arg12 : memref<!tpu.dma_semaphore, #tpu.memory_space<semaphore_mem>>) src(%dma_wait3A_43 : memref<10240x128xf32, #tpu.memory_space<hbm>>) dst(%arg11 : memref<80x128xf32, #tpu.memory_space<vmem>>)
      %dma_start3A_44 = arith.constant 0 : i32
      %dma_start3A_45 = tpu.memref_slice %arg6[%add3A_22, %dma_start3A_44] : memref<320000x256xf32, #tpu.memory_space<hbm>> -> memref<80x256xf32, #tpu.memory_space<hbm>>
      %dma_start3A_46 = arith.constant 0 : i32
      %dma_start3A_47 = tpu.memref_slice %arg6[%add3A_22, %dma_start3A_46] : memref<320000x256xf32, #tpu.memory_space<hbm>> -> memref<80x256xf32, #tpu.memory_space<hbm>>
      tpu.enqueue_dma source(%arg9 : memref<80x256xf32, #tpu.memory_space<vmem>>) target(%dma_start3A_47 : memref<80x256xf32, #tpu.memory_space<hbm>>) target_semaphore(%arg12 : memref<!tpu.dma_semaphore, #tpu.memory_space<semaphore_mem>>)
      %dma_start3A_48 = arith.constant 0 : i32
      %dma_start3A_49 = tpu.memref_slice %arg7[%add3A_22, %dma_start3A_48] : memref<320000x128xf32, #tpu.memory_space<hbm>> -> memref<80x128xf32, #tpu.memory_space<hbm>>
      %dma_start3A_50 = arith.constant 0 : i32
      %dma_start3A_51 = tpu.memref_slice %arg7[%add3A_22, %dma_start3A_50] : memref<320000x128xf32, #tpu.memory_space<hbm>> -> memref<80x128xf32, #tpu.memory_space<hbm>>
      tpu.enqueue_dma source(%arg11 : memref<80x128xf32, #tpu.memory_space<vmem>>) target(%dma_start3A_51 : memref<80x128xf32, #tpu.memory_space<hbm>>) target_semaphore(%arg12 : memref<!tpu.dma_semaphore, #tpu.memory_space<semaphore_mem>>)
    }
    %scan3A_5 = arith.constant 125 : i32
    %dma_wait3A = arith.constant 0 : i32
    %dma_wait3A_6 = arith.constant 0 : i32
    %dma_wait3A_7 = tpu.memref_slice %arg6[%dma_wait3A, %dma_wait3A_6] : memref<320000x256xf32, #tpu.memory_space<hbm>> -> memref<80x256xf32, #tpu.memory_space<hbm>>
    %dma_wait3A_8 = arith.constant 0 : i32
    %dma_wait3A_9 = arith.constant 0 : i32
    %dma_wait3A_10 = tpu.memref_slice %arg6[%dma_wait3A_8, %dma_wait3A_9] : memref<320000x256xf32, #tpu.memory_space<hbm>> -> memref<80x256xf32, #tpu.memory_space<hbm>>
    tpu.wait_dma2 semaphore(%arg12 : memref<!tpu.dma_semaphore, #tpu.memory_space<semaphore_mem>>) src(%dma_wait3A_10 : memref<80x256xf32, #tpu.memory_space<hbm>>) dst(%arg9 : memref<80x256xf32, #tpu.memory_space<vmem>>)
    %dma_wait3A_11 = arith.constant 0 : i32
    %dma_wait3A_12 = arith.constant 0 : i32
    %dma_wait3A_13 = tpu.memref_slice %arg7[%dma_wait3A_11, %dma_wait3A_12] : memref<320000x128xf32, #tpu.memory_space<hbm>> -> memref<80x128xf32, #tpu.memory_space<hbm>>
    %dma_wait3A_14 = arith.constant 0 : i32
    %dma_wait3A_15 = arith.constant 0 : i32
    %dma_wait3A_16 = tpu.memref_slice %arg7[%dma_wait3A_14, %dma_wait3A_15] : memref<320000x128xf32, #tpu.memory_space<hbm>> -> memref<80x128xf32, #tpu.memory_space<hbm>>
    tpu.wait_dma2 semaphore(%arg12 : memref<!tpu.dma_semaphore, #tpu.memory_space<semaphore_mem>>) src(%dma_wait3A_16 : memref<80x128xf32, #tpu.memory_space<hbm>>) dst(%arg11 : memref<80x128xf32, #tpu.memory_space<vmem>>)
    return
  }
}

#map = affine_map<(d0, d1) -> (0, 0)>
#map1 = affine_map<(d0, d1) -> (0)>
#map2 = affine_map<(d0, d1) -> (0, 0, 0)>
module attributes {stable_mosaic.version = 14 : i64} {
  func.func @k(%arg0: i32, %arg1: i32, %arg2: memref<320000x128xf32, #tpu.memory_space<hbm>>, %arg3: memref<320000x128xf32, #tpu.memory_space<hbm>>, %arg4: memref<320000xi32, #tpu.memory_space<hbm>>, %arg5: memref<320000xi32, #tpu.memory_space<hbm>>, %arg6: memref<640x128xf32, #tpu.memory_space<hbm>>, %arg7: memref<320x128xf32, #tpu.memory_space<hbm>>, %arg8: memref<2x10240x128xf32, #tpu.memory_space<hbm>>, %arg9: memref<2x320x128xf32, #tpu.memory_space<hbm>>, %arg10: memref<80xi32, #tpu.memory_space<vmem>>, %arg11: memref<80xi32, #tpu.memory_space<vmem>>, %arg12: memref<80x128xf32, #tpu.memory_space<vmem>>, %arg13: memref<80x128xf32, #tpu.memory_space<vmem>>, %arg14: memref<10240x128xf32, #tpu.memory_space<vmem_shared>>, %arg15: memref<320x128xf32, #tpu.memory_space<vmem_shared>>, %arg16: memref<!tpu.dma_semaphore, #tpu.memory_space<semaphore_mem>>) attributes {dimension_semantics = [#tpu.dimension_semantics<core_parallel>, #tpu.dimension_semantics<subcore_parallel>], iteration_bounds = array<i64: 2, 16>, scalar_prefetch = 0 : i64, scratch_operands = 7 : i64, tpu.core_type = #tpu.core_type<sc_vector_subcore>, window_params = [{transform_indices = #map}, {transform_indices = #map}, {transform_indices = #map1}, {transform_indices = #map1}, {transform_indices = #map}, {transform_indices = #map}, {transform_indices = #map2}, {transform_indices = #map2}]} {
    %mul3A = arith.constant 2 : i32
    %mul3A_0 = arith.muli %arg1, %mul3A : i32
    %add3A = arith.addi %mul3A_0, %arg0 : i32
    %mul3A_1 = arith.constant 640 : i32
    %mul3A_2 = arith.muli %arg1, %mul3A_1 : i32
    "tpu.region"() ({
      %run_scoped3A = tpu.sem_alloc : memref<!tpu.dma_semaphore, #tpu.memory_space<semaphore_mem>>
      %dma_start3A = arith.constant 0 : i32
      %dma_start3A_27 = tpu.memref_slice %arg14[%mul3A_2, %dma_start3A] : memref<10240x128xf32, #tpu.memory_space<vmem_shared>> -> memref<640x128xf32, #tpu.memory_space<vmem_shared>>
      tpu.enqueue_dma source(%arg6 : memref<640x128xf32, #tpu.memory_space<hbm>>) target(%dma_start3A_27 : memref<640x128xf32, #tpu.memory_space<vmem_shared>>) target_semaphore(%run_scoped3A : memref<!tpu.dma_semaphore, #tpu.memory_space<semaphore_mem>>)
      %dma_wait3A_28 = arith.constant 0 : i32
      %dma_wait3A_29 = tpu.memref_slice %arg14[%mul3A_2, %dma_wait3A_28] : memref<10240x128xf32, #tpu.memory_space<vmem_shared>> -> memref<640x128xf32, #tpu.memory_space<vmem_shared>>
      tpu.wait_dma2 semaphore(%run_scoped3A : memref<!tpu.dma_semaphore, #tpu.memory_space<semaphore_mem>>) src(%arg6 : memref<640x128xf32, #tpu.memory_space<hbm>>) dst(%dma_wait3A_29 : memref<640x128xf32, #tpu.memory_space<vmem_shared>>)
      tpu.yield
    }) : () -> ()
    %eq3A = arith.constant 0 : i32
    %eq3A_3 = arith.cmpi eq, %arg1, %eq3A : i32
    %convert_element_type3A = arith.extui %eq3A_3 : i1 to i32
    %cond3A = arith.constant 0 : i32
    %cond3A_4 = arith.cmpi ne, %convert_element_type3A, %cond3A : i32
    scf.if %cond3A_4 {
      "tpu.region"() ({
        %run_scoped3A = tpu.sem_alloc : memref<!tpu.dma_semaphore, #tpu.memory_space<semaphore_mem>>
        tpu.enqueue_dma source(%arg7 : memref<320x128xf32, #tpu.memory_space<hbm>>) target(%arg15 : memref<320x128xf32, #tpu.memory_space<vmem_shared>>) target_semaphore(%run_scoped3A : memref<!tpu.dma_semaphore, #tpu.memory_space<semaphore_mem>>)
        tpu.wait_dma2 semaphore(%run_scoped3A : memref<!tpu.dma_semaphore, #tpu.memory_space<semaphore_mem>>) src(%arg7 : memref<320x128xf32, #tpu.memory_space<hbm>>) dst(%arg15 : memref<320x128xf32, #tpu.memory_space<vmem_shared>>)
        tpu.yield
      }) : () -> ()
    } else {
    }
    %barrier3A = arith.constant 0 : index
    tpu.barrier barrier_id(%barrier3A)
    %scan3A = arith.constant 0 : i32
    %scan3A_5 = arith.constant 0 : i32
    %scan3A_6 = arith.constant 125 : i32
    %scan3A_7 = arith.addi %scan3A_5, %scan3A_6 : i32
    %scan3A_8 = arith.constant 1 : i32
    scf.for %scan3A_27 = %scan3A_5 to %scan3A_7 step %scan3A_8  : i32 {
      %gt3A = arith.constant 0 : i32
      %gt3A_28 = arith.cmpi sgt, %scan3A_27, %gt3A : i32
      %convert_element_type3A_29 = arith.extui %gt3A_28 : i1 to i32
      %cond3A_30 = arith.constant 0 : i32
      %cond3A_31 = arith.cmpi ne, %convert_element_type3A_29, %cond3A_30 : i32
      scf.if %cond3A_31 {
        %dma_wait3A_66 = arith.constant 0 : i32
        %dma_wait3A_67 = arith.constant 0 : i32
        %dma_wait3A_68 = tpu.memref_slice %arg2[%dma_wait3A_66, %dma_wait3A_67] : memref<320000x128xf32, #tpu.memory_space<hbm>> -> memref<80x128xf32, #tpu.memory_space<hbm>>
        %dma_wait3A_69 = arith.constant 0 : i32
        %dma_wait3A_70 = arith.constant 0 : i32
        %dma_wait3A_71 = tpu.memref_slice %arg2[%dma_wait3A_69, %dma_wait3A_70] : memref<320000x128xf32, #tpu.memory_space<hbm>> -> memref<80x128xf32, #tpu.memory_space<hbm>>
        tpu.wait_dma2 semaphore(%arg16 : memref<!tpu.dma_semaphore, #tpu.memory_space<semaphore_mem>>) src(%dma_wait3A_71 : memref<80x128xf32, #tpu.memory_space<hbm>>) dst(%arg12 : memref<80x128xf32, #tpu.memory_space<vmem>>)
        %dma_wait3A_72 = arith.constant 0 : i32
        %dma_wait3A_73 = arith.constant 0 : i32
        %dma_wait3A_74 = tpu.memref_slice %arg3[%dma_wait3A_72, %dma_wait3A_73] : memref<320000x128xf32, #tpu.memory_space<hbm>> -> memref<80x128xf32, #tpu.memory_space<hbm>>
        %dma_wait3A_75 = arith.constant 0 : i32
        %dma_wait3A_76 = arith.constant 0 : i32
        %dma_wait3A_77 = tpu.memref_slice %arg3[%dma_wait3A_75, %dma_wait3A_76] : memref<320000x128xf32, #tpu.memory_space<hbm>> -> memref<80x128xf32, #tpu.memory_space<hbm>>
        tpu.wait_dma2 semaphore(%arg16 : memref<!tpu.dma_semaphore, #tpu.memory_space<semaphore_mem>>) src(%dma_wait3A_77 : memref<80x128xf32, #tpu.memory_space<hbm>>) dst(%arg13 : memref<80x128xf32, #tpu.memory_space<vmem>>)
      } else {
      }
      %mul3A_32 = arith.constant 10000 : i32
      %mul3A_33 = arith.muli %add3A, %mul3A_32 : i32
      %mul3A_34 = arith.constant 80 : i32
      %mul3A_35 = arith.muli %scan3A_27, %mul3A_34 : i32
      %add3A_36 = arith.addi %mul3A_33, %mul3A_35 : i32
      %dma_start3A = tpu.memref_slice %arg4[%add3A_36] : memref<320000xi32, #tpu.memory_space<hbm>> -> memref<80xi32, #tpu.memory_space<hbm>>
      %dma_start3A_37 = tpu.memref_slice %arg4[%add3A_36] : memref<320000xi32, #tpu.memory_space<hbm>> -> memref<80xi32, #tpu.memory_space<hbm>>
      tpu.enqueue_dma source(%dma_start3A_37 : memref<80xi32, #tpu.memory_space<hbm>>) target(%arg10 : memref<80xi32, #tpu.memory_space<vmem>>) target_semaphore(%arg16 : memref<!tpu.dma_semaphore, #tpu.memory_space<semaphore_mem>>)
      %dma_start3A_38 = tpu.memref_slice %arg5[%add3A_36] : memref<320000xi32, #tpu.memory_space<hbm>> -> memref<80xi32, #tpu.memory_space<hbm>>
      %dma_start3A_39 = tpu.memref_slice %arg5[%add3A_36] : memref<320000xi32, #tpu.memory_space<hbm>> -> memref<80xi32, #tpu.memory_space<hbm>>
      tpu.enqueue_dma source(%dma_start3A_39 : memref<80xi32, #tpu.memory_space<hbm>>) target(%arg11 : memref<80xi32, #tpu.memory_space<vmem>>) target_semaphore(%arg16 : memref<!tpu.dma_semaphore, #tpu.memory_space<semaphore_mem>>)
      %dma_start3A_40 = arith.constant 0 : i32
      %dma_start3A_41 = tpu.memref_slice %arg2[%add3A_36, %dma_start3A_40] : memref<320000x128xf32, #tpu.memory_space<hbm>> -> memref<80x128xf32, #tpu.memory_space<hbm>>
      %dma_start3A_42 = arith.constant 0 : i32
      %dma_start3A_43 = tpu.memref_slice %arg2[%add3A_36, %dma_start3A_42] : memref<320000x128xf32, #tpu.memory_space<hbm>> -> memref<80x128xf32, #tpu.memory_space<hbm>>
      tpu.enqueue_dma source(%dma_start3A_43 : memref<80x128xf32, #tpu.memory_space<hbm>>) target(%arg12 : memref<80x128xf32, #tpu.memory_space<vmem>>) target_semaphore(%arg16 : memref<!tpu.dma_semaphore, #tpu.memory_space<semaphore_mem>>)
      %dma_start3A_44 = arith.constant 0 : i32
      %dma_start3A_45 = tpu.memref_slice %arg3[%add3A_36, %dma_start3A_44] : memref<320000x128xf32, #tpu.memory_space<hbm>> -> memref<80x128xf32, #tpu.memory_space<hbm>>
      %dma_start3A_46 = arith.constant 0 : i32
      %dma_start3A_47 = tpu.memref_slice %arg3[%add3A_36, %dma_start3A_46] : memref<320000x128xf32, #tpu.memory_space<hbm>> -> memref<80x128xf32, #tpu.memory_space<hbm>>
      tpu.enqueue_dma source(%dma_start3A_47 : memref<80x128xf32, #tpu.memory_space<hbm>>) target(%arg13 : memref<80x128xf32, #tpu.memory_space<vmem>>) target_semaphore(%arg16 : memref<!tpu.dma_semaphore, #tpu.memory_space<semaphore_mem>>)
      %dma_wait3A_48 = tpu.memref_slice %arg4[%add3A_36] : memref<320000xi32, #tpu.memory_space<hbm>> -> memref<80xi32, #tpu.memory_space<hbm>>
      %dma_wait3A_49 = tpu.memref_slice %arg4[%add3A_36] : memref<320000xi32, #tpu.memory_space<hbm>> -> memref<80xi32, #tpu.memory_space<hbm>>
      tpu.wait_dma2 semaphore(%arg16 : memref<!tpu.dma_semaphore, #tpu.memory_space<semaphore_mem>>) src(%dma_wait3A_49 : memref<80xi32, #tpu.memory_space<hbm>>) dst(%arg10 : memref<80xi32, #tpu.memory_space<vmem>>)
      %dma_wait3A_50 = tpu.memref_slice %arg5[%add3A_36] : memref<320000xi32, #tpu.memory_space<hbm>> -> memref<80xi32, #tpu.memory_space<hbm>>
      %dma_wait3A_51 = tpu.memref_slice %arg5[%add3A_36] : memref<320000xi32, #tpu.memory_space<hbm>> -> memref<80xi32, #tpu.memory_space<hbm>>
      tpu.wait_dma2 semaphore(%arg16 : memref<!tpu.dma_semaphore, #tpu.memory_space<semaphore_mem>>) src(%dma_wait3A_51 : memref<80xi32, #tpu.memory_space<hbm>>) dst(%arg11 : memref<80xi32, #tpu.memory_space<vmem>>)
      %dma_wait3A_52 = arith.constant 0 : i32
      %dma_wait3A_53 = tpu.memref_slice %arg2[%add3A_36, %dma_wait3A_52] : memref<320000x128xf32, #tpu.memory_space<hbm>> -> memref<80x128xf32, #tpu.memory_space<hbm>>
      %dma_wait3A_54 = arith.constant 0 : i32
      %dma_wait3A_55 = tpu.memref_slice %arg2[%add3A_36, %dma_wait3A_54] : memref<320000x128xf32, #tpu.memory_space<hbm>> -> memref<80x128xf32, #tpu.memory_space<hbm>>
      tpu.wait_dma2 semaphore(%arg16 : memref<!tpu.dma_semaphore, #tpu.memory_space<semaphore_mem>>) src(%dma_wait3A_55 : memref<80x128xf32, #tpu.memory_space<hbm>>) dst(%arg12 : memref<80x128xf32, #tpu.memory_space<vmem>>)
      %dma_wait3A_56 = arith.constant 0 : i32
      %dma_wait3A_57 = tpu.memref_slice %arg3[%add3A_36, %dma_wait3A_56] : memref<320000x128xf32, #tpu.memory_space<hbm>> -> memref<80x128xf32, #tpu.memory_space<hbm>>
      %dma_wait3A_58 = arith.constant 0 : i32
      %dma_wait3A_59 = tpu.memref_slice %arg3[%add3A_36, %dma_wait3A_58] : memref<320000x128xf32, #tpu.memory_space<hbm>> -> memref<80x128xf32, #tpu.memory_space<hbm>>
      tpu.wait_dma2 semaphore(%arg16 : memref<!tpu.dma_semaphore, #tpu.memory_space<semaphore_mem>>) src(%dma_wait3A_59 : memref<80x128xf32, #tpu.memory_space<hbm>>) dst(%arg13 : memref<80x128xf32, #tpu.memory_space<vmem>>)
      %dma_start3A_60 = arith.constant 0 : i32
      %dma_start3A_61 = arith.constant 0 : i32
      %dma_start3A_62 = tpu.memref_slice %arg14[%dma_start3A_60, %dma_start3A_61] : memref<10240x128xf32, #tpu.memory_space<vmem_shared>> -> memref<10240x128xf32, #tpu.memory_space<vmem_shared>>
      tpu.enqueue_indirect_dma source(%arg12 : memref<80x128xf32, #tpu.memory_space<vmem>>) target(%dma_start3A_62 : memref<10240x128xf32, #tpu.memory_space<vmem_shared>>) offsets(%arg10 : memref<80xi32, #tpu.memory_space<vmem>>) semaphore(%arg16 : memref<!tpu.dma_semaphore, #tpu.memory_space<semaphore_mem>>) {add = true}
      %dma_start3A_63 = arith.constant 0 : i32
      %dma_start3A_64 = arith.constant 0 : i32
      %dma_start3A_65 = tpu.memref_slice %arg15[%dma_start3A_63, %dma_start3A_64] : memref<320x128xf32, #tpu.memory_space<vmem_shared>> -> memref<320x128xf32, #tpu.memory_space<vmem_shared>>
      tpu.enqueue_indirect_dma source(%arg13 : memref<80x128xf32, #tpu.memory_space<vmem>>) target(%dma_start3A_65 : memref<320x128xf32, #tpu.memory_space<vmem_shared>>) offsets(%arg11 : memref<80xi32, #tpu.memory_space<vmem>>) semaphore(%arg16 : memref<!tpu.dma_semaphore, #tpu.memory_space<semaphore_mem>>) {add = true}
    }
    %scan3A_9 = arith.constant 125 : i32
    %dma_wait3A = arith.constant 0 : i32
    %dma_wait3A_10 = arith.constant 0 : i32
    %dma_wait3A_11 = tpu.memref_slice %arg2[%dma_wait3A, %dma_wait3A_10] : memref<320000x128xf32, #tpu.memory_space<hbm>> -> memref<80x128xf32, #tpu.memory_space<hbm>>
    %dma_wait3A_12 = arith.constant 0 : i32
    %dma_wait3A_13 = arith.constant 0 : i32
    %dma_wait3A_14 = tpu.memref_slice %arg2[%dma_wait3A_12, %dma_wait3A_13] : memref<320000x128xf32, #tpu.memory_space<hbm>> -> memref<80x128xf32, #tpu.memory_space<hbm>>
    tpu.wait_dma2 semaphore(%arg16 : memref<!tpu.dma_semaphore, #tpu.memory_space<semaphore_mem>>) src(%dma_wait3A_14 : memref<80x128xf32, #tpu.memory_space<hbm>>) dst(%arg12 : memref<80x128xf32, #tpu.memory_space<vmem>>)
    %dma_wait3A_15 = arith.constant 0 : i32
    %dma_wait3A_16 = arith.constant 0 : i32
    %dma_wait3A_17 = tpu.memref_slice %arg3[%dma_wait3A_15, %dma_wait3A_16] : memref<320000x128xf32, #tpu.memory_space<hbm>> -> memref<80x128xf32, #tpu.memory_space<hbm>>
    %dma_wait3A_18 = arith.constant 0 : i32
    %dma_wait3A_19 = arith.constant 0 : i32
    %dma_wait3A_20 = tpu.memref_slice %arg3[%dma_wait3A_18, %dma_wait3A_19] : memref<320000x128xf32, #tpu.memory_space<hbm>> -> memref<80x128xf32, #tpu.memory_space<hbm>>
    tpu.wait_dma2 semaphore(%arg16 : memref<!tpu.dma_semaphore, #tpu.memory_space<semaphore_mem>>) src(%dma_wait3A_20 : memref<80x128xf32, #tpu.memory_space<hbm>>) dst(%arg13 : memref<80x128xf32, #tpu.memory_space<vmem>>)
    %barrier3A_21 = arith.constant 0 : index
    tpu.barrier barrier_id(%barrier3A_21)
    "tpu.region"() ({
      %run_scoped3A = tpu.sem_alloc : memref<!tpu.dma_semaphore, #tpu.memory_space<semaphore_mem>>
      %dma_start3A = arith.constant 0 : i32
      %dma_start3A_27 = tpu.memref_slice %arg8[%arg0, %mul3A_2, %dma_start3A] : memref<2x10240x128xf32, #tpu.memory_space<hbm>> -> memref<1x640x128xf32, #tpu.memory_space<hbm>>
      %dma_start3A_28 = tpu.memref_squeeze %dma_start3A_27 : memref<1x640x128xf32, #tpu.memory_space<hbm>> -> memref<640x128xf32, #tpu.memory_space<hbm>>
      %dma_start3A_29 = arith.constant 0 : i32
      %dma_start3A_30 = tpu.memref_slice %arg14[%mul3A_2, %dma_start3A_29] : memref<10240x128xf32, #tpu.memory_space<vmem_shared>> -> memref<640x128xf32, #tpu.memory_space<vmem_shared>>
      tpu.enqueue_dma source(%dma_start3A_30 : memref<640x128xf32, #tpu.memory_space<vmem_shared>>) target(%dma_start3A_28 : memref<640x128xf32, #tpu.memory_space<hbm>>) target_semaphore(%run_scoped3A : memref<!tpu.dma_semaphore, #tpu.memory_space<semaphore_mem>>)
      %dma_wait3A_31 = arith.constant 0 : i32
      %dma_wait3A_32 = tpu.memref_slice %arg8[%arg0, %mul3A_2, %dma_wait3A_31] : memref<2x10240x128xf32, #tpu.memory_space<hbm>> -> memref<1x640x128xf32, #tpu.memory_space<hbm>>
      %dma_wait3A_33 = tpu.memref_squeeze %dma_wait3A_32 : memref<1x640x128xf32, #tpu.memory_space<hbm>> -> memref<640x128xf32, #tpu.memory_space<hbm>>
      %dma_wait3A_34 = arith.constant 0 : i32
      %dma_wait3A_35 = tpu.memref_slice %arg14[%mul3A_2, %dma_wait3A_34] : memref<10240x128xf32, #tpu.memory_space<vmem_shared>> -> memref<640x128xf32, #tpu.memory_space<vmem_shared>>
      tpu.wait_dma2 semaphore(%run_scoped3A : memref<!tpu.dma_semaphore, #tpu.memory_space<semaphore_mem>>) src(%dma_wait3A_35 : memref<640x128xf32, #tpu.memory_space<vmem_shared>>) dst(%dma_wait3A_33 : memref<640x128xf32, #tpu.memory_space<hbm>>)
      tpu.yield
    }) : () -> ()
    %eq3A_22 = arith.constant 0 : i32
    %eq3A_23 = arith.cmpi eq, %arg1, %eq3A_22 : i32
    %convert_element_type3A_24 = arith.extui %eq3A_23 : i1 to i32
    %cond3A_25 = arith.constant 0 : i32
    %cond3A_26 = arith.cmpi ne, %convert_element_type3A_24, %cond3A_25 : i32
    scf.if %cond3A_26 {
      "tpu.region"() ({
        %run_scoped3A = tpu.sem_alloc : memref<!tpu.dma_semaphore, #tpu.memory_space<semaphore_mem>>
        %dma_start3A = arith.constant 0 : i32
        %dma_start3A_27 = arith.constant 0 : i32
        %dma_start3A_28 = tpu.memref_slice %arg9[%arg0, %dma_start3A, %dma_start3A_27] : memref<2x320x128xf32, #tpu.memory_space<hbm>> -> memref<1x320x128xf32, #tpu.memory_space<hbm>>
        %dma_start3A_29 = tpu.memref_squeeze %dma_start3A_28 : memref<1x320x128xf32, #tpu.memory_space<hbm>> -> memref<320x128xf32, #tpu.memory_space<hbm>>
        tpu.enqueue_dma source(%arg15 : memref<320x128xf32, #tpu.memory_space<vmem_shared>>) target(%dma_start3A_29 : memref<320x128xf32, #tpu.memory_space<hbm>>) target_semaphore(%run_scoped3A : memref<!tpu.dma_semaphore, #tpu.memory_space<semaphore_mem>>)
        %dma_wait3A_30 = arith.constant 0 : i32
        %dma_wait3A_31 = arith.constant 0 : i32
        %dma_wait3A_32 = tpu.memref_slice %arg9[%arg0, %dma_wait3A_30, %dma_wait3A_31] : memref<2x320x128xf32, #tpu.memory_space<hbm>> -> memref<1x320x128xf32, #tpu.memory_space<hbm>>
        %dma_wait3A_33 = tpu.memref_squeeze %dma_wait3A_32 : memref<1x320x128xf32, #tpu.memory_space<hbm>> -> memref<320x128xf32, #tpu.memory_space<hbm>>
        tpu.wait_dma2 semaphore(%run_scoped3A : memref<!tpu.dma_semaphore, #tpu.memory_space<semaphore_mem>>) src(%arg15 : memref<320x128xf32, #tpu.memory_space<vmem_shared>>) dst(%dma_wait3A_33 : memref<320x128xf32, #tpu.memory_space<hbm>>)
        tpu.yield
      }) : () -> ()
    } else {
    }
    return
  }
}

#map = affine_map<(d0, d1) -> (0, 0)>
#map1 = affine_map<(d0, d1) -> (0)>
module attributes {stable_mosaic.version = 14 : i64} {
  func.func @k(%arg0: i32, %arg1: i32, %arg2: memref<10240x128xf32, #tpu.memory_space<hbm>>, %arg3: memref<320000xi32, #tpu.memory_space<hbm>>, %arg4: memref<10240x128xf32, #tpu.memory_space<hbm>>, %arg5: memref<320000xi32, #tpu.memory_space<hbm>>, %arg6: memref<320000x128xf32, #tpu.memory_space<hbm>>, %arg7: memref<320000x128xf32, #tpu.memory_space<hbm>>, %arg8: memref<80xi32, #tpu.memory_space<vmem>>, %arg9: memref<80x128xf32, #tpu.memory_space<vmem>>, %arg10: memref<80xi32, #tpu.memory_space<vmem>>, %arg11: memref<80x128xf32, #tpu.memory_space<vmem>>, %arg12: memref<!tpu.dma_semaphore, #tpu.memory_space<semaphore_mem>>) attributes {dimension_semantics = [#tpu.dimension_semantics<core_parallel>, #tpu.dimension_semantics<subcore_parallel>], iteration_bounds = array<i64: 2, 16>, scalar_prefetch = 0 : i64, scratch_operands = 5 : i64, tpu.core_type = #tpu.core_type<sc_vector_subcore>, window_params = [{transform_indices = #map}, {transform_indices = #map1}, {transform_indices = #map}, {transform_indices = #map1}, {transform_indices = #map}, {transform_indices = #map}]} {
    %mul3A = arith.constant 2 : i32
    %mul3A_0 = arith.muli %arg1, %mul3A : i32
    %add3A = arith.addi %mul3A_0, %arg0 : i32
    %scan3A = arith.constant 0 : i32
    %scan3A_1 = arith.constant 0 : i32
    %scan3A_2 = arith.constant 125 : i32
    %scan3A_3 = arith.addi %scan3A_1, %scan3A_2 : i32
    %scan3A_4 = arith.constant 1 : i32
    scf.for %scan3A_17 = %scan3A_1 to %scan3A_3 step %scan3A_4  : i32 {
      %mul3A_18 = arith.constant 10000 : i32
      %mul3A_19 = arith.muli %add3A, %mul3A_18 : i32
      %mul3A_20 = arith.constant 80 : i32
      %mul3A_21 = arith.muli %scan3A_17, %mul3A_20 : i32
      %add3A_22 = arith.addi %mul3A_19, %mul3A_21 : i32
      %dma_start3A = tpu.memref_slice %arg3[%add3A_22] : memref<320000xi32, #tpu.memory_space<hbm>> -> memref<80xi32, #tpu.memory_space<hbm>>
      %dma_start3A_23 = tpu.memref_slice %arg3[%add3A_22] : memref<320000xi32, #tpu.memory_space<hbm>> -> memref<80xi32, #tpu.memory_space<hbm>>
      tpu.enqueue_dma source(%dma_start3A_23 : memref<80xi32, #tpu.memory_space<hbm>>) target(%arg8 : memref<80xi32, #tpu.memory_space<vmem>>) target_semaphore(%arg12 : memref<!tpu.dma_semaphore, #tpu.memory_space<semaphore_mem>>)
      %dma_start3A_24 = tpu.memref_slice %arg5[%add3A_22] : memref<320000xi32, #tpu.memory_space<hbm>> -> memref<80xi32, #tpu.memory_space<hbm>>
      %dma_start3A_25 = tpu.memref_slice %arg5[%add3A_22] : memref<320000xi32, #tpu.memory_space<hbm>> -> memref<80xi32, #tpu.memory_space<hbm>>
      tpu.enqueue_dma source(%dma_start3A_25 : memref<80xi32, #tpu.memory_space<hbm>>) target(%arg10 : memref<80xi32, #tpu.memory_space<vmem>>) target_semaphore(%arg12 : memref<!tpu.dma_semaphore, #tpu.memory_space<semaphore_mem>>)
      %dma_wait3A_26 = tpu.memref_slice %arg3[%add3A_22] : memref<320000xi32, #tpu.memory_space<hbm>> -> memref<80xi32, #tpu.memory_space<hbm>>
      %dma_wait3A_27 = tpu.memref_slice %arg3[%add3A_22] : memref<320000xi32, #tpu.memory_space<hbm>> -> memref<80xi32, #tpu.memory_space<hbm>>
      tpu.wait_dma2 semaphore(%arg12 : memref<!tpu.dma_semaphore, #tpu.memory_space<semaphore_mem>>) src(%dma_wait3A_27 : memref<80xi32, #tpu.memory_space<hbm>>) dst(%arg8 : memref<80xi32, #tpu.memory_space<vmem>>)
      %dma_wait3A_28 = tpu.memref_slice %arg5[%add3A_22] : memref<320000xi32, #tpu.memory_space<hbm>> -> memref<80xi32, #tpu.memory_space<hbm>>
      %dma_wait3A_29 = tpu.memref_slice %arg5[%add3A_22] : memref<320000xi32, #tpu.memory_space<hbm>> -> memref<80xi32, #tpu.memory_space<hbm>>
      tpu.wait_dma2 semaphore(%arg12 : memref<!tpu.dma_semaphore, #tpu.memory_space<semaphore_mem>>) src(%dma_wait3A_29 : memref<80xi32, #tpu.memory_space<hbm>>) dst(%arg10 : memref<80xi32, #tpu.memory_space<vmem>>)
      %gt3A = arith.constant 0 : i32
      %gt3A_30 = arith.cmpi sgt, %scan3A_17, %gt3A : i32
      %convert_element_type3A = arith.extui %gt3A_30 : i1 to i32
      %cond3A = arith.constant 0 : i32
      %cond3A_31 = arith.cmpi ne, %convert_element_type3A, %cond3A : i32
      scf.if %cond3A_31 {
        %dma_wait3A_52 = arith.constant 0 : i32
        %dma_wait3A_53 = arith.constant 0 : i32
        %dma_wait3A_54 = tpu.memref_slice %arg6[%dma_wait3A_52, %dma_wait3A_53] : memref<320000x128xf32, #tpu.memory_space<hbm>> -> memref<80x128xf32, #tpu.memory_space<hbm>>
        %dma_wait3A_55 = arith.constant 0 : i32
        %dma_wait3A_56 = arith.constant 0 : i32
        %dma_wait3A_57 = tpu.memref_slice %arg6[%dma_wait3A_55, %dma_wait3A_56] : memref<320000x128xf32, #tpu.memory_space<hbm>> -> memref<80x128xf32, #tpu.memory_space<hbm>>
        tpu.wait_dma2 semaphore(%arg12 : memref<!tpu.dma_semaphore, #tpu.memory_space<semaphore_mem>>) src(%dma_wait3A_57 : memref<80x128xf32, #tpu.memory_space<hbm>>) dst(%arg9 : memref<80x128xf32, #tpu.memory_space<vmem>>)
        %dma_wait3A_58 = arith.constant 0 : i32
        %dma_wait3A_59 = arith.constant 0 : i32
        %dma_wait3A_60 = tpu.memref_slice %arg7[%dma_wait3A_58, %dma_wait3A_59] : memref<320000x128xf32, #tpu.memory_space<hbm>> -> memref<80x128xf32, #tpu.memory_space<hbm>>
        %dma_wait3A_61 = arith.constant 0 : i32
        %dma_wait3A_62 = arith.constant 0 : i32
        %dma_wait3A_63 = tpu.memref_slice %arg7[%dma_wait3A_61, %dma_wait3A_62] : memref<320000x128xf32, #tpu.memory_space<hbm>> -> memref<80x128xf32, #tpu.memory_space<hbm>>
        tpu.wait_dma2 semaphore(%arg12 : memref<!tpu.dma_semaphore, #tpu.memory_space<semaphore_mem>>) src(%dma_wait3A_63 : memref<80x128xf32, #tpu.memory_space<hbm>>) dst(%arg11 : memref<80x128xf32, #tpu.memory_space<vmem>>)
      } else {
      }
      %dma_start3A_32 = arith.constant 0 : i32
      %dma_start3A_33 = arith.constant 0 : i32
      %dma_start3A_34 = tpu.memref_slice %arg2[%dma_start3A_32, %dma_start3A_33] : memref<10240x128xf32, #tpu.memory_space<hbm>> -> memref<10240x128xf32, #tpu.memory_space<hbm>>
      tpu.enqueue_indirect_dma source(%dma_start3A_34 : memref<10240x128xf32, #tpu.memory_space<hbm>>) target(%arg9 : memref<80x128xf32, #tpu.memory_space<vmem>>) offsets(%arg8 : memref<80xi32, #tpu.memory_space<vmem>>) semaphore(%arg12 : memref<!tpu.dma_semaphore, #tpu.memory_space<semaphore_mem>>)
      %dma_start3A_35 = arith.constant 0 : i32
      %dma_start3A_36 = arith.constant 0 : i32
      %dma_start3A_37 = tpu.memref_slice %arg4[%dma_start3A_35, %dma_start3A_36] : memref<10240x128xf32, #tpu.memory_space<hbm>> -> memref<10240x128xf32, #tpu.memory_space<hbm>>
      tpu.enqueue_indirect_dma source(%dma_start3A_37 : memref<10240x128xf32, #tpu.memory_space<hbm>>) target(%arg11 : memref<80x128xf32, #tpu.memory_space<vmem>>) offsets(%arg10 : memref<80xi32, #tpu.memory_space<vmem>>) semaphore(%arg12 : memref<!tpu.dma_semaphore, #tpu.memory_space<semaphore_mem>>)
      %dma_wait3A_38 = arith.constant 0 : i32
      %dma_wait3A_39 = arith.constant 0 : i32
      %dma_wait3A_40 = tpu.memref_slice %arg2[%dma_wait3A_38, %dma_wait3A_39] : memref<10240x128xf32, #tpu.memory_space<hbm>> -> memref<10240x128xf32, #tpu.memory_space<hbm>>
      tpu.wait_indirect_dma semaphore(%arg12 : memref<!tpu.dma_semaphore, #tpu.memory_space<semaphore_mem>>) src(%dma_wait3A_40 : memref<10240x128xf32, #tpu.memory_space<hbm>>) dst(%arg9 : memref<80x128xf32, #tpu.memory_space<vmem>>)
      %dma_wait3A_41 = arith.constant 0 : i32
      %dma_wait3A_42 = arith.constant 0 : i32
      %dma_wait3A_43 = tpu.memref_slice %arg4[%dma_wait3A_41, %dma_wait3A_42] : memref<10240x128xf32, #tpu.memory_space<hbm>> -> memref<10240x128xf32, #tpu.memory_space<hbm>>
      tpu.wait_indirect_dma semaphore(%arg12 : memref<!tpu.dma_semaphore, #tpu.memory_space<semaphore_mem>>) src(%dma_wait3A_43 : memref<10240x128xf32, #tpu.memory_space<hbm>>) dst(%arg11 : memref<80x128xf32, #tpu.memory_space<vmem>>)
      %dma_start3A_44 = arith.constant 0 : i32
      %dma_start3A_45 = tpu.memref_slice %arg6[%add3A_22, %dma_start3A_44] : memref<320000x128xf32, #tpu.memory_space<hbm>> -> memref<80x128xf32, #tpu.memory_space<hbm>>
      %dma_start3A_46 = arith.constant 0 : i32
      %dma_start3A_47 = tpu.memref_slice %arg6[%add3A_22, %dma_start3A_46] : memref<320000x128xf32, #tpu.memory_space<hbm>> -> memref<80x128xf32, #tpu.memory_space<hbm>>
      tpu.enqueue_dma source(%arg9 : memref<80x128xf32, #tpu.memory_space<vmem>>) target(%dma_start3A_47 : memref<80x128xf32, #tpu.memory_space<hbm>>) target_semaphore(%arg12 : memref<!tpu.dma_semaphore, #tpu.memory_space<semaphore_mem>>)
      %dma_start3A_48 = arith.constant 0 : i32
      %dma_start3A_49 = tpu.memref_slice %arg7[%add3A_22, %dma_start3A_48] : memref<320000x128xf32, #tpu.memory_space<hbm>> -> memref<80x128xf32, #tpu.memory_space<hbm>>
      %dma_start3A_50 = arith.constant 0 : i32
      %dma_start3A_51 = tpu.memref_slice %arg7[%add3A_22, %dma_start3A_50] : memref<320000x128xf32, #tpu.memory_space<hbm>> -> memref<80x128xf32, #tpu.memory_space<hbm>>
      tpu.enqueue_dma source(%arg11 : memref<80x128xf32, #tpu.memory_space<vmem>>) target(%dma_start3A_51 : memref<80x128xf32, #tpu.memory_space<hbm>>) target_semaphore(%arg12 : memref<!tpu.dma_semaphore, #tpu.memory_space<semaphore_mem>>)
    }
    %scan3A_5 = arith.constant 125 : i32
    %dma_wait3A = arith.constant 0 : i32
    %dma_wait3A_6 = arith.constant 0 : i32
    %dma_wait3A_7 = tpu.memref_slice %arg6[%dma_wait3A, %dma_wait3A_6] : memref<320000x128xf32, #tpu.memory_space<hbm>> -> memref<80x128xf32, #tpu.memory_space<hbm>>
    %dma_wait3A_8 = arith.constant 0 : i32
    %dma_wait3A_9 = arith.constant 0 : i32
    %dma_wait3A_10 = tpu.memref_slice %arg6[%dma_wait3A_8, %dma_wait3A_9] : memref<320000x128xf32, #tpu.memory_space<hbm>> -> memref<80x128xf32, #tpu.memory_space<hbm>>
    tpu.wait_dma2 semaphore(%arg12 : memref<!tpu.dma_semaphore, #tpu.memory_space<semaphore_mem>>) src(%dma_wait3A_10 : memref<80x128xf32, #tpu.memory_space<hbm>>) dst(%arg9 : memref<80x128xf32, #tpu.memory_space<vmem>>)
    %dma_wait3A_11 = arith.constant 0 : i32
    %dma_wait3A_12 = arith.constant 0 : i32
    %dma_wait3A_13 = tpu.memref_slice %arg7[%dma_wait3A_11, %dma_wait3A_12] : memref<320000x128xf32, #tpu.memory_space<hbm>> -> memref<80x128xf32, #tpu.memory_space<hbm>>
    %dma_wait3A_14 = arith.constant 0 : i32
    %dma_wait3A_15 = arith.constant 0 : i32
    %dma_wait3A_16 = tpu.memref_slice %arg7[%dma_wait3A_14, %dma_wait3A_15] : memref<320000x128xf32, #tpu.memory_space<hbm>> -> memref<80x128xf32, #tpu.memory_space<hbm>>
    tpu.wait_dma2 semaphore(%arg12 : memref<!tpu.dma_semaphore, #tpu.memory_space<semaphore_mem>>) src(%dma_wait3A_16 : memref<80x128xf32, #tpu.memory_space<hbm>>) dst(%arg11 : memref<80x128xf32, #tpu.memory_space<vmem>>)
    return
  }
}

#map = affine_map<(d0, d1) -> (0, 0)>
#map1 = affine_map<(d0, d1) -> (0)>
#map2 = affine_map<(d0, d1) -> (0, 0, 0)>
module attributes {stable_mosaic.version = 14 : i64} {
  func.func @k(%arg0: i32, %arg1: i32, %arg2: memref<320000x128xf32, #tpu.memory_space<hbm>>, %arg3: memref<320000x128xf32, #tpu.memory_space<hbm>>, %arg4: memref<320000xi32, #tpu.memory_space<hbm>>, %arg5: memref<320000xi32, #tpu.memory_space<hbm>>, %arg6: memref<640x128xf32, #tpu.memory_space<hbm>>, %arg7: memref<320x128xf32, #tpu.memory_space<hbm>>, %arg8: memref<2x10240x128xf32, #tpu.memory_space<hbm>>, %arg9: memref<2x320x128xf32, #tpu.memory_space<hbm>>, %arg10: memref<80xi32, #tpu.memory_space<vmem>>, %arg11: memref<80xi32, #tpu.memory_space<vmem>>, %arg12: memref<80x128xf32, #tpu.memory_space<vmem>>, %arg13: memref<80x128xf32, #tpu.memory_space<vmem>>, %arg14: memref<10240x128xf32, #tpu.memory_space<vmem_shared>>, %arg15: memref<320x128xf32, #tpu.memory_space<vmem_shared>>, %arg16: memref<!tpu.dma_semaphore, #tpu.memory_space<semaphore_mem>>) attributes {dimension_semantics = [#tpu.dimension_semantics<core_parallel>, #tpu.dimension_semantics<subcore_parallel>], iteration_bounds = array<i64: 2, 16>, scalar_prefetch = 0 : i64, scratch_operands = 7 : i64, tpu.core_type = #tpu.core_type<sc_vector_subcore>, window_params = [{transform_indices = #map}, {transform_indices = #map}, {transform_indices = #map1}, {transform_indices = #map1}, {transform_indices = #map}, {transform_indices = #map}, {transform_indices = #map2}, {transform_indices = #map2}]} {
    %mul3A = arith.constant 2 : i32
    %mul3A_0 = arith.muli %arg1, %mul3A : i32
    %add3A = arith.addi %mul3A_0, %arg0 : i32
    %mul3A_1 = arith.constant 640 : i32
    %mul3A_2 = arith.muli %arg1, %mul3A_1 : i32
    "tpu.region"() ({
      %run_scoped3A = tpu.sem_alloc : memref<!tpu.dma_semaphore, #tpu.memory_space<semaphore_mem>>
      %dma_start3A = arith.constant 0 : i32
      %dma_start3A_27 = tpu.memref_slice %arg14[%mul3A_2, %dma_start3A] : memref<10240x128xf32, #tpu.memory_space<vmem_shared>> -> memref<640x128xf32, #tpu.memory_space<vmem_shared>>
      tpu.enqueue_dma source(%arg6 : memref<640x128xf32, #tpu.memory_space<hbm>>) target(%dma_start3A_27 : memref<640x128xf32, #tpu.memory_space<vmem_shared>>) target_semaphore(%run_scoped3A : memref<!tpu.dma_semaphore, #tpu.memory_space<semaphore_mem>>)
      %dma_wait3A_28 = arith.constant 0 : i32
      %dma_wait3A_29 = tpu.memref_slice %arg14[%mul3A_2, %dma_wait3A_28] : memref<10240x128xf32, #tpu.memory_space<vmem_shared>> -> memref<640x128xf32, #tpu.memory_space<vmem_shared>>
      tpu.wait_dma2 semaphore(%run_scoped3A : memref<!tpu.dma_semaphore, #tpu.memory_space<semaphore_mem>>) src(%arg6 : memref<640x128xf32, #tpu.memory_space<hbm>>) dst(%dma_wait3A_29 : memref<640x128xf32, #tpu.memory_space<vmem_shared>>)
      tpu.yield
    }) : () -> ()
    %eq3A = arith.constant 0 : i32
    %eq3A_3 = arith.cmpi eq, %arg1, %eq3A : i32
    %convert_element_type3A = arith.extui %eq3A_3 : i1 to i32
    %cond3A = arith.constant 0 : i32
    %cond3A_4 = arith.cmpi ne, %convert_element_type3A, %cond3A : i32
    scf.if %cond3A_4 {
      "tpu.region"() ({
        %run_scoped3A = tpu.sem_alloc : memref<!tpu.dma_semaphore, #tpu.memory_space<semaphore_mem>>
        tpu.enqueue_dma source(%arg7 : memref<320x128xf32, #tpu.memory_space<hbm>>) target(%arg15 : memref<320x128xf32, #tpu.memory_space<vmem_shared>>) target_semaphore(%run_scoped3A : memref<!tpu.dma_semaphore, #tpu.memory_space<semaphore_mem>>)
        tpu.wait_dma2 semaphore(%run_scoped3A : memref<!tpu.dma_semaphore, #tpu.memory_space<semaphore_mem>>) src(%arg7 : memref<320x128xf32, #tpu.memory_space<hbm>>) dst(%arg15 : memref<320x128xf32, #tpu.memory_space<vmem_shared>>)
        tpu.yield
      }) : () -> ()
    } else {
    }
    %barrier3A = arith.constant 0 : index
    tpu.barrier barrier_id(%barrier3A)
    %scan3A = arith.constant 0 : i32
    %scan3A_5 = arith.constant 0 : i32
    %scan3A_6 = arith.constant 125 : i32
    %scan3A_7 = arith.addi %scan3A_5, %scan3A_6 : i32
    %scan3A_8 = arith.constant 1 : i32
    scf.for %scan3A_27 = %scan3A_5 to %scan3A_7 step %scan3A_8  : i32 {
      %gt3A = arith.constant 0 : i32
      %gt3A_28 = arith.cmpi sgt, %scan3A_27, %gt3A : i32
      %convert_element_type3A_29 = arith.extui %gt3A_28 : i1 to i32
      %cond3A_30 = arith.constant 0 : i32
      %cond3A_31 = arith.cmpi ne, %convert_element_type3A_29, %cond3A_30 : i32
      scf.if %cond3A_31 {
        %dma_wait3A_66 = arith.constant 0 : i32
        %dma_wait3A_67 = arith.constant 0 : i32
        %dma_wait3A_68 = tpu.memref_slice %arg2[%dma_wait3A_66, %dma_wait3A_67] : memref<320000x128xf32, #tpu.memory_space<hbm>> -> memref<80x128xf32, #tpu.memory_space<hbm>>
        %dma_wait3A_69 = arith.constant 0 : i32
        %dma_wait3A_70 = arith.constant 0 : i32
        %dma_wait3A_71 = tpu.memref_slice %arg2[%dma_wait3A_69, %dma_wait3A_70] : memref<320000x128xf32, #tpu.memory_space<hbm>> -> memref<80x128xf32, #tpu.memory_space<hbm>>
        tpu.wait_dma2 semaphore(%arg16 : memref<!tpu.dma_semaphore, #tpu.memory_space<semaphore_mem>>) src(%dma_wait3A_71 : memref<80x128xf32, #tpu.memory_space<hbm>>) dst(%arg12 : memref<80x128xf32, #tpu.memory_space<vmem>>)
        %dma_wait3A_72 = arith.constant 0 : i32
        %dma_wait3A_73 = arith.constant 0 : i32
        %dma_wait3A_74 = tpu.memref_slice %arg3[%dma_wait3A_72, %dma_wait3A_73] : memref<320000x128xf32, #tpu.memory_space<hbm>> -> memref<80x128xf32, #tpu.memory_space<hbm>>
        %dma_wait3A_75 = arith.constant 0 : i32
        %dma_wait3A_76 = arith.constant 0 : i32
        %dma_wait3A_77 = tpu.memref_slice %arg3[%dma_wait3A_75, %dma_wait3A_76] : memref<320000x128xf32, #tpu.memory_space<hbm>> -> memref<80x128xf32, #tpu.memory_space<hbm>>
        tpu.wait_dma2 semaphore(%arg16 : memref<!tpu.dma_semaphore, #tpu.memory_space<semaphore_mem>>) src(%dma_wait3A_77 : memref<80x128xf32, #tpu.memory_space<hbm>>) dst(%arg13 : memref<80x128xf32, #tpu.memory_space<vmem>>)
      } else {
      }
      %mul3A_32 = arith.constant 10000 : i32
      %mul3A_33 = arith.muli %add3A, %mul3A_32 : i32
      %mul3A_34 = arith.constant 80 : i32
      %mul3A_35 = arith.muli %scan3A_27, %mul3A_34 : i32
      %add3A_36 = arith.addi %mul3A_33, %mul3A_35 : i32
      %dma_start3A = tpu.memref_slice %arg4[%add3A_36] : memref<320000xi32, #tpu.memory_space<hbm>> -> memref<80xi32, #tpu.memory_space<hbm>>
      %dma_start3A_37 = tpu.memref_slice %arg4[%add3A_36] : memref<320000xi32, #tpu.memory_space<hbm>> -> memref<80xi32, #tpu.memory_space<hbm>>
      tpu.enqueue_dma source(%dma_start3A_37 : memref<80xi32, #tpu.memory_space<hbm>>) target(%arg10 : memref<80xi32, #tpu.memory_space<vmem>>) target_semaphore(%arg16 : memref<!tpu.dma_semaphore, #tpu.memory_space<semaphore_mem>>)
      %dma_start3A_38 = tpu.memref_slice %arg5[%add3A_36] : memref<320000xi32, #tpu.memory_space<hbm>> -> memref<80xi32, #tpu.memory_space<hbm>>
      %dma_start3A_39 = tpu.memref_slice %arg5[%add3A_36] : memref<320000xi32, #tpu.memory_space<hbm>> -> memref<80xi32, #tpu.memory_space<hbm>>
      tpu.enqueue_dma source(%dma_start3A_39 : memref<80xi32, #tpu.memory_space<hbm>>) target(%arg11 : memref<80xi32, #tpu.memory_space<vmem>>) target_semaphore(%arg16 : memref<!tpu.dma_semaphore, #tpu.memory_space<semaphore_mem>>)
      %dma_start3A_40 = arith.constant 0 : i32
      %dma_start3A_41 = tpu.memref_slice %arg2[%add3A_36, %dma_start3A_40] : memref<320000x128xf32, #tpu.memory_space<hbm>> -> memref<80x128xf32, #tpu.memory_space<hbm>>
      %dma_start3A_42 = arith.constant 0 : i32
      %dma_start3A_43 = tpu.memref_slice %arg2[%add3A_36, %dma_start3A_42] : memref<320000x128xf32, #tpu.memory_space<hbm>> -> memref<80x128xf32, #tpu.memory_space<hbm>>
      tpu.enqueue_dma source(%dma_start3A_43 : memref<80x128xf32, #tpu.memory_space<hbm>>) target(%arg12 : memref<80x128xf32, #tpu.memory_space<vmem>>) target_semaphore(%arg16 : memref<!tpu.dma_semaphore, #tpu.memory_space<semaphore_mem>>)
      %dma_start3A_44 = arith.constant 0 : i32
      %dma_start3A_45 = tpu.memref_slice %arg3[%add3A_36, %dma_start3A_44] : memref<320000x128xf32, #tpu.memory_space<hbm>> -> memref<80x128xf32, #tpu.memory_space<hbm>>
      %dma_start3A_46 = arith.constant 0 : i32
      %dma_start3A_47 = tpu.memref_slice %arg3[%add3A_36, %dma_start3A_46] : memref<320000x128xf32, #tpu.memory_space<hbm>> -> memref<80x128xf32, #tpu.memory_space<hbm>>
      tpu.enqueue_dma source(%dma_start3A_47 : memref<80x128xf32, #tpu.memory_space<hbm>>) target(%arg13 : memref<80x128xf32, #tpu.memory_space<vmem>>) target_semaphore(%arg16 : memref<!tpu.dma_semaphore, #tpu.memory_space<semaphore_mem>>)
      %dma_wait3A_48 = tpu.memref_slice %arg4[%add3A_36] : memref<320000xi32, #tpu.memory_space<hbm>> -> memref<80xi32, #tpu.memory_space<hbm>>
      %dma_wait3A_49 = tpu.memref_slice %arg4[%add3A_36] : memref<320000xi32, #tpu.memory_space<hbm>> -> memref<80xi32, #tpu.memory_space<hbm>>
      tpu.wait_dma2 semaphore(%arg16 : memref<!tpu.dma_semaphore, #tpu.memory_space<semaphore_mem>>) src(%dma_wait3A_49 : memref<80xi32, #tpu.memory_space<hbm>>) dst(%arg10 : memref<80xi32, #tpu.memory_space<vmem>>)
      %dma_wait3A_50 = tpu.memref_slice %arg5[%add3A_36] : memref<320000xi32, #tpu.memory_space<hbm>> -> memref<80xi32, #tpu.memory_space<hbm>>
      %dma_wait3A_51 = tpu.memref_slice %arg5[%add3A_36] : memref<320000xi32, #tpu.memory_space<hbm>> -> memref<80xi32, #tpu.memory_space<hbm>>
      tpu.wait_dma2 semaphore(%arg16 : memref<!tpu.dma_semaphore, #tpu.memory_space<semaphore_mem>>) src(%dma_wait3A_51 : memref<80xi32, #tpu.memory_space<hbm>>) dst(%arg11 : memref<80xi32, #tpu.memory_space<vmem>>)
      %dma_wait3A_52 = arith.constant 0 : i32
      %dma_wait3A_53 = tpu.memref_slice %arg2[%add3A_36, %dma_wait3A_52] : memref<320000x128xf32, #tpu.memory_space<hbm>> -> memref<80x128xf32, #tpu.memory_space<hbm>>
      %dma_wait3A_54 = arith.constant 0 : i32
      %dma_wait3A_55 = tpu.memref_slice %arg2[%add3A_36, %dma_wait3A_54] : memref<320000x128xf32, #tpu.memory_space<hbm>> -> memref<80x128xf32, #tpu.memory_space<hbm>>
      tpu.wait_dma2 semaphore(%arg16 : memref<!tpu.dma_semaphore, #tpu.memory_space<semaphore_mem>>) src(%dma_wait3A_55 : memref<80x128xf32, #tpu.memory_space<hbm>>) dst(%arg12 : memref<80x128xf32, #tpu.memory_space<vmem>>)
      %dma_wait3A_56 = arith.constant 0 : i32
      %dma_wait3A_57 = tpu.memref_slice %arg3[%add3A_36, %dma_wait3A_56] : memref<320000x128xf32, #tpu.memory_space<hbm>> -> memref<80x128xf32, #tpu.memory_space<hbm>>
      %dma_wait3A_58 = arith.constant 0 : i32
      %dma_wait3A_59 = tpu.memref_slice %arg3[%add3A_36, %dma_wait3A_58] : memref<320000x128xf32, #tpu.memory_space<hbm>> -> memref<80x128xf32, #tpu.memory_space<hbm>>
      tpu.wait_dma2 semaphore(%arg16 : memref<!tpu.dma_semaphore, #tpu.memory_space<semaphore_mem>>) src(%dma_wait3A_59 : memref<80x128xf32, #tpu.memory_space<hbm>>) dst(%arg13 : memref<80x128xf32, #tpu.memory_space<vmem>>)
      %dma_start3A_60 = arith.constant 0 : i32
      %dma_start3A_61 = arith.constant 0 : i32
      %dma_start3A_62 = tpu.memref_slice %arg14[%dma_start3A_60, %dma_start3A_61] : memref<10240x128xf32, #tpu.memory_space<vmem_shared>> -> memref<10240x128xf32, #tpu.memory_space<vmem_shared>>
      tpu.enqueue_indirect_dma source(%arg12 : memref<80x128xf32, #tpu.memory_space<vmem>>) target(%dma_start3A_62 : memref<10240x128xf32, #tpu.memory_space<vmem_shared>>) offsets(%arg10 : memref<80xi32, #tpu.memory_space<vmem>>) semaphore(%arg16 : memref<!tpu.dma_semaphore, #tpu.memory_space<semaphore_mem>>) {add = true}
      %dma_start3A_63 = arith.constant 0 : i32
      %dma_start3A_64 = arith.constant 0 : i32
      %dma_start3A_65 = tpu.memref_slice %arg15[%dma_start3A_63, %dma_start3A_64] : memref<320x128xf32, #tpu.memory_space<vmem_shared>> -> memref<320x128xf32, #tpu.memory_space<vmem_shared>>
      tpu.enqueue_indirect_dma source(%arg13 : memref<80x128xf32, #tpu.memory_space<vmem>>) target(%dma_start3A_65 : memref<320x128xf32, #tpu.memory_space<vmem_shared>>) offsets(%arg11 : memref<80xi32, #tpu.memory_space<vmem>>) semaphore(%arg16 : memref<!tpu.dma_semaphore, #tpu.memory_space<semaphore_mem>>) {add = true}
    }
    %scan3A_9 = arith.constant 125 : i32
    %dma_wait3A = arith.constant 0 : i32
    %dma_wait3A_10 = arith.constant 0 : i32
    %dma_wait3A_11 = tpu.memref_slice %arg2[%dma_wait3A, %dma_wait3A_10] : memref<320000x128xf32, #tpu.memory_space<hbm>> -> memref<80x128xf32, #tpu.memory_space<hbm>>
    %dma_wait3A_12 = arith.constant 0 : i32
    %dma_wait3A_13 = arith.constant 0 : i32
    %dma_wait3A_14 = tpu.memref_slice %arg2[%dma_wait3A_12, %dma_wait3A_13] : memref<320000x128xf32, #tpu.memory_space<hbm>> -> memref<80x128xf32, #tpu.memory_space<hbm>>
    tpu.wait_dma2 semaphore(%arg16 : memref<!tpu.dma_semaphore, #tpu.memory_space<semaphore_mem>>) src(%dma_wait3A_14 : memref<80x128xf32, #tpu.memory_space<hbm>>) dst(%arg12 : memref<80x128xf32, #tpu.memory_space<vmem>>)
    %dma_wait3A_15 = arith.constant 0 : i32
    %dma_wait3A_16 = arith.constant 0 : i32
    %dma_wait3A_17 = tpu.memref_slice %arg3[%dma_wait3A_15, %dma_wait3A_16] : memref<320000x128xf32, #tpu.memory_space<hbm>> -> memref<80x128xf32, #tpu.memory_space<hbm>>
    %dma_wait3A_18 = arith.constant 0 : i32
    %dma_wait3A_19 = arith.constant 0 : i32
    %dma_wait3A_20 = tpu.memref_slice %arg3[%dma_wait3A_18, %dma_wait3A_19] : memref<320000x128xf32, #tpu.memory_space<hbm>> -> memref<80x128xf32, #tpu.memory_space<hbm>>
    tpu.wait_dma2 semaphore(%arg16 : memref<!tpu.dma_semaphore, #tpu.memory_space<semaphore_mem>>) src(%dma_wait3A_20 : memref<80x128xf32, #tpu.memory_space<hbm>>) dst(%arg13 : memref<80x128xf32, #tpu.memory_space<vmem>>)
    %barrier3A_21 = arith.constant 0 : index
    tpu.barrier barrier_id(%barrier3A_21)
    "tpu.region"() ({
      %run_scoped3A = tpu.sem_alloc : memref<!tpu.dma_semaphore, #tpu.memory_space<semaphore_mem>>
      %dma_start3A = arith.constant 0 : i32
      %dma_start3A_27 = tpu.memref_slice %arg8[%arg0, %mul3A_2, %dma_start3A] : memref<2x10240x128xf32, #tpu.memory_space<hbm>> -> memref<1x640x128xf32, #tpu.memory_space<hbm>>
      %dma_start3A_28 = tpu.memref_squeeze %dma_start3A_27 : memref<1x640x128xf32, #tpu.memory_space<hbm>> -> memref<640x128xf32, #tpu.memory_space<hbm>>
      %dma_start3A_29 = arith.constant 0 : i32
      %dma_start3A_30 = tpu.memref_slice %arg14[%mul3A_2, %dma_start3A_29] : memref<10240x128xf32, #tpu.memory_space<vmem_shared>> -> memref<640x128xf32, #tpu.memory_space<vmem_shared>>
      tpu.enqueue_dma source(%dma_start3A_30 : memref<640x128xf32, #tpu.memory_space<vmem_shared>>) target(%dma_start3A_28 : memref<640x128xf32, #tpu.memory_space<hbm>>) target_semaphore(%run_scoped3A : memref<!tpu.dma_semaphore, #tpu.memory_space<semaphore_mem>>)
      %dma_wait3A_31 = arith.constant 0 : i32
      %dma_wait3A_32 = tpu.memref_slice %arg8[%arg0, %mul3A_2, %dma_wait3A_31] : memref<2x10240x128xf32, #tpu.memory_space<hbm>> -> memref<1x640x128xf32, #tpu.memory_space<hbm>>
      %dma_wait3A_33 = tpu.memref_squeeze %dma_wait3A_32 : memref<1x640x128xf32, #tpu.memory_space<hbm>> -> memref<640x128xf32, #tpu.memory_space<hbm>>
      %dma_wait3A_34 = arith.constant 0 : i32
      %dma_wait3A_35 = tpu.memref_slice %arg14[%mul3A_2, %dma_wait3A_34] : memref<10240x128xf32, #tpu.memory_space<vmem_shared>> -> memref<640x128xf32, #tpu.memory_space<vmem_shared>>
      tpu.wait_dma2 semaphore(%run_scoped3A : memref<!tpu.dma_semaphore, #tpu.memory_space<semaphore_mem>>) src(%dma_wait3A_35 : memref<640x128xf32, #tpu.memory_space<vmem_shared>>) dst(%dma_wait3A_33 : memref<640x128xf32, #tpu.memory_space<hbm>>)
      tpu.yield
    }) : () -> ()
    %eq3A_22 = arith.constant 0 : i32
    %eq3A_23 = arith.cmpi eq, %arg1, %eq3A_22 : i32
    %convert_element_type3A_24 = arith.extui %eq3A_23 : i1 to i32
    %cond3A_25 = arith.constant 0 : i32
    %cond3A_26 = arith.cmpi ne, %convert_element_type3A_24, %cond3A_25 : i32
    scf.if %cond3A_26 {
      "tpu.region"() ({
        %run_scoped3A = tpu.sem_alloc : memref<!tpu.dma_semaphore, #tpu.memory_space<semaphore_mem>>
        %dma_start3A = arith.constant 0 : i32
        %dma_start3A_27 = arith.constant 0 : i32
        %dma_start3A_28 = tpu.memref_slice %arg9[%arg0, %dma_start3A, %dma_start3A_27] : memref<2x320x128xf32, #tpu.memory_space<hbm>> -> memref<1x320x128xf32, #tpu.memory_space<hbm>>
        %dma_start3A_29 = tpu.memref_squeeze %dma_start3A_28 : memref<1x320x128xf32, #tpu.memory_space<hbm>> -> memref<320x128xf32, #tpu.memory_space<hbm>>
        tpu.enqueue_dma source(%arg15 : memref<320x128xf32, #tpu.memory_space<vmem_shared>>) target(%dma_start3A_29 : memref<320x128xf32, #tpu.memory_space<hbm>>) target_semaphore(%run_scoped3A : memref<!tpu.dma_semaphore, #tpu.memory_space<semaphore_mem>>)
        %dma_wait3A_30 = arith.constant 0 : i32
        %dma_wait3A_31 = arith.constant 0 : i32
        %dma_wait3A_32 = tpu.memref_slice %arg9[%arg0, %dma_wait3A_30, %dma_wait3A_31] : memref<2x320x128xf32, #tpu.memory_space<hbm>> -> memref<1x320x128xf32, #tpu.memory_space<hbm>>
        %dma_wait3A_33 = tpu.memref_squeeze %dma_wait3A_32 : memref<1x320x128xf32, #tpu.memory_space<hbm>> -> memref<320x128xf32, #tpu.memory_space<hbm>>
        tpu.wait_dma2 semaphore(%run_scoped3A : memref<!tpu.dma_semaphore, #tpu.memory_space<semaphore_mem>>) src(%arg15 : memref<320x128xf32, #tpu.memory_space<vmem_shared>>) dst(%dma_wait3A_33 : memref<320x128xf32, #tpu.memory_space<hbm>>)
        tpu.yield
      }) : () -> ()
    } else {
    }
    return
  }
}

module attributes {stable_mosaic.version = 14 : i64} {
  func.func @_embed_body(%arg0: i32, %arg1: memref<1x1x512xi32, #tpu.memory_space<vmem>>, %arg2: memref<512x128xf32, #tpu.memory_space<vmem>>, %arg3: memref<100x32xf32, #tpu.memory_space<vmem>>, %arg4: memref<35x128xf32, #tpu.memory_space<vmem>>, %arg5: memref<1x128xf32, #tpu.memory_space<vmem>>, %arg6: memref<512x128xf32, #tpu.memory_space<vmem>>) attributes {dimension_semantics = [#tpu.dimension_semantics<arbitrary>], iteration_bounds = array<i64: 20>, scalar_prefetch = 0 : i64, scratch_operands = 0 : i64, tpu.core_type = #tpu.core_type<tc>, window_params = [{transform_indices = @transform_0, window_bounds = array<i64: 1, 1, 512>}, {transform_indices = @transform_1, window_bounds = array<i64: 512, 128>}, {pipeline_mode = #tpu.pipeline_mode<synchronous>, transform_indices = @transform_2, window_bounds = array<i64: 100, 32>}, {pipeline_mode = #tpu.pipeline_mode<synchronous>, transform_indices = @transform_3, window_bounds = array<i64: 35, 128>}, {pipeline_mode = #tpu.pipeline_mode<synchronous>, transform_indices = @transform_4, window_bounds = array<i64: 1, 128>}, {transform_indices = @transform_5, window_bounds = array<i64: 512, 128>}]} {
    %get3A = arith.constant 0 : index
    %get3A_0 = arith.constant 0 : index
    %get3A_1 = arith.constant 0 : index
    %get3A_2 = vector.load %arg1[%get3A, %get3A_0, %get3A_1] : memref<1x1x512xi32, #tpu.memory_space<vmem>>, vector<1x1x512xi32>
    %get3A_3 = vector.shape_cast %get3A_2 : vector<1x1x512xi32> to vector<512xi32>
    %broadcast_in_dim3A = vector.shape_cast %get3A_3 : vector<512xi32> to vector<512x1xi32>
    %iota3A = tpu.iota {dimensions = array<i32: 1>} : vector<512x100xi32>
    %eq3A = vector.broadcast %broadcast_in_dim3A : vector<512x1xi32> to vector<512x100xi32>
    %eq3A_4 = arith.cmpi eq, %eq3A, %iota3A : vector<512x100xi32>
    %convert_element_type3A = arith.extui %eq3A_4 : vector<512x100xi1> to vector<512x100xi32>
    %convert_element_type3A_5 = arith.sitofp %convert_element_type3A : vector<512x100xi32> to vector<512x100xf32>
    %get3A_6 = arith.constant 0 : index
    %get3A_7 = arith.constant 0 : index
    %get3A_8 = vector.load %arg4[%get3A_6, %get3A_7] : memref<35x128xf32, #tpu.memory_space<vmem>>, vector<35x128xf32>
    %get3A_9 = arith.constant 0 : index
    %get3A_10 = arith.constant 0 : index
    %get3A_11 = vector.load %arg3[%get3A_9, %get3A_10] : memref<100x32xf32, #tpu.memory_space<vmem>>, vector<100x32xf32>
    %dot_general3A = arith.constant dense<0.000000e+00> : vector<512x32xf32>
    %dot_general3A_12 = tpu.matmul %convert_element_type3A_5, %get3A_11, %dot_general3A {dimension_numbers = #tpu.dot_dimension_numbers<[1], [0], [0], [1], [0, 0, 1, 1], [], []>, transpose_lhs_hint = false} : vector<512x100xf32>, vector<100x32xf32>, vector<512x32xf32> -> vector<512x32xf32>
    %slice3A = vector.extract_strided_slice %get3A_8 {offsets = [0, 0], sizes = [32, 128], strides = [1, 1]} : vector<35x128xf32> to vector<32x128xf32>
    %dot_general3A_13 = arith.constant dense<0.000000e+00> : vector<512x128xf32>
    %dot_general3A_14 = tpu.matmul %dot_general3A_12, %slice3A, %dot_general3A_13 {dimension_numbers = #tpu.dot_dimension_numbers<[1], [0], [0], [1], [0, 0, 1, 1], [], []>, transpose_lhs_hint = false} : vector<512x32xf32>, vector<32x128xf32>, vector<512x128xf32> -> vector<512x128xf32>
    %get3A_15 = arith.constant 0 : index
    %get3A_16 = arith.constant 0 : index
    %get3A_17 = vector.load %arg2[%get3A_15, %get3A_16] : memref<512x128xf32, #tpu.memory_space<vmem>>, vector<512x128xf32>
    %slice3A_18 = vector.extract_strided_slice %get3A_17 {offsets = [0, 0], sizes = [512, 3], strides = [1, 1]} : vector<512x128xf32> to vector<512x3xf32>
    %slice3A_19 = vector.extract_strided_slice %get3A_8 {offsets = [32, 0], sizes = [3, 128], strides = [1, 1]} : vector<35x128xf32> to vector<3x128xf32>
    %dot_general3A_20 = arith.constant dense<0.000000e+00> : vector<512x128xf32>
    %dot_general3A_21 = tpu.matmul %slice3A_18, %slice3A_19, %dot_general3A_20 {dimension_numbers = #tpu.dot_dimension_numbers<[1], [0], [0], [1], [0, 0, 1, 1], [], []>, transpose_lhs_hint = false} : vector<512x3xf32>, vector<3x128xf32>, vector<512x128xf32> -> vector<512x128xf32>
    %add3A = arith.addf %dot_general3A_14, %dot_general3A_21 : vector<512x128xf32>
    %get3A_22 = arith.constant 0 : index
    %get3A_23 = arith.constant 0 : index
    %get3A_24 = vector.load %arg5[%get3A_22, %get3A_23] : memref<1x128xf32, #tpu.memory_space<vmem>>, vector<1x128xf32>
    %add3A_25 = vector.broadcast %get3A_24 : vector<1x128xf32> to vector<512x128xf32>
    %add3A_26 = arith.addf %add3A, %add3A_25 : vector<512x128xf32>
    %integer_pow3A = arith.mulf %add3A_26, %add3A_26 : vector<512x128xf32>
    %integer_pow3A_27 = arith.mulf %add3A_26, %integer_pow3A : vector<512x128xf32>
    %mul3A = arith.constant 4.471500e-02 : f32
    %mul3A_28 = vector.broadcast %mul3A : f32 to vector<512x128xf32>
    %mul3A_29 = arith.mulf %mul3A_28, %integer_pow3A_27 : vector<512x128xf32>
    %add3A_30 = arith.addf %add3A_26, %mul3A_29 : vector<512x128xf32>
    %mul3A_31 = arith.constant 0.797884583 : f32
    %mul3A_32 = vector.broadcast %mul3A_31 : f32 to vector<512x128xf32>
    %mul3A_33 = arith.mulf %mul3A_32, %add3A_30 : vector<512x128xf32>
    %tanh3A = math.tanh %mul3A_33 : vector<512x128xf32>
    %add3A_34 = arith.constant 1.000000e+00 : f32
    %add3A_35 = vector.broadcast %add3A_34 : f32 to vector<512x128xf32>
    %add3A_36 = arith.addf %add3A_35, %tanh3A : vector<512x128xf32>
    %mul3A_37 = arith.constant 5.000000e-01 : f32
    %mul3A_38 = vector.broadcast %mul3A_37 : f32 to vector<512x128xf32>
    %mul3A_39 = arith.mulf %mul3A_38, %add3A_36 : vector<512x128xf32>
    %mul3A_40 = arith.mulf %add3A_26, %mul3A_39 : vector<512x128xf32>
    %reduce_sum3A = arith.constant dense<0.000000e+00> : vector<512xf32>
    %reduce_sum3A_41 = vector.multi_reduction <add>, %mul3A_40, %reduce_sum3A [1] : vector<512x128xf32> to vector<512xf32>
    %broadcast_in_dim3A_42 = vector.shape_cast %reduce_sum3A_41 : vector<512xf32> to vector<512x1xf32>
    %div3A = arith.constant 1.280000e+02 : f32
    %div3A_43 = vector.broadcast %div3A : f32 to vector<512x1xf32>
    %div3A_44 = arith.divf %broadcast_in_dim3A_42, %div3A_43 : vector<512x1xf32>
    %jit3A = arith.constant 0 : i32
    %reduce_sum3A_45 = arith.constant dense<0.000000e+00> : vector<512xf32>
    %reduce_sum3A_46 = vector.multi_reduction <add>, %mul3A_40, %reduce_sum3A_45 [1] : vector<512x128xf32> to vector<512xf32>
    %broadcast_in_dim3A_47 = vector.shape_cast %reduce_sum3A_46 : vector<512xf32> to vector<512x1xf32>
    %div3A_48 = arith.constant 1.280000e+02 : f32
    %div3A_49 = vector.broadcast %div3A_48 : f32 to vector<512x1xf32>
    %div3A_50 = arith.divf %broadcast_in_dim3A_47, %div3A_49 : vector<512x1xf32>
    %sub3A = vector.broadcast %div3A_50 : vector<512x1xf32> to vector<512x128xf32>
    %sub3A_51 = arith.subf %mul3A_40, %sub3A : vector<512x128xf32>
    %square3A = arith.mulf %sub3A_51, %sub3A_51 : vector<512x128xf32>
    %convert_element_type3A_52 = arith.sitofp %jit3A : i32 to f32
    %sub3A_53 = arith.constant 1.280000e+02 : f32
    %sub3A_54 = arith.subf %sub3A_53, %convert_element_type3A_52 : f32
    %reduce_sum3A_55 = arith.constant dense<0.000000e+00> : vector<512xf32>
    %reduce_sum3A_56 = vector.multi_reduction <add>, %square3A, %reduce_sum3A_55 [1] : vector<512x128xf32> to vector<512xf32>
    %broadcast_in_dim3A_57 = vector.shape_cast %reduce_sum3A_56 : vector<512xf32> to vector<512x1xf32>
    %div3A_58 = vector.broadcast %sub3A_54 : f32 to vector<512x1xf32>
    %div3A_59 = arith.divf %broadcast_in_dim3A_57, %div3A_58 : vector<512x1xf32>
    %gt3A = arith.constant 0.000000e+00 : f32
    %gt3A_60 = arith.cmpf ogt, %sub3A_54, %gt3A : f32
    %jit3A_61 = arith.constant 0x7FC00000 : f32
    %broadcast_in_dim3A_62 = vector.broadcast %jit3A_61 : f32 to vector<512x1xf32>
    %select_n3A = arith.select %gt3A_60, %div3A_59, %broadcast_in_dim3A_62 : vector<512x1xf32>
    %sub3A_63 = vector.broadcast %div3A_44 : vector<512x1xf32> to vector<512x128xf32>
    %sub3A_64 = arith.subf %mul3A_40, %sub3A_63 : vector<512x128xf32>
    %add3A_65 = arith.constant 9.99999974E-6 : f32
    %add3A_66 = vector.broadcast %add3A_65 : f32 to vector<512x1xf32>
    %add3A_67 = arith.addf %select_n3A, %add3A_66 : vector<512x1xf32>
    %sqrt3A = math.sqrt %add3A_67 : vector<512x1xf32>
    %div3A_68 = vector.broadcast %sqrt3A : vector<512x1xf32> to vector<512x128xf32>
    %div3A_69 = arith.divf %sub3A_64, %div3A_68 : vector<512x128xf32>
    %swap3A = arith.constant 0 : index
    %swap3A_70 = arith.constant 0 : index
    %swap3A_71 = vector.load %arg6[%swap3A, %swap3A_70] : memref<512x128xf32, #tpu.memory_space<vmem>>, vector<512x128xf32>
    tpu.vector_store %arg6[%swap3A, %swap3A_70], %div3A_69 {strides = array<i32>} : memref<512x128xf32, #tpu.memory_space<vmem>>, vector<512x128xf32>,
    return
  }
  func.func @transform_0(%arg0: i32) -> (i32, i32, i32) {
    %c0_i32 = arith.constant 0 : i32
    %c0_i32_0 = arith.constant 0 : i32
    %c0_i32_1 = arith.constant 0 : i32
    return %arg0, %c0_i32, %c0_i32_0 : i32, i32, i32
  }
  func.func @transform_1(%arg0: i32) -> (i32, i32) {
    %c0_i32 = arith.constant 0 : i32
    %c0_i32_0 = arith.constant 0 : i32
    return %arg0, %c0_i32 : i32, i32
  }
  func.func @transform_2(%arg0: i32) -> (i32, i32) {
    %c0_i32 = arith.constant 0 : i32
    %c0_i32_0 = arith.constant 0 : i32
    %c0_i32_1 = arith.constant 0 : i32
    return %c0_i32, %c0_i32_0 : i32, i32
  }
  func.func @transform_3(%arg0: i32) -> (i32, i32) {
    %c0_i32 = arith.constant 0 : i32
    %c0_i32_0 = arith.constant 0 : i32
    %c0_i32_1 = arith.constant 0 : i32
    return %c0_i32, %c0_i32_0 : i32, i32
  }
  func.func @transform_4(%arg0: i32) -> (i32, i32) {
    %c0_i32 = arith.constant 0 : i32
    %c0_i32_0 = arith.constant 0 : i32
    %c0_i32_1 = arith.constant 0 : i32
    return %c0_i32, %c0_i32_0 : i32, i32
  }
  func.func @transform_5(%arg0: i32) -> (i32, i32) {
    %c0_i32 = arith.constant 0 : i32
    %c0_i32_0 = arith.constant 0 : i32
    return %arg0, %c0_i32 : i32, i32
  }
}

module attributes {stable_mosaic.version = 14 : i64} {
  func.func @_proj_body(%arg0: i32, %arg1: memref<512x128xf32, #tpu.memory_space<vmem>>, %arg2: memref<128x128xf32, #tpu.memory_space<vmem>>, %arg3: memref<128x128xf32, #tpu.memory_space<vmem>>, %arg4: memref<128x128xf32, #tpu.memory_space<vmem>>, %arg5: memref<512x128xf32, #tpu.memory_space<vmem>>, %arg6: memref<512x256xf32, #tpu.memory_space<vmem>>) attributes {dimension_semantics = [#tpu.dimension_semantics<arbitrary>], iteration_bounds = array<i64: 20>, scalar_prefetch = 0 : i64, scratch_operands = 0 : i64, tpu.core_type = #tpu.core_type<tc>, window_params = [{transform_indices = @transform_0, window_bounds = array<i64: 512, 128>}, {pipeline_mode = #tpu.pipeline_mode<synchronous>, transform_indices = @transform_1, window_bounds = array<i64: 128, 128>}, {pipeline_mode = #tpu.pipeline_mode<synchronous>, transform_indices = @transform_2, window_bounds = array<i64: 128, 128>}, {pipeline_mode = #tpu.pipeline_mode<synchronous>, transform_indices = @transform_3, window_bounds = array<i64: 128, 128>}, {transform_indices = @transform_4, window_bounds = array<i64: 512, 128>}, {transform_indices = @transform_5, window_bounds = array<i64: 512, 256>}]} {
    %get3A = arith.constant 0 : index
    %get3A_0 = arith.constant 0 : index
    %get3A_1 = vector.load %arg1[%get3A, %get3A_0] : memref<512x128xf32, #tpu.memory_space<vmem>>, vector<512x128xf32>
    %get3A_2 = arith.constant 0 : index
    %get3A_3 = arith.constant 0 : index
    %get3A_4 = vector.load %arg2[%get3A_2, %get3A_3] : memref<128x128xf32, #tpu.memory_space<vmem>>, vector<128x128xf32>
    %dot_general3A = arith.constant dense<0.000000e+00> : vector<512x128xf32>
    %dot_general3A_5 = tpu.matmul %get3A_1, %get3A_4, %dot_general3A {dimension_numbers = #tpu.dot_dimension_numbers<[1], [0], [0], [1], [0, 0, 1, 1], [], []>, transpose_lhs_hint = false} : vector<512x128xf32>, vector<128x128xf32>, vector<512x128xf32> -> vector<512x128xf32>
    %swap3A = arith.constant 0 : index
    %swap3A_6 = arith.constant 0 : index
    %swap3A_7 = vector.load %arg5[%swap3A, %swap3A_6] : memref<512x128xf32, #tpu.memory_space<vmem>>, vector<512x128xf32>
    tpu.vector_store %arg5[%swap3A, %swap3A_6], %dot_general3A_5 {strides = array<i32>} : memref<512x128xf32, #tpu.memory_space<vmem>>, vector<512x128xf32>,
    %get3A_8 = arith.constant 0 : index
    %get3A_9 = arith.constant 0 : index
    %get3A_10 = vector.load %arg3[%get3A_8, %get3A_9] : memref<128x128xf32, #tpu.memory_space<vmem>>, vector<128x128xf32>
    %dot_general3A_11 = arith.constant dense<0.000000e+00> : vector<512x128xf32>
    %dot_general3A_12 = tpu.matmul %get3A_1, %get3A_10, %dot_general3A_11 {dimension_numbers = #tpu.dot_dimension_numbers<[1], [0], [0], [1], [0, 0, 1, 1], [], []>, transpose_lhs_hint = false} : vector<512x128xf32>, vector<128x128xf32>, vector<512x128xf32> -> vector<512x128xf32>
    %get3A_13 = arith.constant 0 : index
    %get3A_14 = arith.constant 0 : index
    %get3A_15 = vector.load %arg4[%get3A_13, %get3A_14] : memref<128x128xf32, #tpu.memory_space<vmem>>, vector<128x128xf32>
    %dot_general3A_16 = arith.constant dense<0.000000e+00> : vector<512x128xf32>
    %dot_general3A_17 = tpu.matmul %get3A_1, %get3A_15, %dot_general3A_16 {dimension_numbers = #tpu.dot_dimension_numbers<[1], [0], [0], [1], [0, 0, 1, 1], [], []>, transpose_lhs_hint = false} : vector<512x128xf32>, vector<128x128xf32>, vector<512x128xf32> -> vector<512x128xf32>
    %concatenate3A = tpu.concatenate %dot_general3A_12, %dot_general3A_17 in 1 : vector<512x128xf32>, vector<512x128xf32> -> vector<512x256xf32>
    %swap3A_18 = arith.constant 0 : index
    %swap3A_19 = arith.constant 0 : index
    %swap3A_20 = vector.load %arg6[%swap3A_18, %swap3A_19] : memref<512x256xf32, #tpu.memory_space<vmem>>, vector<512x256xf32>
    tpu.vector_store %arg6[%swap3A_18, %swap3A_19], %concatenate3A {strides = array<i32>} : memref<512x256xf32, #tpu.memory_space<vmem>>, vector<512x256xf32>,
    return
  }
  func.func @transform_0(%arg0: i32) -> (i32, i32) {
    %c0_i32 = arith.constant 0 : i32
    %c0_i32_0 = arith.constant 0 : i32
    return %arg0, %c0_i32 : i32, i32
  }
  func.func @transform_1(%arg0: i32) -> (i32, i32) {
    %c0_i32 = arith.constant 0 : i32
    %c0_i32_0 = arith.constant 0 : i32
    %c0_i32_1 = arith.constant 0 : i32
    return %c0_i32, %c0_i32_0 : i32, i32
  }
  func.func @transform_2(%arg0: i32) -> (i32, i32) {
    %c0_i32 = arith.constant 0 : i32
    %c0_i32_0 = arith.constant 0 : i32
    %c0_i32_1 = arith.constant 0 : i32
    return %c0_i32, %c0_i32_0 : i32, i32
  }
  func.func @transform_3(%arg0: i32) -> (i32, i32) {
    %c0_i32 = arith.constant 0 : i32
    %c0_i32_0 = arith.constant 0 : i32
    %c0_i32_1 = arith.constant 0 : i32
    return %c0_i32, %c0_i32_0 : i32, i32
  }
  func.func @transform_4(%arg0: i32) -> (i32, i32) {
    %c0_i32 = arith.constant 0 : i32
    %c0_i32_0 = arith.constant 0 : i32
    return %arg0, %c0_i32 : i32, i32
  }
  func.func @transform_5(%arg0: i32) -> (i32, i32) {
    %c0_i32 = arith.constant 0 : i32
    %c0_i32_0 = arith.constant 0 : i32
    return %arg0, %c0_i32 : i32, i32
  }
}

module attributes {stable_mosaic.version = 14 : i64} {
  func.func @_edge_body(%arg0: i32, %arg1: memref<1x1x512xi32, #tpu.memory_space<vmem>>, %arg2: memref<512x128xf32, #tpu.memory_space<vmem>>, %arg3: memref<512x128xf32, #tpu.memory_space<vmem>>, %arg4: memref<512x256xf32, #tpu.memory_space<vmem>>, %arg5: memref<512x128xf32, #tpu.memory_space<vmem>>, %arg6: memref<32x128xf32, #tpu.memory_space<vmem>>, %arg7: memref<512x128xf32, #tpu.memory_space<vmem>>, %arg8: memref<512x128xf32, #tpu.memory_space<vmem>>) attributes {dimension_semantics = [#tpu.dimension_semantics<arbitrary>], iteration_bounds = array<i64: 625>, scalar_prefetch = 0 : i64, scratch_operands = 0 : i64, tpu.core_type = #tpu.core_type<tc>, window_params = [{transform_indices = @transform_0, window_bounds = array<i64: 1, 1, 512>}, {transform_indices = @transform_1, window_bounds = array<i64: 512, 128>}, {transform_indices = @transform_2, window_bounds = array<i64: 512, 128>}, {transform_indices = @transform_3, window_bounds = array<i64: 512, 256>}, {transform_indices = @transform_4, window_bounds = array<i64: 512, 128>}, {pipeline_mode = #tpu.pipeline_mode<synchronous>, transform_indices = @transform_5, window_bounds = array<i64: 32, 128>}, {transform_indices = @transform_6, window_bounds = array<i64: 512, 128>}, {transform_indices = @transform_7, window_bounds = array<i64: 512, 128>}]} {
    %get3A = arith.constant 0 : index
    %get3A_0 = arith.constant 0 : index
    %get3A_1 = vector.load %arg2[%get3A, %get3A_0] : memref<512x128xf32, #tpu.memory_space<vmem>>, vector<512x128xf32>
    %slice3A = vector.extract_strided_slice %get3A_1 {offsets = [0, 0], sizes = [512, 3], strides = [1, 1]} : vector<512x128xf32> to vector<512x3xf32>
    %get3A_2 = arith.constant 0 : index
    %get3A_3 = arith.constant 0 : index
    %get3A_4 = vector.load %arg3[%get3A_2, %get3A_3] : memref<512x128xf32, #tpu.memory_space<vmem>>, vector<512x128xf32>
    %slice3A_5 = vector.extract_strided_slice %get3A_4 {offsets = [0, 0], sizes = [512, 3], strides = [1, 1]} : vector<512x128xf32> to vector<512x3xf32>
    %sub3A = arith.subf %slice3A, %slice3A_5 : vector<512x3xf32>
    %mul3A = arith.mulf %sub3A, %sub3A : vector<512x3xf32>
    %reduce_sum3A = arith.constant dense<0.000000e+00> : vector<512xf32>
    %reduce_sum3A_6 = vector.multi_reduction <add>, %mul3A, %reduce_sum3A [1] : vector<512x3xf32> to vector<512xf32>
    %broadcast_in_dim3A = vector.shape_cast %reduce_sum3A_6 : vector<512xf32> to vector<512x1xf32>
    %add3A = arith.constant 9.99999996E-13 : f32
    %add3A_7 = vector.broadcast %add3A : f32 to vector<512x1xf32>
    %add3A_8 = arith.addf %broadcast_in_dim3A, %add3A_7 : vector<512x1xf32>
    %sqrt3A = math.sqrt %add3A_8 : vector<512x1xf32>
    %iota3A = tpu.iota {dimensions = array<i32: 1>} : vector<1x32xi32>
    %convert_element_type3A = arith.sitofp %iota3A : vector<1x32xi32> to vector<1x32xf32>
    %mul3A_9 = arith.constant 0.193548381 : f32
    %mul3A_10 = vector.broadcast %mul3A_9 : f32 to vector<1x32xf32>
    %mul3A_11 = arith.mulf %convert_element_type3A, %mul3A_10 : vector<1x32xf32>
    %sub3A_12 = vector.broadcast %sqrt3A : vector<512x1xf32> to vector<512x32xf32>
    %sub3A_13 = vector.broadcast %mul3A_11 : vector<1x32xf32> to vector<512x32xf32>
    %sub3A_14 = arith.subf %sub3A_12, %sub3A_13 : vector<512x32xf32>
    %integer_pow3A = arith.mulf %sub3A_14, %sub3A_14 : vector<512x32xf32>
    %mul3A_15 = arith.constant -28.4444447 : f32
    %mul3A_16 = vector.broadcast %mul3A_15 : f32 to vector<512x32xf32>
    %mul3A_17 = arith.mulf %mul3A_16, %integer_pow3A : vector<512x32xf32>
    %exp3A = math.exp %mul3A_17 : vector<512x32xf32>
    %get3A_18 = arith.constant 0 : index
    %get3A_19 = arith.constant 0 : index
    %get3A_20 = vector.load %arg6[%get3A_18, %get3A_19] : memref<32x128xf32, #tpu.memory_space<vmem>>, vector<32x128xf32>
    %dot_general3A = arith.constant dense<0.000000e+00> : vector<512x128xf32>
    %dot_general3A_21 = tpu.matmul %exp3A, %get3A_20, %dot_general3A {dimension_numbers = #tpu.dot_dimension_numbers<[1], [0], [0], [1], [0, 0, 1, 1], [], []>, transpose_lhs_hint = false} : vector<512x32xf32>, vector<32x128xf32>, vector<512x128xf32> -> vector<512x128xf32>
    %get3A_22 = arith.constant 0 : index
    %get3A_23 = arith.constant 0 : index
    %get3A_24 = vector.load %arg4[%get3A_22, %get3A_23] : memref<512x256xf32, #tpu.memory_space<vmem>>, vector<512x256xf32>
    %slice3A_25 = vector.extract_strided_slice %get3A_24 {offsets = [0, 0], sizes = [512, 128], strides = [1, 1]} : vector<512x256xf32> to vector<512x128xf32>
    %add3A_26 = arith.addf %slice3A_25, %dot_general3A_21 : vector<512x128xf32>
    %slice3A_27 = vector.extract_strided_slice %get3A_24 {offsets = [0, 128], sizes = [512, 128], strides = [1, 1]} : vector<512x256xf32> to vector<512x128xf32>
    %add3A_28 = arith.addf %slice3A_27, %dot_general3A_21 : vector<512x128xf32>
    %iota3A_29 = tpu.iota {dimensions = array<i32: 0>} : vector<128x4xi32>
    %jit3A = arith.constant 32 : i32
    %div3A = vector.broadcast %jit3A : i32 to vector<128x4xi32>
    %div3A_30 = arith.divsi %iota3A_29, %div3A : vector<128x4xi32>
    %sign3A = arith.constant 0 : i32
    %sign3A_31 = vector.broadcast %sign3A : i32 to vector<128x4xi32>
    %sign3A_32 = arith.cmpi sgt, %iota3A_29, %sign3A_31 : vector<128x4xi32>
    %sign3A_33 = arith.extui %sign3A_32 : vector<128x4xi1> to vector<128x4xi32>
    %sign3A_34 = arith.constant 0 : i32
    %sign3A_35 = vector.broadcast %sign3A_34 : i32 to vector<128x4xi32>
    %sign3A_36 = arith.cmpi slt, %iota3A_29, %sign3A_35 : vector<128x4xi32>
    %sign3A_37 = arith.extui %sign3A_36 : vector<128x4xi1> to vector<128x4xi32>
    %sign3A_38 = arith.subi %sign3A_33, %sign3A_37 : vector<128x4xi32>
    %sign3A_39 = arith.constant 0 : i32
    %sign3A_40 = arith.cmpi sgt, %jit3A, %sign3A_39 : i32
    %sign3A_41 = arith.extui %sign3A_40 : i1 to i32
    %sign3A_42 = arith.constant 0 : i32
    %sign3A_43 = arith.cmpi slt, %jit3A, %sign3A_42 : i32
    %sign3A_44 = arith.extui %sign3A_43 : i1 to i32
    %sign3A_45 = arith.subi %sign3A_41, %sign3A_44 : i32
    %ne3A = vector.broadcast %sign3A_45 : i32 to vector<128x4xi32>
    %ne3A_46 = arith.cmpi ne, %sign3A_38, %ne3A : vector<128x4xi32>
    %rem3A = vector.broadcast %jit3A : i32 to vector<128x4xi32>
    %rem3A_47 = arith.remsi %iota3A_29, %rem3A : vector<128x4xi32>
    %ne3A_48 = arith.constant 0 : i32
    %ne3A_49 = vector.broadcast %ne3A_48 : i32 to vector<128x4xi32>
    %ne3A_50 = arith.cmpi ne, %rem3A_47, %ne3A_49 : vector<128x4xi32>
    %and3A = arith.andi %ne3A_46, %ne3A_50 : vector<128x4xi1>
    %sub3A_51 = arith.constant 1 : i32
    %sub3A_52 = vector.broadcast %sub3A_51 : i32 to vector<128x4xi32>
    %sub3A_53 = arith.subi %div3A_30, %sub3A_52 : vector<128x4xi32>
    %select_n3A = arith.select %and3A, %sub3A_53, %div3A_30 : vector<128x4xi1>, vector<128x4xi32>
    %iota3A_54 = tpu.iota {dimensions = array<i32: 1>} : vector<128x4xi32>
    %eq3A = arith.cmpi eq, %select_n3A, %iota3A_54 : vector<128x4xi32>
    %convert_element_type3A_55 = arith.extui %eq3A : vector<128x4xi1> to vector<128x4xi32>
    %convert_element_type3A_56 = arith.sitofp %convert_element_type3A_55 : vector<128x4xi32> to vector<128x4xf32>
    %iota3A_57 = tpu.iota {dimensions = array<i32: 1>} : vector<4x128xi32>
    %jit3A_58 = arith.constant 32 : i32
    %div3A_59 = vector.broadcast %jit3A_58 : i32 to vector<4x128xi32>
    %div3A_60 = arith.divsi %iota3A_57, %div3A_59 : vector<4x128xi32>
    %sign3A_61 = arith.constant 0 : i32
    %sign3A_62 = vector.broadcast %sign3A_61 : i32 to vector<4x128xi32>
    %sign3A_63 = arith.cmpi sgt, %iota3A_57, %sign3A_62 : vector<4x128xi32>
    %sign3A_64 = arith.extui %sign3A_63 : vector<4x128xi1> to vector<4x128xi32>
    %sign3A_65 = arith.constant 0 : i32
    %sign3A_66 = vector.broadcast %sign3A_65 : i32 to vector<4x128xi32>
    %sign3A_67 = arith.cmpi slt, %iota3A_57, %sign3A_66 : vector<4x128xi32>
    %sign3A_68 = arith.extui %sign3A_67 : vector<4x128xi1> to vector<4x128xi32>
    %sign3A_69 = arith.subi %sign3A_64, %sign3A_68 : vector<4x128xi32>
    %sign3A_70 = arith.constant 0 : i32
    %sign3A_71 = arith.cmpi sgt, %jit3A_58, %sign3A_70 : i32
    %sign3A_72 = arith.extui %sign3A_71 : i1 to i32
    %sign3A_73 = arith.constant 0 : i32
    %sign3A_74 = arith.cmpi slt, %jit3A_58, %sign3A_73 : i32
    %sign3A_75 = arith.extui %sign3A_74 : i1 to i32
    %sign3A_76 = arith.subi %sign3A_72, %sign3A_75 : i32
    %ne3A_77 = vector.broadcast %sign3A_76 : i32 to vector<4x128xi32>
    %ne3A_78 = arith.cmpi ne, %sign3A_69, %ne3A_77 : vector<4x128xi32>
    %rem3A_79 = vector.broadcast %jit3A_58 : i32 to vector<4x128xi32>
    %rem3A_80 = arith.remsi %iota3A_57, %rem3A_79 : vector<4x128xi32>
    %ne3A_81 = arith.constant 0 : i32
    %ne3A_82 = vector.broadcast %ne3A_81 : i32 to vector<4x128xi32>
    %ne3A_83 = arith.cmpi ne, %rem3A_80, %ne3A_82 : vector<4x128xi32>
    %and3A_84 = arith.andi %ne3A_78, %ne3A_83 : vector<4x128xi1>
    %sub3A_85 = arith.constant 1 : i32
    %sub3A_86 = vector.broadcast %sub3A_85 : i32 to vector<4x128xi32>
    %sub3A_87 = arith.subi %div3A_60, %sub3A_86 : vector<4x128xi32>
    %select_n3A_88 = arith.select %and3A_84, %sub3A_87, %div3A_60 : vector<4x128xi1>, vector<4x128xi32>
    %iota3A_89 = tpu.iota {dimensions = array<i32: 0>} : vector<4x128xi32>
    %eq3A_90 = arith.cmpi eq, %select_n3A_88, %iota3A_89 : vector<4x128xi32>
    %convert_element_type3A_91 = arith.extui %eq3A_90 : vector<4x128xi1> to vector<4x128xi32>
    %convert_element_type3A_92 = arith.sitofp %convert_element_type3A_91 : vector<4x128xi32> to vector<4x128xf32>
    %get3A_93 = arith.constant 0 : index
    %get3A_94 = arith.constant 0 : index
    %get3A_95 = vector.load %arg5[%get3A_93, %get3A_94] : memref<512x128xf32, #tpu.memory_space<vmem>>, vector<512x128xf32>
    %mul3A_96 = arith.mulf %get3A_95, %add3A_26 : vector<512x128xf32>
    %dot_general3A_97 = arith.constant dense<0.000000e+00> : vector<512x4xf32>
    %dot_general3A_98 = tpu.matmul %mul3A_96, %convert_element_type3A_56, %dot_general3A_97 {dimension_numbers = #tpu.dot_dimension_numbers<[1], [0], [0], [1], [0, 0, 1, 1], [], []>, transpose_lhs_hint = false} : vector<512x128xf32>, vector<128x4xf32>, vector<512x4xf32> -> vector<512x4xf32>
    %div3A_99 = arith.constant 5.65685415 : f32
    %div3A_100 = vector.broadcast %div3A_99 : f32 to vector<512x4xf32>
    %div3A_101 = arith.divf %dot_general3A_98, %div3A_100 : vector<512x4xf32>
    %exp3A_102 = math.exp %div3A_101 : vector<512x4xf32>
    %dot_general3A_103 = arith.constant dense<0.000000e+00> : vector<512x128xf32>
    %dot_general3A_104 = tpu.matmul %exp3A_102, %convert_element_type3A_92, %dot_general3A_103 {dimension_numbers = #tpu.dot_dimension_numbers<[1], [0], [0], [1], [0, 0, 1, 1], [], []>, transpose_lhs_hint = false} : vector<512x4xf32>, vector<4x128xf32>, vector<512x128xf32> -> vector<512x128xf32>
    %mul3A_105 = arith.mulf %dot_general3A_104, %add3A_28 : vector<512x128xf32>
    %swap3A = arith.constant 0 : index
    %swap3A_106 = arith.constant 0 : index
    %swap3A_107 = vector.load %arg7[%swap3A, %swap3A_106] : memref<512x128xf32, #tpu.memory_space<vmem>>, vector<512x128xf32>
    tpu.vector_store %arg7[%swap3A, %swap3A_106], %mul3A_105 {strides = array<i32>} : memref<512x128xf32, #tpu.memory_space<vmem>>, vector<512x128xf32>,
    %iota3A_108 = tpu.iota {dimensions = array<i32: 1>} : vector<4x128xi32>
    %jit3A_109 = arith.constant 4 : i32
    %eq3A_110 = arith.constant 0 : i32
    %eq3A_111 = arith.cmpi eq, %jit3A_109, %eq3A_110 : i32
    %jit3A_112 = arith.constant 1 : i32
    %select_n3A_113 = arith.select %eq3A_111, %jit3A_112, %jit3A_109 : i32
    %rem3A_114 = vector.broadcast %select_n3A_113 : i32 to vector<4x128xi32>
    %rem3A_115 = arith.remsi %iota3A_108, %rem3A_114 : vector<4x128xi32>
    %ne3A_116 = arith.constant 0 : i32
    %ne3A_117 = vector.broadcast %ne3A_116 : i32 to vector<4x128xi32>
    %ne3A_118 = arith.cmpi ne, %rem3A_115, %ne3A_117 : vector<4x128xi32>
    %lt3A = arith.constant 0 : i32
    %lt3A_119 = vector.broadcast %lt3A : i32 to vector<4x128xi32>
    %lt3A_120 = arith.cmpi slt, %rem3A_115, %lt3A_119 : vector<4x128xi32>
    %lt3A_121 = arith.constant 0 : i32
    %lt3A_122 = arith.cmpi slt, %select_n3A_113, %lt3A_121 : i32
    %ne3A_123 = vector.broadcast %lt3A_122 : i1 to vector<4x128xi1>
    %ne3A_124 = vector.broadcast %ne3A_123 : vector<4x128xi1> to vector<4x128xi1>
    %ne3A_125 = arith.xori %lt3A_120, %ne3A_124 : vector<4x128xi1>
    %and3A_126 = arith.andi %ne3A_125, %ne3A_118 : vector<4x128xi1>
    %add3A_127 = vector.broadcast %select_n3A_113 : i32 to vector<4x128xi32>
    %add3A_128 = arith.addi %rem3A_115, %add3A_127 : vector<4x128xi32>
    %select_n3A_129 = arith.select %and3A_126, %add3A_128, %rem3A_115 : vector<4x128xi1>, vector<4x128xi32>
    %iota3A_130 = tpu.iota {dimensions = array<i32: 0>} : vector<4x128xi32>
    %eq3A_131 = arith.cmpi eq, %select_n3A_129, %iota3A_130 : vector<4x128xi32>
    %convert_element_type3A_132 = arith.extui %eq3A_131 : vector<4x128xi1> to vector<4x128xi32>
    %convert_element_type3A_133 = arith.sitofp %convert_element_type3A_132 : vector<4x128xi32> to vector<4x128xf32>
    %get3A_134 = arith.constant 0 : index
    %get3A_135 = arith.constant 0 : index
    %get3A_136 = arith.constant 0 : index
    %get3A_137 = vector.load %arg1[%get3A_134, %get3A_135, %get3A_136] : memref<1x1x512xi32, #tpu.memory_space<vmem>>, vector<1x1x512xi32>
    %get3A_138 = vector.shape_cast %get3A_137 : vector<1x1x512xi32> to vector<512xi32>
    %iota3A_139 = tpu.iota {dimensions = array<i32: 1>} : vector<512x128xi32>
    %jit3A_140 = arith.constant 4 : i32
    %div3A_141 = vector.broadcast %jit3A_140 : i32 to vector<512x128xi32>
    %div3A_142 = arith.divsi %iota3A_139, %div3A_141 : vector<512x128xi32>
    %sign3A_143 = arith.constant 0 : i32
    %sign3A_144 = vector.broadcast %sign3A_143 : i32 to vector<512x128xi32>
    %sign3A_145 = arith.cmpi sgt, %iota3A_139, %sign3A_144 : vector<512x128xi32>
    %sign3A_146 = arith.extui %sign3A_145 : vector<512x128xi1> to vector<512x128xi32>
    %sign3A_147 = arith.constant 0 : i32
    %sign3A_148 = vector.broadcast %sign3A_147 : i32 to vector<512x128xi32>
    %sign3A_149 = arith.cmpi slt, %iota3A_139, %sign3A_148 : vector<512x128xi32>
    %sign3A_150 = arith.extui %sign3A_149 : vector<512x128xi1> to vector<512x128xi32>
    %sign3A_151 = arith.subi %sign3A_146, %sign3A_150 : vector<512x128xi32>
    %sign3A_152 = arith.constant 0 : i32
    %sign3A_153 = arith.cmpi sgt, %jit3A_140, %sign3A_152 : i32
    %sign3A_154 = arith.extui %sign3A_153 : i1 to i32
    %sign3A_155 = arith.constant 0 : i32
    %sign3A_156 = arith.cmpi slt, %jit3A_140, %sign3A_155 : i32
    %sign3A_157 = arith.extui %sign3A_156 : i1 to i32
    %sign3A_158 = arith.subi %sign3A_154, %sign3A_157 : i32
    %ne3A_159 = vector.broadcast %sign3A_158 : i32 to vector<512x128xi32>
    %ne3A_160 = arith.cmpi ne, %sign3A_151, %ne3A_159 : vector<512x128xi32>
    %rem3A_161 = vector.broadcast %jit3A_140 : i32 to vector<512x128xi32>
    %rem3A_162 = arith.remsi %iota3A_139, %rem3A_161 : vector<512x128xi32>
    %ne3A_163 = arith.constant 0 : i32
    %ne3A_164 = vector.broadcast %ne3A_163 : i32 to vector<512x128xi32>
    %ne3A_165 = arith.cmpi ne, %rem3A_162, %ne3A_164 : vector<512x128xi32>
    %and3A_166 = arith.andi %ne3A_160, %ne3A_165 : vector<512x128xi1>
    %sub3A_167 = arith.constant 1 : i32
    %sub3A_168 = vector.broadcast %sub3A_167 : i32 to vector<512x128xi32>
    %sub3A_169 = arith.subi %div3A_142, %sub3A_168 : vector<512x128xi32>
    %select_n3A_170 = arith.select %and3A_166, %sub3A_169, %div3A_142 : vector<512x128xi1>, vector<512x128xi32>
    %broadcast_in_dim3A_171 = vector.shape_cast %get3A_138 : vector<512xi32> to vector<512x1xi32>
    %eq3A_172 = vector.broadcast %broadcast_in_dim3A_171 : vector<512x1xi32> to vector<512x128xi32>
    %eq3A_173 = arith.cmpi eq, %select_n3A_170, %eq3A_172 : vector<512x128xi32>
    %dot_general3A_174 = arith.constant dense<0.000000e+00> : vector<512x128xf32>
    %dot_general3A_175 = tpu.matmul %exp3A_102, %convert_element_type3A_133, %dot_general3A_174 {dimension_numbers = #tpu.dot_dimension_numbers<[1], [0], [0], [1], [0, 0, 1, 1], [], []>, transpose_lhs_hint = false} : vector<512x4xf32>, vector<4x128xf32>, vector<512x128xf32> -> vector<512x128xf32>
    %jit3A_176 = arith.constant 0.000000e+00 : f32
    %broadcast_in_dim3A_177 = vector.broadcast %jit3A_176 : f32 to vector<512x128xf32>
    %select_n3A_178 = arith.select %eq3A_173, %dot_general3A_175, %broadcast_in_dim3A_177 : vector<512x128xi1>, vector<512x128xf32>
    %swap3A_179 = arith.constant 0 : index
    %swap3A_180 = arith.constant 0 : index
    %swap3A_181 = vector.load %arg8[%swap3A_179, %swap3A_180] : memref<512x128xf32, #tpu.memory_space<vmem>>, vector<512x128xf32>
    tpu.vector_store %arg8[%swap3A_179, %swap3A_180], %select_n3A_178 {strides = array<i32>} : memref<512x128xf32, #tpu.memory_space<vmem>>, vector<512x128xf32>,
    return
  }
  func.func @transform_0(%arg0: i32) -> (i32, i32, i32) {
    %c0_i32 = arith.constant 0 : i32
    %c0_i32_0 = arith.constant 0 : i32
    %c0_i32_1 = arith.constant 0 : i32
    return %arg0, %c0_i32, %c0_i32_0 : i32, i32, i32
  }
  func.func @transform_1(%arg0: i32) -> (i32, i32) {
    %c0_i32 = arith.constant 0 : i32
    %c0_i32_0 = arith.constant 0 : i32
    return %arg0, %c0_i32 : i32, i32
  }
  func.func @transform_2(%arg0: i32) -> (i32, i32) {
    %c0_i32 = arith.constant 0 : i32
    %c0_i32_0 = arith.constant 0 : i32
    return %arg0, %c0_i32 : i32, i32
  }
  func.func @transform_3(%arg0: i32) -> (i32, i32) {
    %c0_i32 = arith.constant 0 : i32
    %c0_i32_0 = arith.constant 0 : i32
    return %arg0, %c0_i32 : i32, i32
  }
  func.func @transform_4(%arg0: i32) -> (i32, i32) {
    %c0_i32 = arith.constant 0 : i32
    %c0_i32_0 = arith.constant 0 : i32
    return %arg0, %c0_i32 : i32, i32
  }
  func.func @transform_5(%arg0: i32) -> (i32, i32) {
    %c0_i32 = arith.constant 0 : i32
    %c0_i32_0 = arith.constant 0 : i32
    %c0_i32_1 = arith.constant 0 : i32
    return %c0_i32, %c0_i32_0 : i32, i32
  }
  func.func @transform_6(%arg0: i32) -> (i32, i32) {
    %c0_i32 = arith.constant 0 : i32
    %c0_i32_0 = arith.constant 0 : i32
    return %arg0, %c0_i32 : i32, i32
  }
  func.func @transform_7(%arg0: i32) -> (i32, i32) {
    %c0_i32 = arith.constant 0 : i32
    %c0_i32_0 = arith.constant 0 : i32
    return %arg0, %c0_i32 : i32, i32
  }
}

module attributes {stable_mosaic.version = 14 : i64} {
  func.func @_update_body(%arg0: i32, %arg1: memref<2x512x128xf32, #tpu.memory_space<vmem>>, %arg2: memref<2x512x4xf32, #tpu.memory_space<vmem>>, %arg3: memref<512x128xf32, #tpu.memory_space<vmem>>, %arg4: memref<128x128xf32, #tpu.memory_space<vmem>>, %arg5: memref<128x128xf32, #tpu.memory_space<vmem>>, %arg6: memref<1x128xf32, #tpu.memory_space<vmem>>, %arg7: memref<512x128xf32, #tpu.memory_space<vmem>>) attributes {dimension_semantics = [#tpu.dimension_semantics<arbitrary>], iteration_bounds = array<i64: 20>, scalar_prefetch = 0 : i64, scratch_operands = 0 : i64, tpu.core_type = #tpu.core_type<tc>, window_params = [{transform_indices = @transform_0, window_bounds = array<i64: 2, 512, 128>}, {transform_indices = @transform_1, window_bounds = array<i64: 2, 512, 4>}, {transform_indices = @transform_2, window_bounds = array<i64: 512, 128>}, {pipeline_mode = #tpu.pipeline_mode<synchronous>, transform_indices = @transform_3, window_bounds = array<i64: 128, 128>}, {pipeline_mode = #tpu.pipeline_mode<synchronous>, transform_indices = @transform_4, window_bounds = array<i64: 128, 128>}, {pipeline_mode = #tpu.pipeline_mode<synchronous>, transform_indices = @transform_5, window_bounds = array<i64: 1, 128>}, {transform_indices = @transform_6, window_bounds = array<i64: 512, 128>}]} {
    %get3A = arith.constant 0 : index
    %get3A_0 = arith.constant 0 : index
    %get3A_1 = arith.constant 0 : index
    %get3A_2 = vector.load %arg1[%get3A, %get3A_0, %get3A_1] : memref<2x512x128xf32, #tpu.memory_space<vmem>>, vector<1x512x128xf32>
    %get3A_3 = vector.shape_cast %get3A_2 : vector<1x512x128xf32> to vector<512x128xf32>
    %get3A_4 = arith.constant 1 : index
    %get3A_5 = arith.constant 0 : index
    %get3A_6 = arith.constant 0 : index
    %get3A_7 = vector.load %arg1[%get3A_4, %get3A_5, %get3A_6] : memref<2x512x128xf32, #tpu.memory_space<vmem>>, vector<1x512x128xf32>
    %get3A_8 = vector.shape_cast %get3A_7 : vector<1x512x128xf32> to vector<512x128xf32>
    %add3A = arith.addf %get3A_3, %get3A_8 : vector<512x128xf32>
    %get3A_9 = arith.constant 0 : index
    %get3A_10 = arith.constant 0 : index
    %get3A_11 = arith.constant 0 : index
    %get3A_12 = vector.load %arg2[%get3A_9, %get3A_10, %get3A_11] : memref<2x512x4xf32, #tpu.memory_space<vmem>>, vector<1x512x4xf32>
    %get3A_13 = vector.shape_cast %get3A_12 : vector<1x512x4xf32> to vector<512x4xf32>
    %get3A_14 = arith.constant 1 : index
    %get3A_15 = arith.constant 0 : index
    %get3A_16 = arith.constant 0 : index
    %get3A_17 = vector.load %arg2[%get3A_14, %get3A_15, %get3A_16] : memref<2x512x4xf32, #tpu.memory_space<vmem>>, vector<1x512x4xf32>
    %get3A_18 = vector.shape_cast %get3A_17 : vector<1x512x4xf32> to vector<512x4xf32>
    %add3A_19 = arith.addf %get3A_13, %get3A_18 : vector<512x4xf32>
    %iota3A = tpu.iota {dimensions = array<i32: 1>} : vector<4x128xi32>
    %jit3A = arith.constant 32 : i32
    %div3A = vector.broadcast %jit3A : i32 to vector<4x128xi32>
    %div3A_20 = arith.divsi %iota3A, %div3A : vector<4x128xi32>
    %sign3A = arith.constant 0 : i32
    %sign3A_21 = vector.broadcast %sign3A : i32 to vector<4x128xi32>
    %sign3A_22 = arith.cmpi sgt, %iota3A, %sign3A_21 : vector<4x128xi32>
    %sign3A_23 = arith.extui %sign3A_22 : vector<4x128xi1> to vector<4x128xi32>
    %sign3A_24 = arith.constant 0 : i32
    %sign3A_25 = vector.broadcast %sign3A_24 : i32 to vector<4x128xi32>
    %sign3A_26 = arith.cmpi slt, %iota3A, %sign3A_25 : vector<4x128xi32>
    %sign3A_27 = arith.extui %sign3A_26 : vector<4x128xi1> to vector<4x128xi32>
    %sign3A_28 = arith.subi %sign3A_23, %sign3A_27 : vector<4x128xi32>
    %sign3A_29 = arith.constant 0 : i32
    %sign3A_30 = arith.cmpi sgt, %jit3A, %sign3A_29 : i32
    %sign3A_31 = arith.extui %sign3A_30 : i1 to i32
    %sign3A_32 = arith.constant 0 : i32
    %sign3A_33 = arith.cmpi slt, %jit3A, %sign3A_32 : i32
    %sign3A_34 = arith.extui %sign3A_33 : i1 to i32
    %sign3A_35 = arith.subi %sign3A_31, %sign3A_34 : i32
    %ne3A = vector.broadcast %sign3A_35 : i32 to vector<4x128xi32>
    %ne3A_36 = arith.cmpi ne, %sign3A_28, %ne3A : vector<4x128xi32>
    %rem3A = vector.broadcast %jit3A : i32 to vector<4x128xi32>
    %rem3A_37 = arith.remsi %iota3A, %rem3A : vector<4x128xi32>
    %ne3A_38 = arith.constant 0 : i32
    %ne3A_39 = vector.broadcast %ne3A_38 : i32 to vector<4x128xi32>
    %ne3A_40 = arith.cmpi ne, %rem3A_37, %ne3A_39 : vector<4x128xi32>
    %and3A = arith.andi %ne3A_36, %ne3A_40 : vector<4x128xi1>
    %sub3A = arith.constant 1 : i32
    %sub3A_41 = vector.broadcast %sub3A : i32 to vector<4x128xi32>
    %sub3A_42 = arith.subi %div3A_20, %sub3A_41 : vector<4x128xi32>
    %select_n3A = arith.select %and3A, %sub3A_42, %div3A_20 : vector<4x128xi1>, vector<4x128xi32>
    %iota3A_43 = tpu.iota {dimensions = array<i32: 0>} : vector<4x128xi32>
    %eq3A = arith.cmpi eq, %select_n3A, %iota3A_43 : vector<4x128xi32>
    %convert_element_type3A = arith.extui %eq3A : vector<4x128xi1> to vector<4x128xi32>
    %convert_element_type3A_44 = arith.sitofp %convert_element_type3A : vector<4x128xi32> to vector<4x128xf32>
    %dot_general3A = arith.constant dense<0.000000e+00> : vector<512x128xf32>
    %dot_general3A_45 = tpu.matmul %add3A_19, %convert_element_type3A_44, %dot_general3A {dimension_numbers = #tpu.dot_dimension_numbers<[1], [0], [0], [1], [0, 0, 1, 1], [], []>, transpose_lhs_hint = false} : vector<512x4xf32>, vector<4x128xf32>, vector<512x128xf32> -> vector<512x128xf32>
    %add3A_46 = arith.constant 1.000000e-16 : f32
    %add3A_47 = vector.broadcast %add3A_46 : f32 to vector<512x128xf32>
    %add3A_48 = arith.addf %dot_general3A_45, %add3A_47 : vector<512x128xf32>
    %div3A_49 = arith.divf %add3A, %add3A_48 : vector<512x128xf32>
    %get3A_50 = arith.constant 0 : index
    %get3A_51 = arith.constant 0 : index
    %get3A_52 = vector.load %arg3[%get3A_50, %get3A_51] : memref<512x128xf32, #tpu.memory_space<vmem>>, vector<512x128xf32>
    %get3A_53 = arith.constant 0 : index
    %get3A_54 = arith.constant 0 : index
    %get3A_55 = vector.load %arg4[%get3A_53, %get3A_54] : memref<128x128xf32, #tpu.memory_space<vmem>>, vector<128x128xf32>
    %dot_general3A_56 = arith.constant dense<0.000000e+00> : vector<512x128xf32>
    %dot_general3A_57 = tpu.matmul %get3A_52, %get3A_55, %dot_general3A_56 {dimension_numbers = #tpu.dot_dimension_numbers<[1], [0], [0], [1], [0, 0, 1, 1], [], []>, transpose_lhs_hint = false} : vector<512x128xf32>, vector<128x128xf32>, vector<512x128xf32> -> vector<512x128xf32>
    %add3A_58 = arith.addf %div3A_49, %dot_general3A_57 : vector<512x128xf32>
    %get3A_59 = arith.constant 0 : index
    %get3A_60 = arith.constant 0 : index
    %get3A_61 = vector.load %arg5[%get3A_59, %get3A_60] : memref<128x128xf32, #tpu.memory_space<vmem>>, vector<128x128xf32>
    %dot_general3A_62 = arith.constant dense<0.000000e+00> : vector<512x128xf32>
    %dot_general3A_63 = tpu.matmul %add3A_58, %get3A_61, %dot_general3A_62 {dimension_numbers = #tpu.dot_dimension_numbers<[1], [0], [0], [1], [0, 0, 1, 1], [], []>, transpose_lhs_hint = false} : vector<512x128xf32>, vector<128x128xf32>, vector<512x128xf32> -> vector<512x128xf32>
    %get3A_64 = arith.constant 0 : index
    %get3A_65 = arith.constant 0 : index
    %get3A_66 = vector.load %arg6[%get3A_64, %get3A_65] : memref<1x128xf32, #tpu.memory_space<vmem>>, vector<1x128xf32>
    %add3A_67 = vector.broadcast %get3A_66 : vector<1x128xf32> to vector<512x128xf32>
    %add3A_68 = arith.addf %dot_general3A_63, %add3A_67 : vector<512x128xf32>
    %integer_pow3A = arith.mulf %add3A_68, %add3A_68 : vector<512x128xf32>
    %integer_pow3A_69 = arith.mulf %add3A_68, %integer_pow3A : vector<512x128xf32>
    %mul3A = arith.constant 4.471500e-02 : f32
    %mul3A_70 = vector.broadcast %mul3A : f32 to vector<512x128xf32>
    %mul3A_71 = arith.mulf %mul3A_70, %integer_pow3A_69 : vector<512x128xf32>
    %add3A_72 = arith.addf %add3A_68, %mul3A_71 : vector<512x128xf32>
    %mul3A_73 = arith.constant 0.797884583 : f32
    %mul3A_74 = vector.broadcast %mul3A_73 : f32 to vector<512x128xf32>
    %mul3A_75 = arith.mulf %mul3A_74, %add3A_72 : vector<512x128xf32>
    %tanh3A = math.tanh %mul3A_75 : vector<512x128xf32>
    %add3A_76 = arith.constant 1.000000e+00 : f32
    %add3A_77 = vector.broadcast %add3A_76 : f32 to vector<512x128xf32>
    %add3A_78 = arith.addf %add3A_77, %tanh3A : vector<512x128xf32>
    %mul3A_79 = arith.constant 5.000000e-01 : f32
    %mul3A_80 = vector.broadcast %mul3A_79 : f32 to vector<512x128xf32>
    %mul3A_81 = arith.mulf %mul3A_80, %add3A_78 : vector<512x128xf32>
    %mul3A_82 = arith.mulf %add3A_68, %mul3A_81 : vector<512x128xf32>
    %reduce_sum3A = arith.constant dense<0.000000e+00> : vector<512xf32>
    %reduce_sum3A_83 = vector.multi_reduction <add>, %mul3A_82, %reduce_sum3A [1] : vector<512x128xf32> to vector<512xf32>
    %broadcast_in_dim3A = vector.shape_cast %reduce_sum3A_83 : vector<512xf32> to vector<512x1xf32>
    %div3A_84 = arith.constant 1.280000e+02 : f32
    %div3A_85 = vector.broadcast %div3A_84 : f32 to vector<512x1xf32>
    %div3A_86 = arith.divf %broadcast_in_dim3A, %div3A_85 : vector<512x1xf32>
    %jit3A_87 = arith.constant 0 : i32
    %reduce_sum3A_88 = arith.constant dense<0.000000e+00> : vector<512xf32>
    %reduce_sum3A_89 = vector.multi_reduction <add>, %mul3A_82, %reduce_sum3A_88 [1] : vector<512x128xf32> to vector<512xf32>
    %broadcast_in_dim3A_90 = vector.shape_cast %reduce_sum3A_89 : vector<512xf32> to vector<512x1xf32>
    %div3A_91 = arith.constant 1.280000e+02 : f32
    %div3A_92 = vector.broadcast %div3A_91 : f32 to vector<512x1xf32>
    %div3A_93 = arith.divf %broadcast_in_dim3A_90, %div3A_92 : vector<512x1xf32>
    %sub3A_94 = vector.broadcast %div3A_93 : vector<512x1xf32> to vector<512x128xf32>
    %sub3A_95 = arith.subf %mul3A_82, %sub3A_94 : vector<512x128xf32>
    %square3A = arith.mulf %sub3A_95, %sub3A_95 : vector<512x128xf32>
    %convert_element_type3A_96 = arith.sitofp %jit3A_87 : i32 to f32
    %sub3A_97 = arith.constant 1.280000e+02 : f32
    %sub3A_98 = arith.subf %sub3A_97, %convert_element_type3A_96 : f32
    %reduce_sum3A_99 = arith.constant dense<0.000000e+00> : vector<512xf32>
    %reduce_sum3A_100 = vector.multi_reduction <add>, %square3A, %reduce_sum3A_99 [1] : vector<512x128xf32> to vector<512xf32>
    %broadcast_in_dim3A_101 = vector.shape_cast %reduce_sum3A_100 : vector<512xf32> to vector<512x1xf32>
    %div3A_102 = vector.broadcast %sub3A_98 : f32 to vector<512x1xf32>
    %div3A_103 = arith.divf %broadcast_in_dim3A_101, %div3A_102 : vector<512x1xf32>
    %gt3A = arith.constant 0.000000e+00 : f32
    %gt3A_104 = arith.cmpf ogt, %sub3A_98, %gt3A : f32
    %jit3A_105 = arith.constant 0x7FC00000 : f32
    %broadcast_in_dim3A_106 = vector.broadcast %jit3A_105 : f32 to vector<512x1xf32>
    %select_n3A_107 = arith.select %gt3A_104, %div3A_103, %broadcast_in_dim3A_106 : vector<512x1xf32>
    %sub3A_108 = vector.broadcast %div3A_86 : vector<512x1xf32> to vector<512x128xf32>
    %sub3A_109 = arith.subf %mul3A_82, %sub3A_108 : vector<512x128xf32>
    %add3A_110 = arith.constant 9.99999974E-6 : f32
    %add3A_111 = vector.broadcast %add3A_110 : f32 to vector<512x1xf32>
    %add3A_112 = arith.addf %select_n3A_107, %add3A_111 : vector<512x1xf32>
    %sqrt3A = math.sqrt %add3A_112 : vector<512x1xf32>
    %div3A_113 = vector.broadcast %sqrt3A : vector<512x1xf32> to vector<512x128xf32>
    %div3A_114 = arith.divf %sub3A_109, %div3A_113 : vector<512x128xf32>
    %swap3A = arith.constant 0 : index
    %swap3A_115 = arith.constant 0 : index
    %swap3A_116 = vector.load %arg7[%swap3A, %swap3A_115] : memref<512x128xf32, #tpu.memory_space<vmem>>, vector<512x128xf32>
    tpu.vector_store %arg7[%swap3A, %swap3A_115], %div3A_114 {strides = array<i32>} : memref<512x128xf32, #tpu.memory_space<vmem>>, vector<512x128xf32>,
    return
  }
  func.func @transform_0(%arg0: i32) -> (i32, i32, i32) {
    %c0_i32 = arith.constant 0 : i32
    %c0_i32_0 = arith.constant 0 : i32
    %c0_i32_1 = arith.constant 0 : i32
    return %c0_i32, %arg0, %c0_i32_0 : i32, i32, i32
  }
  func.func @transform_1(%arg0: i32) -> (i32, i32, i32) {
    %c0_i32 = arith.constant 0 : i32
    %c0_i32_0 = arith.constant 0 : i32
    %c0_i32_1 = arith.constant 0 : i32
    return %c0_i32, %arg0, %c0_i32_0 : i32, i32, i32
  }
  func.func @transform_2(%arg0: i32) -> (i32, i32) {
    %c0_i32 = arith.constant 0 : i32
    %c0_i32_0 = arith.constant 0 : i32
    return %arg0, %c0_i32 : i32, i32
  }
  func.func @transform_3(%arg0: i32) -> (i32, i32) {
    %c0_i32 = arith.constant 0 : i32
    %c0_i32_0 = arith.constant 0 : i32
    %c0_i32_1 = arith.constant 0 : i32
    return %c0_i32, %c0_i32_0 : i32, i32
  }
  func.func @transform_4(%arg0: i32) -> (i32, i32) {
    %c0_i32 = arith.constant 0 : i32
    %c0_i32_0 = arith.constant 0 : i32
    %c0_i32_1 = arith.constant 0 : i32
    return %c0_i32, %c0_i32_0 : i32, i32
  }
  func.func @transform_5(%arg0: i32) -> (i32, i32) {
    %c0_i32 = arith.constant 0 : i32
    %c0_i32_0 = arith.constant 0 : i32
    %c0_i32_1 = arith.constant 0 : i32
    return %c0_i32, %c0_i32_0 : i32, i32
  }
  func.func @transform_6(%arg0: i32) -> (i32, i32) {
    %c0_i32 = arith.constant 0 : i32
    %c0_i32_0 = arith.constant 0 : i32
    return %arg0, %c0_i32 : i32, i32
  }
}

module attributes {stable_mosaic.version = 14 : i64} {
  func.func @_pool_body(%arg0: i32, %arg1: memref<1x1x512xi32, #tpu.memory_space<vmem>>, %arg2: memref<512x128xf32, #tpu.memory_space<vmem>>, %arg3: memref<32x128xf32, #tpu.memory_space<vmem>>) attributes {dimension_semantics = [#tpu.dimension_semantics<arbitrary>], iteration_bounds = array<i64: 20>, scalar_prefetch = 0 : i64, scratch_operands = 0 : i64, tpu.core_type = #tpu.core_type<tc>, window_params = [{transform_indices = @transform_0, window_bounds = array<i64: 1, 1, 512>}, {transform_indices = @transform_1, window_bounds = array<i64: 512, 128>}, {pipeline_mode = #tpu.pipeline_mode<synchronous>, transform_indices = @transform_2, window_bounds = array<i64: 32, 128>}]} {
    %eq3A = arith.constant 0 : i32
    %eq3A_0 = arith.cmpi eq, %arg0, %eq3A : i32
    %convert_element_type3A = arith.extui %eq3A_0 : i1 to i32
    %cond3A = arith.constant 0 : i32
    %cond3A_1 = arith.cmpi ne, %convert_element_type3A, %cond3A : i32
    scf.if %cond3A_1 {
      %broadcast_in_dim3A_19 = arith.constant 0.000000e+00 : f32
      %broadcast_in_dim3A_20 = vector.broadcast %broadcast_in_dim3A_19 : f32 to vector<32x128xf32>
      %swap3A_21 = arith.constant 0 : index
      %swap3A_22 = arith.constant 0 : index
      %swap3A_23 = vector.load %arg3[%swap3A_21, %swap3A_22] : memref<32x128xf32, #tpu.memory_space<vmem>>, vector<32x128xf32>
      tpu.vector_store %arg3[%swap3A_21, %swap3A_22], %broadcast_in_dim3A_20 {strides = array<i32>} : memref<32x128xf32, #tpu.memory_space<vmem>>, vector<32x128xf32>,
    } else {
    }
    %get3A = arith.constant 0 : index
    %get3A_2 = arith.constant 0 : index
    %get3A_3 = arith.constant 0 : index
    %get3A_4 = vector.load %arg1[%get3A, %get3A_2, %get3A_3] : memref<1x1x512xi32, #tpu.memory_space<vmem>>, vector<1x1x512xi32>
    %get3A_5 = vector.shape_cast %get3A_4 : vector<1x1x512xi32> to vector<512xi32>
    %broadcast_in_dim3A = vector.shape_cast %get3A_5 : vector<512xi32> to vector<512x1xi32>
    %iota3A = tpu.iota {dimensions = array<i32: 1>} : vector<512x32xi32>
    %eq3A_6 = vector.broadcast %broadcast_in_dim3A : vector<512x1xi32> to vector<512x32xi32>
    %eq3A_7 = arith.cmpi eq, %eq3A_6, %iota3A : vector<512x32xi32>
    %convert_element_type3A_8 = arith.extui %eq3A_7 : vector<512x32xi1> to vector<512x32xi32>
    %convert_element_type3A_9 = arith.sitofp %convert_element_type3A_8 : vector<512x32xi32> to vector<512x32xf32>
    %get3A_10 = arith.constant 0 : index
    %get3A_11 = arith.constant 0 : index
    %get3A_12 = vector.load %arg3[%get3A_10, %get3A_11] : memref<32x128xf32, #tpu.memory_space<vmem>>, vector<32x128xf32>
    %get3A_13 = arith.constant 0 : index
    %get3A_14 = arith.constant 0 : index
    %get3A_15 = vector.load %arg2[%get3A_13, %get3A_14] : memref<512x128xf32, #tpu.memory_space<vmem>>, vector<512x128xf32>
    %dot_general3A = arith.constant dense<0.000000e+00> : vector<32x128xf32>
    %dot_general3A_16 = tpu.matmul %convert_element_type3A_9, %get3A_15, %dot_general3A {dimension_numbers = #tpu.dot_dimension_numbers<[0], [0], [1], [1], [0, 1, 1, 1], [], []>, transpose_lhs_hint = false} : vector<512x32xf32>, vector<512x128xf32>, vector<32x128xf32> -> vector<32x128xf32>
    %add3A = arith.addf %get3A_12, %dot_general3A_16 : vector<32x128xf32>
    %swap3A = arith.constant 0 : index
    %swap3A_17 = arith.constant 0 : index
    %swap3A_18 = vector.load %arg3[%swap3A, %swap3A_17] : memref<32x128xf32, #tpu.memory_space<vmem>>, vector<32x128xf32>
    tpu.vector_store %arg3[%swap3A, %swap3A_17], %add3A {strides = array<i32>} : memref<32x128xf32, #tpu.memory_space<vmem>>, vector<32x128xf32>,
    return
  }
  func.func @transform_0(%arg0: i32) -> (i32, i32, i32) {
    %c0_i32 = arith.constant 0 : i32
    %c0_i32_0 = arith.constant 0 : i32
    %c0_i32_1 = arith.constant 0 : i32
    return %arg0, %c0_i32, %c0_i32_0 : i32, i32, i32
  }
  func.func @transform_1(%arg0: i32) -> (i32, i32) {
    %c0_i32 = arith.constant 0 : i32
    %c0_i32_0 = arith.constant 0 : i32
    return %arg0, %c0_i32 : i32, i32
  }
  func.func @transform_2(%arg0: i32) -> (i32, i32) {
    %c0_i32 = arith.constant 0 : i32
    %c0_i32_0 = arith.constant 0 : i32
    %c0_i32_1 = arith.constant 0 : i32
    return %c0_i32, %c0_i32_0 : i32, i32
  }
}

</mosaic_0001>

<sc_bundles>
// kernel: kernel.15.cloned.1.call-start
scs
__scs_entry_jumppad:
0x0: {  	(pc) =	sbr.rel $0x88, $3  }
0x1: {  	(tag) =	ssettag $0x0;
	lr =	simm.s32 $0x1  }
0x2: {  	[smem:$0x3F93] =	sst lr;
	_ =	strace $0xD0000000  }
0x3: {  	_ = 	snop  }
0x4: {  	_ = 	snop  }
0x5: {  	_ = 	snop  }
0x6: {  	_ = 	snop  }
0x7: {  	_ = 	snop  }
__scs_overlays_trampoline_lowered:
0x8: {  	[smem:$0x3FA2] =	sst s0  }
0x9: {  	[smem:$0x3FA3] =	sst s1  }
0xa: {  	[smem:$0x3FA4] =	sst s2  }
0xb: {  	[smem:$0x3FA5] =	sst s3  }
0xc: {  	[smem:$0x3FA6] =	sst s4  }
0xd: {  	[smem:$0x3FA7] =	sst s5  }
0xe: {  	[smem:$0x3FA8] =	sst s6  }
0xf: {  	[smem:$0x3FA9] =	sst s7  }
0x10: {  	[smem:$0x3FAA] =	sst s8  }
0x11: {  	[smem:$0x3FAB] =	sst s9;
	s0 =	simm.s32 @!p0 $0x0  }
0x12: {  	s1 =	sld [smem:$0x3F91];
	s0 =	simm.s32 @p0 $0x1  }
0x13: {  	[smem:$0x3FAC] =	sst s0;
	s0 =	simm.s32 @!p1 $0x0  }
0x14: {  	s2 =	sld [smem:$0x3F90];
	s0 =	simm.s32 @p1 $0x1  }
0x15: {  	[smem:$0x3FAD] =	sst s0;
	s0 =	simm.s32 @!p2 $0x0  }
0x16: {  	s3 =	sld [smem:$0x3FDB];
	s0 =	simm.s32 @p2 $0x1  }
0x17: {  	s4 =	simm.s32 $0x1BF5;
	[smem:$0x3FAF] =	sst s0  }
0x18: {  	s0 =	sld [smem:$0x3F92];
	_ =	swait.ge [sflag:s4], $0x0  }
0x19: {  	s7 =	sld [smem:$0x3F93]  }
0x1a: {  	s8 =	sadd.s32 $0xFFFFE003, lr  }
0x1b: {  	s9 =	sadd.s32 $0xFFFFFEF7, lr;
	s5 =	simm.s32 $0xFFFFFFFF;
	p2 =	slt.u32 s8, $0xFFFFF086  }
0x1c: {  	p1 =	slt.u32 s9, $0xF7A;
	s5 =	simm.s32 @!p2 $0x0  }
0x1d: {  	s5 =	simm.s32 @p1 $0x1;
	p0 =	seq.s32 s7, s2  }
0x1e: {  	s7 =	smul.u32 @!p0 $0xF7A, s2;
	p2 =	seq.s32 @!p0 s5, $0x0  }
0x1f: {  	s9 =	smul.u32 $0xF7A, s1;
	s8 =	simm.s32 @!p0 $0x1BF5;
	p2 =	por !p2, p0  }
0x20: {  	[sflag:s8] =	ssyncset.s32 @!p0 $0xFFFFF086;
	s6 =	sadd.s32 @!p0 s3, s7;
	s7 =	simm.s32 @!p0 $0x108  }
0x21: {  	s3 =	sadd.s32 s3, s9;
	s6 =	sadd.s32 @!p0 $0x88, s6;
	s7 =	simm.s32 @p2 $0x1082  }
0x22: {  	[simem:s7], [sflag:s8] =	dma.local @!p0 [hbm:s6], $0xF7A  }
0x23: {  	s9 =	sor.u32 $0xD0000000, s2;
	s6 =	simm.s32 $0x108;
	_ =	swait.ge @!p0 [sflag:s8], $0x0  }
0x24: {  	s3 =	sadd.s32 $0x88, s3;
	s6 =	simm.s32 @!p1 $0x1082;
	[sflag:s4] =	ssyncset.s32 $0xFFFFF086  }
0x25: {  	[simem:s6], [sflag:s4] =	dma.local [hbm:s3], $0xF7A  }
0x26: {  	[smem:$0x3F93] =	sst s1;
	(tag) =	ssettag s2;
	_ =	strace s9  }
0x27: {  	s1 =	sld [smem:$0x3FA3]  }
0x28: {  	s2 =	sld [smem:$0x3FA4]  }
0x29: {  	s4 =	sld [smem:$0x3FA6]  }
0x2a: {  	p0 =	seq.s32 s5, $0x0;
	s5 =	sld [smem:$0x3FA7]  }
0x2b: {  	s6 =	sld [smem:$0x3FA8]  }
0x2c: {  	s7 =	sld [smem:$0x3FA9]  }
0x2d: {  	s3 =	simm.s32 $0x108;
	s8 =	sld [smem:$0x3FAA]  }
0x2e: {  	s3 =	simm.s32 @!p0 $0x1082;
	s9 =	sld [smem:$0x3FAB]  }
0x2f: {  	lr =	sadd.s32 s0, s3;
	s0 =	sld [smem:$0x3FA2]  }
0x30: {  	s3 =	sld [smem:$0x3FA5]  }
0x31: {  	[smem:$0x3FAE] =	sst s10  }
0x32: {  	s10 =	sld [smem:$0x3FAC];
	_ =	sdelay $0x3  }
0x33: {  	p0 =	seq.s32 s10, $0x1;
	s10 =	sld [smem:$0x3FAE];
	_ =	sdelay $0x3  }
0x34: {  	[smem:$0x3FAE] =	sst s10  }
0x35: {  	s10 =	sld [smem:$0x3FAD];
	_ =	sdelay $0x3  }
0x36: {  	p1 =	seq.s32 s10, $0x1;
	s10 =	sld [smem:$0x3FAE];
	_ =	sdelay $0x3  }
0x37: {  	[smem:$0x3FAE] =	sst s10  }
0x38: {  	s10 =	sld [smem:$0x3FAF]  }
0x39: {  	_ = 	snop;
	(pc) =	sbr.ind lr, $3  }
0x3a: {  	_ = 	snop  }
0x3b: {  	_ = 	snop  }
0x3c: {  	p2 =	seq.s32 s10, $0x1;
	s10 =	sld [smem:$0x3FAE]  }
0x3d: {  	_ =	shalt  }
0x3e: {  	_ =	shalt  }
0x3f: {  	_ =	shalt  }
0x40: {  	_ =	shalt  }
0x41: {  	_ =	shalt  }
0x42: {  	_ =	shalt  }
0x43: {  	_ =	shalt  }
0x44: {  	_ =	shalt  }
0x45: {  	_ =	shalt  }
0x46: {  	_ =	shalt  }
0x47: {  	_ =	shalt  }
0x48: {  	_ =	shalt  }
0x49: {  	_ =	shalt  }
0x4a: {  	_ =	shalt  }
0x4b: {  	_ =	shalt  }
0x4c: {  	_ =	shalt  }
0x4d: {  	_ =	shalt  }
0x4e: {  	_ =	shalt  }
0x4f: {  	_ =	shalt  }
0x50: {  	_ =	shalt  }
0x51: {  	_ =	shalt  }
0x52: {  	_ =	shalt  }
0x53: {  	_ =	shalt  }
0x54: {  	_ =	shalt  }
0x55: {  	_ =	shalt  }
0x56: {  	_ =	shalt  }
0x57: {  	_ =	shalt  }
0x58: {  	_ =	shalt  }
0x59: {  	_ =	shalt  }
0x5a: {  	_ =	shalt  }
0x5b: {  	_ =	shalt  }
0x5c: {  	_ =	shalt  }
0x5d: {  	_ =	shalt  }
0x5e: {  	_ =	shalt  }
0x5f: {  	_ =	shalt  }
0x60: {  	_ =	shalt  }
0x61: {  	_ =	shalt  }
0x62: {  	_ =	shalt  }
0x63: {  	_ =	shalt  }
0x64: {  	_ =	shalt  }
0x65: {  	_ =	shalt  }
0x66: {  	_ =	shalt  }
0x67: {  	_ =	shalt  }
0x68: {  	_ =	shalt  }
0x69: {  	_ =	shalt  }
0x6a: {  	_ =	shalt  }
0x6b: {  	_ =	shalt  }
0x6c: {  	_ =	shalt  }
0x6d: {  	_ =	shalt  }
0x6e: {  	_ =	shalt  }
0x6f: {  	_ =	shalt  }
0x70: {  	_ =	shalt  }
0x71: {  	_ =	shalt  }
0x72: {  	_ =	shalt  }
0x73: {  	_ =	shalt  }
0x74: {  	_ =	shalt  }
0x75: {  	_ =	shalt  }
0x76: {  	_ =	shalt  }
0x77: {  	_ =	shalt  }
0x78: {  	_ =	shalt  }
0x79: {  	_ =	shalt  }
0x7a: {  	_ =	shalt  }
0x7b: {  	_ =	shalt  }
0x7c: {  	_ =	shalt  }
0x7d: {  	_ =	shalt  }
0x7e: {  	_ =	shalt  }
0x7f: {  	_ =	shalt  }
0x80: {  	_ =	shalt  }
0x81: {  	_ =	shalt  }
0x82: {  	_ =	shalt  }
0x83: {  	_ =	shalt  }
0x84: {  	_ =	shalt  }
0x85: {  	_ =	shalt  }
0x86: {  	_ =	shalt  }
0x87: {  	_ =	shalt  }
.Lfunc_end0:
.L_simem_size_0:
called_computation_lowered:
.L_overlay_start_0:
0x88: {  	s2 =	sld [smem:$0x3FD9]  }
0x89: {  	s3 =	sld [smem:$0x3FFE];
	_ =	sdelay $0x1  }
0x8a: {  	s1 =	srdreg.scid  }
0x8b: {  	s0 =	sand.u32 $0x1, s1  }
0x8c: {  	s17 =	sshll.u32 s0, $0xA;
	s2 =	sadd.s32 s3, s2  }
0x8d: {  	s2 =	sadd.s32 s2, s17  }
0x8e: {  	[smem:$0x3FBA] =	sst s2  }
0x8f: {  	_ = 	snop  }
0x90: {  	(tm) =	ssettm $0x1  }
0x91: {  	s18 =	sld [smem:$0x3FFB];
	_ =	sdelay $0x3  }
0x92: {  	_ =	strace s18  }
0x93: {  	s2 =	sld [smem:$0x3FFC];
	_ =	sdelay $0x3  }
0x94: {  	_ =	strace s2  }
0x95: {  	s2 =	sld [smem:$0x3FFD];
	_ =	sdelay $0x3  }
0x96: {  	_ =	strace s2  }
0x97: {  	_ =	strace $0x8FFFFFFF  }
0x98: {  	s19 =	sld [smem:$0x3FDB];
	_ =	sdelay $0x1  }
0x99: {  	s20 =	simm.s32 $_scs_section_size  }
0x9a: {  	s4 =	simm.s32 $_size__tile_overlayer_lowered;
	s5 =	simm.s32 $_tile_overlayer_lowered  }
0x9b: {  	s6 =	simm.s32 $0x1BFF;
	s21 =	sshll.u32 s5, $0x1;
	s3 =	sadd.s32 s20, s19  }
0x9c: {  	s22 =	simm.s32 $0x0;
	s4 =	sshll.u32 s4, $0x1;
	s5 =	sadd.s32 s21, s3  }
0x9d: {  	[timem:s22], [sflag:s6] =	dma.local [hbm:s5], s4  }
0x9e: {  	_ =	swait.ge [sflag:s6], s4  }
0x9f: {  	s4 =	ssub.s32 $0x0, s4;
	[sflag:s6] =	ssyncset.done $0x0  }
0xa0: {  	[sflag:s6] =	ssyncadd.s32 s4;
	_ =	sdelay $0x1  }
0xa1: {  	s23 =	simm.s32 $0x1B8B  }
0xa2: {  	_ =	swait.ge [sflag:s23], $0x1  }
0xa3: {  	[sflag:s23] =	ssyncset.done $0x0  }
0xa4: {  	[sflag:s23] =	ssyncadd.s32 $0xFFFFFFFF  }
0xa5: {  	s4 =	sld [smem:$0x0]  }
0xa6: {  	s5 =	sand.u32 $0xFFFFFFFE, s1  }
0xa7: {  	p0 =	sne.s32 s1, s5  }
0xa8: {  	s5 =	sshll.u32 @p0 s5, $0xE  }
0xa9: {  	s5 =	sadd.s32 @p0 $0x11B8D, s5;
	s6 =	sshll.u32 @p0 s4, $0x11  }
0xaa: {  	s5 =	sor.u32 @p0 s6, s5  }
0xab: {  	[sflag:s5] =	ssyncadd.remote.s32 @p0 $0x1;
	_ =	sdelay $0x1  }
0xac: {  	s5 =	simm.s32 @p0 $0x1B8D  }
0xad: {  	_ =	swait.eq @p0 [sflag:s5], $0x1  }
0xae: {  	[sflag:s5] =	ssyncadd.s32 @p0 $0xFFFFFFFF  }
0xaf: {  	s6 =	sshll.u32 @!p0 s1, $0xE  }
0xb0: {  	s6 =	sor.u32 @!p0 $0x4000, s6;
	s5 =	simm.s32 @!p0 $0x1B8D  }
0xb1: {  	s4 =	sshll.u32 @!p0 s4, $0x11;
	s6 =	sadd.s32 @!p0 $0x11B8D, s6;
	_ =	swait.eq @!p0 [sflag:s5], $0x1  }
0xb2: {  	s4 =	sor.u32 @!p0 s4, s6;
	[sflag:s5] =	ssyncadd.s32 @!p0 $0xFFFFFFFF  }
0xb3: {  	s25 =	simm.s32 $0x1B8E;
	s24 =	sld [smem:$0x3FFE];
	[sflag:s4] =	ssyncadd.remote.s32 @!p0 $0x1  }
0xb4: {  	s26 =	simm.s32 $execute0_lowered;
	[smem:$0x3FD2] =	sst s25  }
0xb5: {  	s5 =	sshll.u32 s26, $0x1;
	_ =	strace $0x80000049;
	[dreg:$0x1] =	wrdreg $0xFFFFFFFF  }
0xb6: {  	s28 =	simm.s32 $_size_execute0_lowered;
	s3 =	sadd.s32 s3, s5;
	[dreg:$0x0] =	wrdreg $0x0  }
0xb7: {  	s5 =	sshll.u32 s28, $0x1;
	[dreg:$0x2] =	wrdreg s3  }
0xb8: {  	[dreg:$0x3] =	wrdreg s5  }
0xb9: {  	[dreg:$0x4] =	wrdreg $0xC0  }
0xba: {  	_ =	task [dreg:s22], $0x5FFFF  }
0xbb: {  	[dreg:$0x1] =	wrdreg $0xFFFFFFFF  }
0xbc: {  	[dreg:$0x0] =	wrdreg $0x60  }
0xbd: {  	[dreg:$0x2] =	wrdreg s24  }
0xbe: {  	[dreg:$0x3] =	wrdreg $0x9  }
0xbf: {  	_ =	task.clear_ibuf [dreg:s22], $0x4FFFF;
	_ =	strace $0x90000049  }
0xc0: {  	s29 =	simm.s32 $0x9;
	_ =	strace $0x8000004B  }
0xc1: {  	_ =	swait.ge [sflag:s29], $0x1  }
0xc2: {  	[sflag:s29] =	ssyncadd.s32 $0xFFFFFFFF  }
0xc3: {  	_ =	strace $0x9000004B  }
0xc4: {  	_ =	sfence  }
0xc5: {  	s30 =	sld [smem:$0x0];
	_ =	sdelay $0x2  }
0xc6: {  	s31 =	sshll.u32 s1, $0xD;
	s1 =	sshrl.u32 s1, $0x2  }
0xc7: {  	s4 =	sand.u32 $0x4000, s31;
	s1 =	sadd.s32 s1, s30  }
0xc8: {  	s0 =	sor.u32 s4, s0;
	s1 =	sshll.u32 s1, $0x11  }
0xc9: {  	s0 =	sor.u32 s1, s0  }
0xca: {  	s0 =	sadd.s32 $0x8F2B, s0  }
0xcb: {  	[sflag:s0] =	ssyncadd.remote.s32 $0x1  }
0xcc: {  	_ =	sfence.sel $0xFFFF  }
0xcd: {  	[dreg:$0x0] =	wrdreg $0xFFFFFFFF;
	(pc) =	sbr.abs _section_cstart, $3  }
0xce: {  	[dreg:$0x1] =	wrdreg $0xFFFFFFFF  }
0xcf: {  	_ =	task.clear_ibuf [dreg:s22], $0x2FFFF;
	_ =	strace $0x9FFFFFFF  }
0xd0: {  	(tm) =	ssettm $0x7FFFFFFF  }
0xd1: {  	_ =	shalt  }
tec
execute0_lowered:
.L_overlay_start_1:
0x0: {  	(tag) =	ssettag $0x1  }
0x1: {  	s6 =	rddreg [dreg:$0x0]  }
0x2: {  	s0 =	rddreg [dreg:$0x1];
	s2 =	simm.s32 $0x0  }
0x3: {  	s3 =	srdreg.scid;
	s1 =	stileid.u32;
	s18 =	simm.s32 $0x2900  }
0x4: {  	s19 =	simm.s32 $0x0;
	[smem:$0x7FF] =	sst s2;
	s11 =	sand.u32 $0x1, s3  }
0x5: {  	s5 =	sshll.u32 s1, $0x1;
	s12 =	sadd.s32 $0xF8B600, s6;
	s15 =	smul.u32 $0x4E200, s1  }
0x6: {  	s3 =	sadd.s32 $0x1D600, s6;
	s14 =	sadd.s32 $0x146D600, s6;
	s16 =	smul.u32 $0x4E20, s1  }
0x7: {  	s4 =	sadd.s32 $0x8A00, s6;
	_ =	strace $0x8000004A;
	s17 =	smul.u32 $0x2710, s11  }
0x8: {  	s7 =	sor.u32 s11, s5;
	s8 =	ssub.s32 $0x2, s11;
	s28 =	smul.u32 $0x27100, s11  }
0x9: {  	s5 =	sadd.s32 $0x12800, s6;
	s9 =	smul.u32 $0x2710, s7;
	s10 =	sshrl.u32 s8, $0x1  }
0xa: {  	s13 =	smul.u32 $0x27100, s7;
	s29 =	sadd.s32 s15, s12;
	s30 =	sadd.s32 s15, s14  }
0xb: {  	s15 =	simm.s32 $0x1;
	s25 =	ssub.s32 s8, s10;
	s31 =	sadd.s32 s17, s16  }
0xc: {  	s11 =	sadd.s32 s28, s29;
	s16 =	simm.s32 $0x50;
	s17 =	simm.s32 $0x80  }
0xd: {  	s6 =	smax.u32 s25, $0x1;
	s26 =	sshrl.u32 s9, $0x3;
	s9 =	sadd.s32 s12, s13  }
0xe: {  	s10 =	sadd.s32 s14, s13;
	s12 =	sadd.s32 s28, s30;
	s13 =	sadd.s32 $0x50, s31  }
0xf: {  	s14 =	simm.s32 $0x2880;
	s7 =	sadd.s32 s4, s26;
	s8 =	sadd.s32 s5, s26  }
.LBB2_1:
0x10: {  	[tilespmem:s2], [sflag:$0x1] =	stream.linear.gather [hbm4b:s7+s2], $0x50, $0x38;
	[tilespmem:$0x5100] =	vst v63  }
0x11: {  	_ = 	snop  }
0x12: {  	[tilespmem:s14], [sflag:$0x1] =	stream.linear.gather [hbm4b:s8+s2], $0x50, $0x38;
	[tilespmem:$0x5100] =	vst v63  }
0x13: {  	_ =	swait.ge [sflag:s15], $0x50  }
0x14: {  	[sflag:s15] =	ssyncset.done $0x0  }
0x15: {  	[sflag:s15] =	ssyncadd.s32 $0xFFFFFFB0  }
0x16: {  	_ =	swait.ge [sflag:s15], $0x50  }
0x17: {  	[sflag:s15] =	ssyncset.done $0x0  }
0x18: {  	[sflag:s15] =	ssyncadd.s32 $0xFFFFFFB0  }
0x19: {  	[tilespmem:s17], [sflag:$0x1] =	stream.indirect.gather [hbm4b:s3+s16], $0x80, s2, s16, $0xb8;
	[tilespmem:$0x5100] =	vst v63  }
0x1a: {  	_ = 	snop  }
0x1b: {  	[tilespmem:s18], [sflag:$0x1] =	stream.indirect.gather [hbm4b:s3+s16], $0x80, s14, s16, $0xb8;
	[tilespmem:$0x5100] =	vst v63  }
0x1c: {  	_ =	swait.ge [sflag:s15], $0x2800  }
0x1d: {  	[sflag:s15] =	ssyncset.done $0x0  }
0x1e: {  	[sflag:s15] =	ssyncadd.s32 $0xFFFFD800  }
0x1f: {  	_ =	swait.ge [sflag:s15], $0x2800  }
0x20: {  	[sflag:s15] =	ssyncset.done $0x0  }
0x21: {  	[sflag:s15] =	ssyncadd.s32 $0xFFFFD800  }
0x22: {  	[hbm4b:s9+s2] =	stream.linear.scatter [tilespmem:s17], [sflag:$0x1], $0x2800, $0x38;
	[tilespmem:$0x5100] =	vst v63  }
0x23: {  	s20 =	sshrl.u32 s13, $0x3  }
0x24: {  	[hbm4b:s10+s2] =	stream.linear.scatter [tilespmem:s18], [sflag:$0x1], $0x2800, $0x38;
	[tilespmem:$0x5100] =	vst v63  }
0x25: {  	s21 =	sadd.s32 s4, s20  }
0x26: {  	[tilespmem:s2], [sflag:$0x1] =	stream.linear.gather [hbm4b:s21+s2], $0x50, $0x38;
	[tilespmem:$0x5100] =	vst v63  }
0x27: {  	s20 =	sadd.s32 s5, s20  }
0x28: {  	[tilespmem:s14], [sflag:$0x1] =	stream.linear.gather [hbm4b:s20+s2], $0x50, $0x38;
	[tilespmem:$0x5100] =	vst v63  }
0x29: {  	_ =	swait.ge [sflag:s15], $0x50  }
0x2a: {  	[sflag:s15] =	ssyncset.done $0x0  }
0x2b: {  	[sflag:s15] =	ssyncadd.s32 $0xFFFFFFB0  }
0x2c: {  	_ =	swait.ge [sflag:s15], $0x50  }
0x2d: {  	[sflag:s15] =	ssyncset.done $0x0  }
0x2e: {  	[sflag:s15] =	ssyncadd.s32 $0xFFFFFFB0  }
0x2f: {  	_ =	swait.ge [sflag:s15], $0x2800  }
0x30: {  	[sflag:s15] =	ssyncset.done $0x0  }
0x31: {  	[sflag:s15] =	ssyncadd.s32 $0xFFFFD800  }
0x32: {  	_ =	swait.ge [sflag:s15], $0x2800  }
0x33: {  	[sflag:s15] =	ssyncset.done $0x0  }
0x34: {  	[sflag:s15] =	ssyncadd.s32 $0xFFFFD800  }
0x35: {  	[tilespmem:s17], [sflag:$0x1] =	stream.indirect.gather [hbm4b:s3+s16], $0x80, s2, s16, $0xb8;
	[tilespmem:$0x5100] =	vst v63  }
0x36: {  	_ = 	snop  }
0x37: {  	[tilespmem:s18], [sflag:$0x1] =	stream.indirect.gather [hbm4b:s3+s16], $0x80, s14, s16, $0xb8;
	[tilespmem:$0x5100] =	vst v63  }
0x38: {  	_ =	swait.ge [sflag:s15], $0x2800  }
0x39: {  	[sflag:s15] =	ssyncset.done $0x0  }
0x3a: {  	s23 =	sadd.s32 $0x50, s13;
	[sflag:s15] =	ssyncadd.s32 $0xFFFFD800  }
0x3b: {  	s31 =	sadd.s32 $0x500, s11;
	s22 =	simm.s32 $0xF00;
	_ =	swait.ge [sflag:s15], $0x2800  }
0x3c: {  	s24 =	sadd.s32 $0x500, s12;
	s21 =	sshrl.u32 s23, $0x3;
	[sflag:s15] =	ssyncset.done $0x0  }
0x3d: {  	s23 =	sadd.s32 $0x50, s23;
	s20 =	simm.s32 $0xA00;
	[sflag:s15] =	ssyncadd.s32 $0xFFFFD800  }
0x3e: {  	[hbm4b:s31+s2] =	stream.linear.scatter [tilespmem:s17], [sflag:$0x1], $0x2800, $0x38;
	[tilespmem:$0x5100] =	vst v63  }
.LBB2_2:
0x3f: {  	[hbm4b:s24+s2] =	stream.linear.scatter [tilespmem:s18], [sflag:$0x1], $0x2800, $0x38;
	[tilespmem:$0x5100] =	vst v63  }
0x40: {  	s25 =	smov.u32 s22  }
0x41: {  	s24 =	sshrl.u32 s23, $0x3;
	p0 =	sne.s32 s22, $0x26C00;
	s26 =	sadd.s32 s4, s21  }
0x42: {  	[tilespmem:s2], [sflag:$0x1] =	stream.linear.gather [hbm4b:s26+s2], $0x50, $0x38;
	[tilespmem:$0x5100] =	vst v63  }
0x43: {  	s22 =	sadd.s32 $0x500, s22;
	s26 =	sadd.s32 s5, s21;
	s21 =	smov.u32 s24  }
0x44: {  	[tilespmem:s14], [sflag:$0x1] =	stream.linear.gather [hbm4b:s26+s2], $0x50, $0x38;
	[tilespmem:$0x5100] =	vst v63  }
0x45: {  	_ =	swait.ge [sflag:s15], $0x50  }
0x46: {  	[sflag:s15] =	ssyncset.done $0x0  }
0x47: {  	[sflag:s15] =	ssyncadd.s32 $0xFFFFFFB0  }
0x48: {  	_ =	swait.ge [sflag:s15], $0x50  }
0x49: {  	[sflag:s15] =	ssyncset.done $0x0  }
0x4a: {  	[sflag:s15] =	ssyncadd.s32 $0xFFFFFFB0  }
0x4b: {  	_ =	swait.ge [sflag:s15], $0x2800  }
0x4c: {  	[sflag:s15] =	ssyncset.done $0x0  }
0x4d: {  	[sflag:s15] =	ssyncadd.s32 $0xFFFFD800  }
0x4e: {  	_ =	swait.ge [sflag:s15], $0x2800  }
0x4f: {  	[sflag:s15] =	ssyncset.done $0x0  }
0x50: {  	[sflag:s15] =	ssyncadd.s32 $0xFFFFD800  }
0x51: {  	[tilespmem:s17], [sflag:$0x1] =	stream.indirect.gather [hbm4b:s3+s16], $0x80, s2, s16, $0xb8;
	[tilespmem:$0x5100] =	vst v63  }
0x52: {  	_ = 	snop  }
0x53: {  	[tilespmem:s18], [sflag:$0x1] =	stream.indirect.gather [hbm4b:s3+s16], $0x80, s14, s16, $0xb8;
	[tilespmem:$0x5100] =	vst v63  }
0x54: {  	_ =	swait.ge [sflag:s15], $0x2800  }
0x55: {  	[sflag:s15] =	ssyncset.done $0x0  }
0x56: {  	[sflag:s15] =	ssyncadd.s32 $0xFFFFD800  }
.Ltmp0:
0x57: {  	_ =	swait.ge [sflag:s15], $0x2800;
	(pc) =	sbr.rel @p0 .LBB2_2-.Ltmp0, $4  }
0x58: {  	[sflag:s15] =	ssyncset.done $0x0  }
0x59: {  	s24 =	sadd.s32 s20, s11;
	[sflag:s15] =	ssyncadd.s32 $0xFFFFD800  }
0x5a: {  	[hbm4b:s24+s2] =	stream.linear.scatter [tilespmem:s17], [sflag:$0x1], $0x2800, $0x38;
	[tilespmem:$0x5100] =	vst v63  }
0x5b: {  	s23 =	sadd.s32 $0x50, s23;
	s24 =	sadd.s32 s20, s12;
	s20 =	smov.u32 s25  }
0x5c: {  	[hbm4b:s24+s2] =	stream.linear.scatter [tilespmem:s18], [sflag:$0x1], $0x2800, $0x38;
	[tilespmem:$0x5100] =	vst v63  }
0x5d: {  	s22 =	sadd.s32 s4, s21  }
0x5e: {  	[tilespmem:s2], [sflag:$0x1] =	stream.linear.gather [hbm4b:s22+s2], $0x50, $0x38;
	[tilespmem:$0x5100] =	vst v63  }
0x5f: {  	s29 =	sadd.s32 s5, s21  }
0x60: {  	[tilespmem:s14], [sflag:$0x1] =	stream.linear.gather [hbm4b:s29+s2], $0x50, $0x38;
	[tilespmem:$0x5100] =	vst v63  }
0x61: {  	_ =	swait.ge [sflag:s15], $0x50  }
0x62: {  	[sflag:s15] =	ssyncset.done $0x0  }
0x63: {  	[sflag:s15] =	ssyncadd.s32 $0xFFFFFFB0  }
0x64: {  	_ =	swait.ge [sflag:s15], $0x50  }
0x65: {  	[sflag:s15] =	ssyncset.done $0x0  }
0x66: {  	[sflag:s15] =	ssyncadd.s32 $0xFFFFFFB0  }
0x67: {  	_ =	swait.ge [sflag:s15], $0x2800  }
0x68: {  	[sflag:s15] =	ssyncset.done $0x0  }
0x69: {  	[sflag:s15] =	ssyncadd.s32 $0xFFFFD800  }
0x6a: {  	_ =	swait.ge [sflag:s15], $0x2800  }
0x6b: {  	[sflag:s15] =	ssyncset.done $0x0  }
0x6c: {  	[sflag:s15] =	ssyncadd.s32 $0xFFFFD800  }
0x6d: {  	[tilespmem:s17], [sflag:$0x1] =	stream.indirect.gather [hbm4b:s3+s16], $0x80, s2, s16, $0xb8;
	[tilespmem:$0x5100] =	vst v63  }
0x6e: {  	_ = 	snop  }
0x6f: {  	[tilespmem:s18], [sflag:$0x1] =	stream.indirect.gather [hbm4b:s3+s16], $0x80, s14, s16, $0xb8;
	[tilespmem:$0x5100] =	vst v63  }
0x70: {  	_ =	swait.ge [sflag:s15], $0x2800  }
0x71: {  	[sflag:s15] =	ssyncset.done $0x0  }
0x72: {  	[sflag:s15] =	ssyncadd.s32 $0xFFFFD800  }
0x73: {  	_ =	swait.ge [sflag:s15], $0x2800  }
0x74: {  	[sflag:s15] =	ssyncset.done $0x0  }
0x75: {  	s30 =	sadd.s32 s20, s11;
	[sflag:s15] =	ssyncadd.s32 $0xFFFFD800  }
0x76: {  	[hbm4b:s30+s2] =	stream.linear.scatter [tilespmem:s17], [sflag:$0x1], $0x2800, $0x38;
	[tilespmem:$0x5100] =	vst v63  }
0x77: {  	s31 =	sadd.s32 s20, s12;
	s19 =	sadd.s32 $0x1, s19  }
0x78: {  	[hbm4b:s31+s2] =	stream.linear.scatter [tilespmem:s18], [sflag:$0x1], $0x2800, $0x38;
	[tilespmem:$0x5100] =	vst v63  }
0x79: {  	p0 =	sne.s32 s19, s6;
	_ =	swait.ge [sflag:s15], $0x2800  }
.Ltmp1:
0x7a: {  	[sflag:s15] =	ssyncset.done $0x0;
	(pc) =	sbr.rel @p0 .LBB2_1-.Ltmp1, $4  }
0x7b: {  	[sflag:s15] =	ssyncadd.s32 $0xFFFFD800  }
0x7c: {  	_ =	swait.ge [sflag:s15], $0x2800  }
0x7d: {  	[sflag:s15] =	ssyncset.done $0x0  }
0x7e: {  	[sflag:s15] =	ssyncadd.s32 $0xFFFFD800  }
0x7f: {  	_ =	sfence.sel $0x180000  }
0x80: {  	[bflag:$0x0] =	sbarrier.arrive $0xFFFF  }
0x81: {  	p0 =	sne.s32 s1, $0x0;
	_ =	strace $0x9000004A  }
0x82: {  	s0 =	sadd.s32 @!p0 $0x100000, s0;
	[bflag:$0x2] =	sbarrier.arrive $0xFFFF  }
0x83: {  	[sflag:s0] =	ssyncadd.tile.s32 @!p0 $0x1;
	_ =	shalt  }
.Lfunc_end2:
_tile_overlayer_lowered:
.L_overlay_start_2:
0x84: {  	(tag) =	ssettag $0x2  }
0x85: {  	s0 =	rddreg [dreg:$0x0];
	s2 =	stileid.u32  }
0x86: {  	s1 =	rddreg [dreg:$0x1];
	p0 =	sne.s32 s2, $0x0  }
0x87: {  	s3 =	rddreg [dreg:$0x2];
	[bflag:$0x3] =	sbarrier.arrive $0xFFFF;
	s2 =	simm.s32 @!p0 $0x1C02  }
0x88: {  	[timem:s3], [sflag:s2] =	dma.local @!p0 [hbm:s0], s1  }
0x89: {  	s0 =	simm.s32 @!p0 $0x2  }
0x8a: {  	_ =	swait.ge @!p0 [sflag:s0], s1  }
0x8b: {  	s1 =	ssub.s32 @!p0 $0x0, s1;
	[sflag:s0] =	ssyncset.done @!p0 $0x0  }
0x8c: {  	[sflag:s0] =	ssyncadd.s32 @!p0 s1  }
0x8d: {  	[bflag:$0x3] =	sbarrier.arrive $0xFFFF  }
0x8e: {  	_ =	shalt  }

// kernel: kernel.18.cloned.1.call-start
scs
__scs_entry_jumppad:
0x0: {  	(pc) =	sbr.rel $0x88, $3  }
0x1: {  	(tag) =	ssettag $0x0;
	lr =	simm.s32 $0x1  }
0x2: {  	[smem:$0x3F93] =	sst lr;
	_ =	strace $0xD0000000  }
0x3: {  	_ = 	snop  }
0x4: {  	_ = 	snop  }
0x5: {  	_ = 	snop  }
0x6: {  	_ = 	snop  }
0x7: {  	_ = 	snop  }
__scs_overlays_trampoline_lowered:
0x8: {  	[smem:$0x3FA2] =	sst s0  }
0x9: {  	[smem:$0x3FA3] =	sst s1  }
0xa: {  	[smem:$0x3FA4] =	sst s2  }
0xb: {  	[smem:$0x3FA5] =	sst s3  }
0xc: {  	[smem:$0x3FA6] =	sst s4  }
0xd: {  	[smem:$0x3FA7] =	sst s5  }
0xe: {  	[smem:$0x3FA8] =	sst s6  }
0xf: {  	[smem:$0x3FA9] =	sst s7  }
0x10: {  	[smem:$0x3FAA] =	sst s8  }
0x11: {  	[smem:$0x3FAB] =	sst s9;
	s0 =	simm.s32 @!p0 $0x0  }
0x12: {  	s1 =	sld [smem:$0x3F91];
	s0 =	simm.s32 @p0 $0x1  }
0x13: {  	[smem:$0x3FAC] =	sst s0;
	s0 =	simm.s32 @!p1 $0x0  }
0x14: {  	s2 =	sld [smem:$0x3F90];
	s0 =	simm.s32 @p1 $0x1  }
0x15: {  	[smem:$0x3FAD] =	sst s0;
	s0 =	simm.s32 @!p2 $0x0  }
0x16: {  	s3 =	sld [smem:$0x3FDB];
	s0 =	simm.s32 @p2 $0x1  }
0x17: {  	s4 =	simm.s32 $0x1BF5;
	[smem:$0x3FAF] =	sst s0  }
0x18: {  	s0 =	sld [smem:$0x3F92];
	_ =	swait.ge [sflag:s4], $0x0  }
0x19: {  	s7 =	sld [smem:$0x3F93]  }
0x1a: {  	s8 =	sadd.s32 $0xFFFFE003, lr  }
0x1b: {  	s9 =	sadd.s32 $0xFFFFFEF7, lr;
	s5 =	simm.s32 $0xFFFFFFFF;
	p2 =	slt.u32 s8, $0xFFFFF086  }
0x1c: {  	p1 =	slt.u32 s9, $0xF7A;
	s5 =	simm.s32 @!p2 $0x0  }
0x1d: {  	s5 =	simm.s32 @p1 $0x1;
	p0 =	seq.s32 s7, s2  }
0x1e: {  	s7 =	smul.u32 @!p0 $0xF7A, s2;
	p2 =	seq.s32 @!p0 s5, $0x0  }
0x1f: {  	s9 =	smul.u32 $0xF7A, s1;
	s8 =	simm.s32 @!p0 $0x1BF5;
	p2 =	por !p2, p0  }
0x20: {  	[sflag:s8] =	ssyncset.s32 @!p0 $0xFFFFF086;
	s6 =	sadd.s32 @!p0 s3, s7;
	s7 =	simm.s32 @!p0 $0x108  }
0x21: {  	s3 =	sadd.s32 s3, s9;
	s6 =	sadd.s32 @!p0 $0x88, s6;
	s7 =	simm.s32 @p2 $0x1082  }
0x22: {  	[simem:s7], [sflag:s8] =	dma.local @!p0 [hbm:s6], $0xF7A  }
0x23: {  	s9 =	sor.u32 $0xD0000000, s2;
	s6 =	simm.s32 $0x108;
	_ =	swait.ge @!p0 [sflag:s8], $0x0  }
0x24: {  	s3 =	sadd.s32 $0x88, s3;
	s6 =	simm.s32 @!p1 $0x1082;
	[sflag:s4] =	ssyncset.s32 $0xFFFFF086  }
0x25: {  	[simem:s6], [sflag:s4] =	dma.local [hbm:s3], $0xF7A  }
0x26: {  	[smem:$0x3F93] =	sst s1;
	(tag) =	ssettag s2;
	_ =	strace s9  }
0x27: {  	s1 =	sld [smem:$0x3FA3]  }
0x28: {  	s2 =	sld [smem:$0x3FA4]  }
0x29: {  	s4 =	sld [smem:$0x3FA6]  }
0x2a: {  	p0 =	seq.s32 s5, $0x0;
	s5 =	sld [smem:$0x3FA7]  }
0x2b: {  	s6 =	sld [smem:$0x3FA8]  }
0x2c: {  	s7 =	sld [smem:$0x3FA9]  }
0x2d: {  	s3 =	simm.s32 $0x108;
	s8 =	sld [smem:$0x3FAA]  }
0x2e: {  	s3 =	simm.s32 @!p0 $0x1082;
	s9 =	sld [smem:$0x3FAB]  }
0x2f: {  	lr =	sadd.s32 s0, s3;
	s0 =	sld [smem:$0x3FA2]  }
0x30: {  	s3 =	sld [smem:$0x3FA5]  }
0x31: {  	[smem:$0x3FAE] =	sst s10  }
0x32: {  	s10 =	sld [smem:$0x3FAC];
	_ =	sdelay $0x3  }
0x33: {  	p0 =	seq.s32 s10, $0x1;
	s10 =	sld [smem:$0x3FAE];
	_ =	sdelay $0x3  }
0x34: {  	[smem:$0x3FAE] =	sst s10  }
0x35: {  	s10 =	sld [smem:$0x3FAD];
	_ =	sdelay $0x3  }
0x36: {  	p1 =	seq.s32 s10, $0x1;
	s10 =	sld [smem:$0x3FAE];
	_ =	sdelay $0x3  }
0x37: {  	[smem:$0x3FAE] =	sst s10  }
0x38: {  	s10 =	sld [smem:$0x3FAF]  }
0x39: {  	_ = 	snop;
	(pc) =	sbr.ind lr, $3  }
0x3a: {  	_ = 	snop  }
0x3b: {  	_ = 	snop  }
0x3c: {  	p2 =	seq.s32 s10, $0x1;
	s10 =	sld [smem:$0x3FAE]  }
0x3d: {  	_ =	shalt  }
0x3e: {  	_ =	shalt  }
0x3f: {  	_ =	shalt  }
0x40: {  	_ =	shalt  }
0x41: {  	_ =	shalt  }
0x42: {  	_ =	shalt  }
0x43: {  	_ =	shalt  }
0x44: {  	_ =	shalt  }
0x45: {  	_ =	shalt  }
0x46: {  	_ =	shalt  }
0x47: {  	_ =	shalt  }
0x48: {  	_ =	shalt  }
0x49: {  	_ =	shalt  }
0x4a: {  	_ =	shalt  }
0x4b: {  	_ =	shalt  }
0x4c: {  	_ =	shalt  }
0x4d: {  	_ =	shalt  }
0x4e: {  	_ =	shalt  }
0x4f: {  	_ =	shalt  }
0x50: {  	_ =	shalt  }
0x51: {  	_ =	shalt  }
0x52: {  	_ =	shalt  }
0x53: {  	_ =	shalt  }
0x54: {  	_ =	shalt  }
0x55: {  	_ =	shalt  }
0x56: {  	_ =	shalt  }
0x57: {  	_ =	shalt  }
0x58: {  	_ =	shalt  }
0x59: {  	_ =	shalt  }
0x5a: {  	_ =	shalt  }
0x5b: {  	_ =	shalt  }
0x5c: {  	_ =	shalt  }
0x5d: {  	_ =	shalt  }
0x5e: {  	_ =	shalt  }
0x5f: {  	_ =	shalt  }
0x60: {  	_ =	shalt  }
0x61: {  	_ =	shalt  }
0x62: {  	_ =	shalt  }
0x63: {  	_ =	shalt  }
0x64: {  	_ =	shalt  }
0x65: {  	_ =	shalt  }
0x66: {  	_ =	shalt  }
0x67: {  	_ =	shalt  }
0x68: {  	_ =	shalt  }
0x69: {  	_ =	shalt  }
0x6a: {  	_ =	shalt  }
0x6b: {  	_ =	shalt  }
0x6c: {  	_ =	shalt  }
0x6d: {  	_ =	shalt  }
0x6e: {  	_ =	shalt  }
0x6f: {  	_ =	shalt  }
0x70: {  	_ =	shalt  }
0x71: {  	_ =	shalt  }
0x72: {  	_ =	shalt  }
0x73: {  	_ =	shalt  }
0x74: {  	_ =	shalt  }
0x75: {  	_ =	shalt  }
0x76: {  	_ =	shalt  }
0x77: {  	_ =	shalt  }
0x78: {  	_ =	shalt  }
0x79: {  	_ =	shalt  }
0x7a: {  	_ =	shalt  }
0x7b: {  	_ =	shalt  }
0x7c: {  	_ =	shalt  }
0x7d: {  	_ =	shalt  }
0x7e: {  	_ =	shalt  }
0x7f: {  	_ =	shalt  }
0x80: {  	_ =	shalt  }
0x81: {  	_ =	shalt  }
0x82: {  	_ =	shalt  }
0x83: {  	_ =	shalt  }
0x84: {  	_ =	shalt  }
0x85: {  	_ =	shalt  }
0x86: {  	_ =	shalt  }
0x87: {  	_ =	shalt  }
.Lfunc_end0:
.L_simem_size_0:
called_computation.1_lowered:
.L_overlay_start_0:
0x88: {  	s2 =	sld [smem:$0x3FD9]  }
0x89: {  	s3 =	sld [smem:$0x3FFE];
	_ =	sdelay $0x1  }
0x8a: {  	s1 =	srdreg.scid  }
0x8b: {  	s0 =	sand.u32 $0x1, s1  }
0x8c: {  	s16 =	sshll.u32 s0, $0xA;
	s2 =	sadd.s32 s3, s2  }
0x8d: {  	s2 =	sadd.s32 s2, s16  }
0x8e: {  	[smem:$0x3FBA] =	sst s2  }
0x8f: {  	_ = 	snop  }
0x90: {  	(tm) =	ssettm $0x1  }
0x91: {  	s17 =	sld [smem:$0x3FFB];
	_ =	sdelay $0x3  }
0x92: {  	_ =	strace s17  }
0x93: {  	s2 =	sld [smem:$0x3FFC];
	_ =	sdelay $0x3  }
0x94: {  	_ =	strace s2  }
0x95: {  	s2 =	sld [smem:$0x3FFD];
	_ =	sdelay $0x3  }
0x96: {  	_ =	strace s2  }
0x97: {  	_ =	strace $0x8FFFFFFF  }
0x98: {  	s18 =	sld [smem:$0x3FDB];
	_ =	sdelay $0x1  }
0x99: {  	s19 =	simm.s32 $_scs_section_size  }
0x9a: {  	s4 =	simm.s32 $_size__tile_overlayer_lowered;
	s5 =	simm.s32 $_tile_overlayer_lowered  }
0x9b: {  	s22 =	simm.s32 $0x1BFF;
	s21 =	sshll.u32 s5, $0x1;
	s2 =	sadd.s32 s19, s18  }
0x9c: {  	s6 =	simm.s32 $0x0;
	s20 =	sshll.u32 s4, $0x1;
	s4 =	sadd.s32 s21, s2  }
0x9d: {  	[timem:s6], [sflag:s22] =	dma.local [hbm:s4], s20  }
0x9e: {  	_ =	swait.ge [sflag:s22], s20  }
0x9f: {  	s3 =	ssub.s32 $0x0, s20;
	[sflag:s22] =	ssyncset.done $0x0  }
0xa0: {  	[sflag:s22] =	ssyncadd.s32 s3;
	_ =	sdelay $0x1  }
0xa1: {  	s23 =	simm.s32 $0x1B8B  }
0xa2: {  	_ =	swait.ge [sflag:s23], $0x1  }
0xa3: {  	[sflag:s23] =	ssyncset.done $0x0  }
0xa4: {  	s25 =	simm.s32 $0x1B8E;
	s24 =	sld [smem:$0x3FFE];
	[sflag:s23] =	ssyncadd.s32 $0xFFFFFFFF  }
0xa5: {  	s26 =	simm.s32 $execute0_lowered;
	[smem:$0x3FD2] =	sst s25  }
0xa6: {  	s4 =	sshll.u32 s26, $0x1;
	_ =	strace $0x80000046;
	[dreg:$0x1] =	wrdreg $0xFFFFFFFF  }
0xa7: {  	s28 =	simm.s32 $_size_execute0_lowered;
	s2 =	sadd.s32 s2, s4;
	[dreg:$0x0] =	wrdreg $0x0  }
0xa8: {  	s4 =	sshll.u32 s28, $0x1;
	[dreg:$0x2] =	wrdreg s2  }
0xa9: {  	[dreg:$0x3] =	wrdreg s4  }
0xaa: {  	[dreg:$0x4] =	wrdreg $0xC0  }
0xab: {  	_ =	task [dreg:s6], $0x5FFFF  }
0xac: {  	[dreg:$0x1] =	wrdreg $0xFFFFFFFF  }
0xad: {  	[dreg:$0x0] =	wrdreg $0x60  }
0xae: {  	[dreg:$0x2] =	wrdreg s24  }
0xaf: {  	[dreg:$0x3] =	wrdreg $0xA  }
0xb0: {  	_ =	task.clear_ibuf [dreg:s6], $0x4FFFF;
	_ =	strace $0x90000046  }
0xb1: {  	s29 =	simm.s32 $0xA;
	_ =	strace $0x80000048  }
0xb2: {  	_ =	swait.ge [sflag:s29], $0x1  }
0xb3: {  	[sflag:s29] =	ssyncadd.s32 $0xFFFFFFFF  }
0xb4: {  	_ =	strace $0x90000048  }
0xb5: {  	_ =	sfence  }
0xb6: {  	s30 =	sld [smem:$0x0];
	_ =	sdelay $0x2  }
0xb7: {  	s31 =	sshll.u32 s1, $0xD;
	s1 =	sshrl.u32 s1, $0x2  }
0xb8: {  	s3 =	sand.u32 $0x4000, s31;
	s1 =	sadd.s32 s1, s30  }
0xb9: {  	s0 =	sor.u32 s3, s0;
	s1 =	sshll.u32 s1, $0x11  }
0xba: {  	s0 =	sor.u32 s1, s0  }
0xbb: {  	s0 =	sadd.s32 $0x8F2B, s0  }
0xbc: {  	[sflag:s0] =	ssyncadd.remote.s32 $0x1  }
0xbd: {  	_ =	sfence.sel $0xFFFF  }
0xbe: {  	[dreg:$0x0] =	wrdreg $0xFFFFFFFF;
	(pc) =	sbr.abs _section_cstart, $3  }
0xbf: {  	[dreg:$0x1] =	wrdreg $0xFFFFFFFF  }
0xc0: {  	_ =	task.clear_ibuf [dreg:s6], $0x2FFFF;
	_ =	strace $0x9FFFFFFF  }
0xc1: {  	(tm) =	ssettm $0x7FFFFFFF  }
tec
execute0_lowered:
.L_overlay_start_1:
0x0: {  	(tag) =	ssettag $0x1  }
0x1: {  	s1 =	srdreg.scid  }
0x2: {  	s0 =	stileid.u32;
	s6 =	rddreg [dreg:$0x0];
	s2 =	simm.s32 $0x0  }
0x3: {  	s14 =	simm.s32 $0x1080;
	s15 =	simm.s32 $0x1880;
	s16 =	simm.s32 $0x2080  }
0x4: {  	s17 =	simm.s32 $0x2880;
	s18 =	simm.s32 $0x3080;
	s19 =	simm.s32 $0x3880  }
0x5: {  	s20 =	simm.s32 $0x4080;
	s21 =	simm.s32 $0x4880;
	s3 =	smul.u32 $0x4E20, s0  }
0x6: {  	s22 =	simm.s32 $0x50;
	s23 =	simm.s32 $0x5100;
	s7 =	smul.u32 $0x9C400, s0  }
0x7: {  	s5 =	sand.u32 $0x1, s1;
	s1 =	rddreg [dreg:$0x1];
	s8 =	smul.u32 $0x4E200, s0  }
0x8: {  	s24 =	simm.s32 $0x0;
	[smem:$0x7FF] =	sst s2;
	s4 =	smul.u32 $0x2710, s5  }
0x9: {  	_ =	strace $0x80000047;
	s10 =	ssub.s32 $0x2, s5;
	s11 =	smul.u32 $0x27100, s5  }
0xa: {  	s13 =	smul.u32 $0x4E200, s5;
	s8 =	sadd.s32 s8, s6;
	s12 =	sshrl.u32 s10, $0x1  }
0xb: {  	s7 =	sadd.s32 s7, s6;
	s3 =	sadd.s32 s4, s3;
	s30 =	ssub.s32 s10, s12  }
0xc: {  	s31 =	sadd.s32 s11, s8;
	s7 =	sadd.s32 s13, s7;
	s10 =	simm.s32 $0x5080  }
0xd: {  	s11 =	simm.s32 $0x1;
	s12 =	simm.s32 $0x80;
	s13 =	simm.s32 $0x880  }
0xe: {  	v2 =	vlaneseq.u32;
	s4 =	sshrl.u32 s3, $0x3;
	s3 =	sadd.s32 $0x6D600, s6;
	s5 =	smax.u32 s30, $0x1  }
0xf: {  	vm0 =	vmmov $0xffff;
	v1 =	vshrl.u32 v2, $0x3;
	s7 =	sadd.s32 $0xE5600, s7;
	s9 =	sadd.s32 s4, s6;
	s4 =	sadd.s32 $0xBD600, s6  }
0x10: {  	v0 =	vand.u32 $0x7, v2;
	v2 =	vor.u32 $0x8, v2;
	v1 =	vmul.u32 $0x8, v1;
	s6 =	sadd.s32 $0xAA9600, s31;
	s8 =	sadd.s32 $0x12800, s9;
	s9 =	sadd.s32 $0x8A00, s9  }
.LBB2_1:
0x11: {  	s25 =	smov.u32 s7;
	s26 =	smov.u32 s6;
	s28 =	simm.s32 $0x0  }
.LBB2_2:
0x12: {  	s29 =	sadd.s32 s28, s9  }
0x13: {  	[tilespmem:s2], [sflag:$0x1] =	stream.linear.gather [hbm4b:s29+s2], $0x50, $0x38;
	[tilespmem:$0x7900] =	vst v63  }
0x14: {  	s31 =	sadd.s32 s28, s8  }
0x15: {  	[tilespmem:s10], [sflag:$0x1] =	stream.linear.gather [hbm4b:s31+s2], $0x50, $0x38;
	[tilespmem:$0x7900] =	vst v63  }
0x16: {  	_ =	swait.ge [sflag:s11], $0x50  }
0x17: {  	[sflag:s11] =	ssyncset.done $0x0  }
0x18: {  	[sflag:s11] =	ssyncadd.s32 $0xFFFFFFB0  }
0x19: {  	_ =	swait.ge [sflag:s11], $0x50  }
0x1a: {  	p0 =	seq.s32 s28, $0x0;
	[sflag:s11] =	ssyncset.done $0x0  }
0x1b: {  	s29 =	simm.s32 @!p0 $0x1;
	[sflag:s11] =	ssyncadd.s32 $0xFFFFFFB0  }
0x1c: {  	_ =	swait.ge @!p0 [sflag:s29], $0x5000  }
0x1d: {  	[sflag:s29] =	ssyncset.done @!p0 $0x0  }
0x1e: {  	[sflag:s29] =	ssyncadd.s32 @!p0 $0xFFFFB000  }
0x1f: {  	_ =	swait.ge @!p0 [sflag:s29], $0x2800  }
0x20: {  	[sflag:s29] =	ssyncset.done @!p0 $0x0  }
0x21: {  	[sflag:s29] =	ssyncadd.s32 @!p0 $0xFFFFD800  }
0x22: {  	v3 =	vld [tilespmem:$0x0];
	_ =	sdelay $0x4  }
0x23: {  	v4 =	vshll.u32 v3, $0x1  }
0x24: {  	v3 =	vand.u32 $0x7, v3;
	v4 =	vand.u32 $0xFFFFFFF0, v4  }
0x25: {  	v3 =	vor.u32 v3, v4  }
0x26: {  	v4 =	vperm.xlane v3, v0;
	_ =	sdelay $0x1  }
0x27: {  	v3 =	vperm.xlane v3, v2;
	v4 =	vadd.s32 v1, v4;
	_ =	sdelay $0x1  }
0x28: {  	v3 =	vadd.s32 v1, v3;
	_ =	sdelay $0x2  }
0x29: {  	[tilespmem:s12], [sflag:$0x1] =	stream.indirect_vreg.gather [hbm4b:s3+s2], $0x80, v4, vm0, $0xb8;
	[tilespmem:$0x7900] =	vst v63  }
0x2a: {  	_ = 	snop  }
0x2b: {  	[tilespmem:s13], [sflag:$0x1] =	stream.indirect_vreg.gather [hbm4b:s3+s2], $0x80, v3, vm0, $0xb8;
	[tilespmem:$0x7900] =	vst v63  }
0x2c: {  	v3 =	vld [tilespmem:$0x10];
	_ =	sdelay $0x4  }
0x2d: {  	v60 =	vshll.u32 v3, $0x1  }
0x2e: {  	v3 =	vand.u32 $0x7, v3;
	v4 =	vand.u32 $0xFFFFFFF0, v60  }
0x2f: {  	v3 =	vor.u32 v3, v4  }
0x30: {  	v4 =	vperm.xlane v3, v0;
	_ =	sdelay $0x1  }
0x31: {  	v3 =	vperm.xlane v3, v2;
	v4 =	vadd.s32 v1, v4;
	_ =	sdelay $0x1  }
0x32: {  	v3 =	vadd.s32 v1, v3;
	_ =	sdelay $0x2  }
0x33: {  	[tilespmem:s14], [sflag:$0x1] =	stream.indirect_vreg.gather [hbm4b:s3+s2], $0x80, v4, vm0, $0xb8;
	[tilespmem:$0x7900] =	vst v63  }
0x34: {  	_ = 	snop  }
0x35: {  	[tilespmem:s15], [sflag:$0x1] =	stream.indirect_vreg.gather [hbm4b:s3+s2], $0x80, v3, vm0, $0xb8;
	[tilespmem:$0x7900] =	vst v63  }
0x36: {  	v3 =	vld [tilespmem:$0x20];
	_ =	sdelay $0x4  }
0x37: {  	v61 =	vshll.u32 v3, $0x1  }
0x38: {  	v3 =	vand.u32 $0x7, v3;
	v4 =	vand.u32 $0xFFFFFFF0, v61  }
0x39: {  	v3 =	vor.u32 v3, v4  }
0x3a: {  	v4 =	vperm.xlane v3, v0;
	_ =	sdelay $0x1  }
0x3b: {  	v3 =	vperm.xlane v3, v2;
	v4 =	vadd.s32 v1, v4;
	_ =	sdelay $0x1  }
0x3c: {  	v3 =	vadd.s32 v1, v3;
	_ =	sdelay $0x2  }
0x3d: {  	[tilespmem:s16], [sflag:$0x1] =	stream.indirect_vreg.gather [hbm4b:s3+s2], $0x80, v4, vm0, $0xb8;
	[tilespmem:$0x7900] =	vst v63  }
0x3e: {  	_ = 	snop  }
0x3f: {  	[tilespmem:s17], [sflag:$0x1] =	stream.indirect_vreg.gather [hbm4b:s3+s2], $0x80, v3, vm0, $0xb8;
	[tilespmem:$0x7900] =	vst v63  }
0x40: {  	v3 =	vld [tilespmem:$0x30];
	_ =	sdelay $0x4  }
0x41: {  	v62 =	vshll.u32 v3, $0x1  }
0x42: {  	v3 =	vand.u32 $0x7, v3;
	v4 =	vand.u32 $0xFFFFFFF0, v62  }
0x43: {  	v3 =	vor.u32 v3, v4  }
0x44: {  	v4 =	vperm.xlane v3, v0;
	_ =	sdelay $0x1  }
0x45: {  	v3 =	vperm.xlane v3, v2;
	v4 =	vadd.s32 v1, v4;
	_ =	sdelay $0x1  }
0x46: {  	v3 =	vadd.s32 v1, v3;
	_ =	sdelay $0x2  }
0x47: {  	[tilespmem:s18], [sflag:$0x1] =	stream.indirect_vreg.gather [hbm4b:s3+s2], $0x80, v4, vm0, $0xb8;
	[tilespmem:$0x7900] =	vst v63  }
0x48: {  	_ = 	snop  }
0x49: {  	[tilespmem:s19], [sflag:$0x1] =	stream.indirect_vreg.gather [hbm4b:s3+s2], $0x80, v3, vm0, $0xb8;
	[tilespmem:$0x7900] =	vst v63  }
0x4a: {  	v3 =	vld [tilespmem:$0x40];
	_ =	sdelay $0x4  }
0x4b: {  	v63 =	vshll.u32 v3, $0x1  }
0x4c: {  	v3 =	vand.u32 $0x7, v3;
	v4 =	vand.u32 $0xFFFFFFF0, v63  }
0x4d: {  	v3 =	vor.u32 v3, v4  }
0x4e: {  	v4 =	vperm.xlane v3, v0;
	_ =	sdelay $0x1  }
0x4f: {  	v3 =	vperm.xlane v3, v2;
	v4 =	vadd.s32 v1, v4;
	_ =	sdelay $0x1  }
0x50: {  	v3 =	vadd.s32 v1, v3;
	_ =	sdelay $0x2  }
0x51: {  	[tilespmem:s20], [sflag:$0x1] =	stream.indirect_vreg.gather [hbm4b:s3+s2], $0x80, v4, vm0, $0xb8;
	[tilespmem:$0x7900] =	vst v63  }
0x52: {  	_ = 	snop  }
0x53: {  	[tilespmem:s21], [sflag:$0x1] =	stream.indirect_vreg.gather [hbm4b:s3+s2], $0x80, v3, vm0, $0xb8;
	[tilespmem:$0x7900] =	vst v63  }
0x54: {  	_ = 	snop  }
0x55: {  	[tilespmem:s23], [sflag:$0x1] =	stream.indirect.gather [hbm4b:s4+s22], $0x80, s10, s22, $0xb8;
	[tilespmem:$0x7900] =	vst v63  }
0x56: {  	_ =	swait.ge [sflag:s11], $0x5000  }
0x57: {  	[sflag:s11] =	ssyncset.done $0x0  }
0x58: {  	[sflag:s11] =	ssyncadd.s32 $0xFFFFB000  }
0x59: {  	s28 =	sadd.s32 $0xA, s28;
	_ =	swait.ge [sflag:s11], $0x2800  }
0x5a: {  	p0 =	sne.s32 s28, $0x4E2;
	[sflag:s11] =	ssyncset.done $0x0  }
.Ltmp0:
0x5b: {  	[sflag:s11] =	ssyncadd.s32 $0xFFFFD800;
	(pc) =	sbr.rel @p0 .LBB2_2-.Ltmp0, $4  }
0x5c: {  	[hbm4b:s25+s2] =	stream.linear.scatter [tilespmem:s12], [sflag:$0x1], $0x5000, $0x38;
	[tilespmem:$0x7900] =	vst v63  }
0x5d: {  	_ = 	snop  }
0x5e: {  	[hbm4b:s26+s2] =	stream.linear.scatter [tilespmem:s23], [sflag:$0x1], $0x2800, $0x38;
	[tilespmem:$0x7900] =	vst v63  }
0x5f: {  	s25 =	sadd.s32 $0xA00, s25;
	s26 =	sadd.s32 $0x500, s26  }
0x60: {  	s24 =	sadd.s32 $0x1, s24  }
0x61: {  	_ =	swait.ge [sflag:s11], $0x5000;
	p0 =	sne.s32 s24, s5  }
.Ltmp1:
0x62: {  	[sflag:s11] =	ssyncset.done $0x0;
	(pc) =	sbr.rel @p0 .LBB2_1-.Ltmp1, $4  }
0x63: {  	[sflag:s11] =	ssyncadd.s32 $0xFFFFB000  }
0x64: {  	_ =	swait.ge [sflag:s11], $0x2800  }
0x65: {  	[sflag:s11] =	ssyncset.done $0x0  }
0x66: {  	[sflag:s11] =	ssyncadd.s32 $0xFFFFD800  }
0x67: {  	_ =	sfence.sel $0x180000  }
0x68: {  	[bflag:$0x0] =	sbarrier.arrive $0xFFFF  }
0x69: {  	p0 =	sne.s32 s0, $0x0;
	_ =	strace $0x90000047  }
0x6a: {  	s0 =	sadd.s32 @!p0 $0x100000, s1;
	[bflag:$0x2] =	sbarrier.arrive $0xFFFF  }
0x6b: {  	[sflag:s0] =	ssyncadd.tile.s32 @!p0 $0x1;
	_ =	shalt  }
.Lfunc_end2:
_tile_overlayer_lowered:
.L_overlay_start_2:
0x6c: {  	(tag) =	ssettag $0x2  }
0x6d: {  	s0 =	rddreg [dreg:$0x0];
	s2 =	stileid.u32  }
0x6e: {  	s1 =	rddreg [dreg:$0x1];
	p0 =	sne.s32 s2, $0x0  }
0x6f: {  	s3 =	rddreg [dreg:$0x2];
	[bflag:$0x3] =	sbarrier.arrive $0xFFFF;
	s2 =	simm.s32 @!p0 $0x1C02  }
0x70: {  	[timem:s3], [sflag:s2] =	dma.local @!p0 [hbm:s0], s1  }
0x71: {  	s0 =	simm.s32 @!p0 $0x2  }
0x72: {  	_ =	swait.ge @!p0 [sflag:s0], s1  }
0x73: {  	s1 =	ssub.s32 @!p0 $0x0, s1;
	[sflag:s0] =	ssyncset.done @!p0 $0x0  }
0x74: {  	[sflag:s0] =	ssyncadd.s32 @!p0 s1  }
0x75: {  	[bflag:$0x3] =	sbarrier.arrive $0xFFFF  }
0x76: {  	_ =	shalt  }

// kernel: kernel.21.cloned.1.call-start
scs
__scs_entry_jumppad:
0x0: {  	(pc) =	sbr.rel $0x88, $3  }
0x1: {  	(tag) =	ssettag $0x0;
	lr =	simm.s32 $0x1  }
0x2: {  	[smem:$0x3F93] =	sst lr;
	_ =	strace $0xD0000000  }
0x3: {  	_ = 	snop  }
0x4: {  	_ = 	snop  }
0x5: {  	_ = 	snop  }
0x6: {  	_ = 	snop  }
0x7: {  	_ = 	snop  }
__scs_overlays_trampoline_lowered:
0x8: {  	[smem:$0x3FA2] =	sst s0  }
0x9: {  	[smem:$0x3FA3] =	sst s1  }
0xa: {  	[smem:$0x3FA4] =	sst s2  }
0xb: {  	[smem:$0x3FA5] =	sst s3  }
0xc: {  	[smem:$0x3FA6] =	sst s4  }
0xd: {  	[smem:$0x3FA7] =	sst s5  }
0xe: {  	[smem:$0x3FA8] =	sst s6  }
0xf: {  	[smem:$0x3FA9] =	sst s7  }
0x10: {  	[smem:$0x3FAA] =	sst s8  }
0x11: {  	[smem:$0x3FAB] =	sst s9;
	s0 =	simm.s32 @!p0 $0x0  }
0x12: {  	s1 =	sld [smem:$0x3F91];
	s0 =	simm.s32 @p0 $0x1  }
0x13: {  	[smem:$0x3FAC] =	sst s0;
	s0 =	simm.s32 @!p1 $0x0  }
0x14: {  	s2 =	sld [smem:$0x3F90];
	s0 =	simm.s32 @p1 $0x1  }
0x15: {  	[smem:$0x3FAD] =	sst s0;
	s0 =	simm.s32 @!p2 $0x0  }
0x16: {  	s3 =	sld [smem:$0x3FDB];
	s0 =	simm.s32 @p2 $0x1  }
0x17: {  	s4 =	simm.s32 $0x1BF5;
	[smem:$0x3FAF] =	sst s0  }
0x18: {  	s0 =	sld [smem:$0x3F92];
	_ =	swait.ge [sflag:s4], $0x0  }
0x19: {  	s7 =	sld [smem:$0x3F93]  }
0x1a: {  	s8 =	sadd.s32 $0xFFFFE003, lr  }
0x1b: {  	s9 =	sadd.s32 $0xFFFFFEF7, lr;
	s5 =	simm.s32 $0xFFFFFFFF;
	p2 =	slt.u32 s8, $0xFFFFF086  }
0x1c: {  	p1 =	slt.u32 s9, $0xF7A;
	s5 =	simm.s32 @!p2 $0x0  }
0x1d: {  	s5 =	simm.s32 @p1 $0x1;
	p0 =	seq.s32 s7, s2  }
0x1e: {  	s7 =	smul.u32 @!p0 $0xF7A, s2;
	p2 =	seq.s32 @!p0 s5, $0x0  }
0x1f: {  	s9 =	smul.u32 $0xF7A, s1;
	s8 =	simm.s32 @!p0 $0x1BF5;
	p2 =	por !p2, p0  }
0x20: {  	[sflag:s8] =	ssyncset.s32 @!p0 $0xFFFFF086;
	s6 =	sadd.s32 @!p0 s3, s7;
	s7 =	simm.s32 @!p0 $0x108  }
0x21: {  	s3 =	sadd.s32 s3, s9;
	s6 =	sadd.s32 @!p0 $0x88, s6;
	s7 =	simm.s32 @p2 $0x1082  }
0x22: {  	[simem:s7], [sflag:s8] =	dma.local @!p0 [hbm:s6], $0xF7A  }
0x23: {  	s9 =	sor.u32 $0xD0000000, s2;
	s6 =	simm.s32 $0x108;
	_ =	swait.ge @!p0 [sflag:s8], $0x0  }
0x24: {  	s3 =	sadd.s32 $0x88, s3;
	s6 =	simm.s32 @!p1 $0x1082;
	[sflag:s4] =	ssyncset.s32 $0xFFFFF086  }
0x25: {  	[simem:s6], [sflag:s4] =	dma.local [hbm:s3], $0xF7A  }
0x26: {  	[smem:$0x3F93] =	sst s1;
	(tag) =	ssettag s2;
	_ =	strace s9  }
0x27: {  	s1 =	sld [smem:$0x3FA3]  }
0x28: {  	s2 =	sld [smem:$0x3FA4]  }
0x29: {  	s4 =	sld [smem:$0x3FA6]  }
0x2a: {  	p0 =	seq.s32 s5, $0x0;
	s5 =	sld [smem:$0x3FA7]  }
0x2b: {  	s6 =	sld [smem:$0x3FA8]  }
0x2c: {  	s7 =	sld [smem:$0x3FA9]  }
0x2d: {  	s3 =	simm.s32 $0x108;
	s8 =	sld [smem:$0x3FAA]  }
0x2e: {  	s3 =	simm.s32 @!p0 $0x1082;
	s9 =	sld [smem:$0x3FAB]  }
0x2f: {  	lr =	sadd.s32 s0, s3;
	s0 =	sld [smem:$0x3FA2]  }
0x30: {  	s3 =	sld [smem:$0x3FA5]  }
0x31: {  	[smem:$0x3FAE] =	sst s10  }
0x32: {  	s10 =	sld [smem:$0x3FAC];
	_ =	sdelay $0x3  }
0x33: {  	p0 =	seq.s32 s10, $0x1;
	s10 =	sld [smem:$0x3FAE];
	_ =	sdelay $0x3  }
0x34: {  	[smem:$0x3FAE] =	sst s10  }
0x35: {  	s10 =	sld [smem:$0x3FAD];
	_ =	sdelay $0x3  }
0x36: {  	p1 =	seq.s32 s10, $0x1;
	s10 =	sld [smem:$0x3FAE];
	_ =	sdelay $0x3  }
0x37: {  	[smem:$0x3FAE] =	sst s10  }
0x38: {  	s10 =	sld [smem:$0x3FAF]  }
0x39: {  	_ = 	snop;
	(pc) =	sbr.ind lr, $3  }
0x3a: {  	_ = 	snop  }
0x3b: {  	_ = 	snop  }
0x3c: {  	p2 =	seq.s32 s10, $0x1;
	s10 =	sld [smem:$0x3FAE]  }
0x3d: {  	_ =	shalt  }
0x3e: {  	_ =	shalt  }
0x3f: {  	_ =	shalt  }
0x40: {  	_ =	shalt  }
0x41: {  	_ =	shalt  }
0x42: {  	_ =	shalt  }
0x43: {  	_ =	shalt  }
0x44: {  	_ =	shalt  }
0x45: {  	_ =	shalt  }
0x46: {  	_ =	shalt  }
0x47: {  	_ =	shalt  }
0x48: {  	_ =	shalt  }
0x49: {  	_ =	shalt  }
0x4a: {  	_ =	shalt  }
0x4b: {  	_ =	shalt  }
0x4c: {  	_ =	shalt  }
0x4d: {  	_ =	shalt  }
0x4e: {  	_ =	shalt  }
0x4f: {  	_ =	shalt  }
0x50: {  	_ =	shalt  }
0x51: {  	_ =	shalt  }
0x52: {  	_ =	shalt  }
0x53: {  	_ =	shalt  }
0x54: {  	_ =	shalt  }
0x55: {  	_ =	shalt  }
0x56: {  	_ =	shalt  }
0x57: {  	_ =	shalt  }
0x58: {  	_ =	shalt  }
0x59: {  	_ =	shalt  }
0x5a: {  	_ =	shalt  }
0x5b: {  	_ =	shalt  }
0x5c: {  	_ =	shalt  }
0x5d: {  	_ =	shalt  }
0x5e: {  	_ =	shalt  }
0x5f: {  	_ =	shalt  }
0x60: {  	_ =	shalt  }
0x61: {  	_ =	shalt  }
0x62: {  	_ =	shalt  }
0x63: {  	_ =	shalt  }
0x64: {  	_ =	shalt  }
0x65: {  	_ =	shalt  }
0x66: {  	_ =	shalt  }
0x67: {  	_ =	shalt  }
0x68: {  	_ =	shalt  }
0x69: {  	_ =	shalt  }
0x6a: {  	_ =	shalt  }
0x6b: {  	_ =	shalt  }
0x6c: {  	_ =	shalt  }
0x6d: {  	_ =	shalt  }
0x6e: {  	_ =	shalt  }
0x6f: {  	_ =	shalt  }
0x70: {  	_ =	shalt  }
0x71: {  	_ =	shalt  }
0x72: {  	_ =	shalt  }
0x73: {  	_ =	shalt  }
0x74: {  	_ =	shalt  }
0x75: {  	_ =	shalt  }
0x76: {  	_ =	shalt  }
0x77: {  	_ =	shalt  }
0x78: {  	_ =	shalt  }
0x79: {  	_ =	shalt  }
0x7a: {  	_ =	shalt  }
0x7b: {  	_ =	shalt  }
0x7c: {  	_ =	shalt  }
0x7d: {  	_ =	shalt  }
0x7e: {  	_ =	shalt  }
0x7f: {  	_ =	shalt  }
0x80: {  	_ =	shalt  }
0x81: {  	_ =	shalt  }
0x82: {  	_ =	shalt  }
0x83: {  	_ =	shalt  }
0x84: {  	_ =	shalt  }
0x85: {  	_ =	shalt  }
0x86: {  	_ =	shalt  }
0x87: {  	_ =	shalt  }
.Lfunc_end0:
.L_simem_size_0:
called_computation.2_lowered:
.L_overlay_start_0:
0x88: {  	s2 =	sld [smem:$0x3FD9]  }
0x89: {  	s3 =	sld [smem:$0x3FFE];
	_ =	sdelay $0x1  }
0x8a: {  	s1 =	srdreg.scid  }
0x8b: {  	s0 =	sand.u32 $0x1, s1  }
0x8c: {  	s16 =	sshll.u32 s0, $0xA;
	s2 =	sadd.s32 s3, s2  }
0x8d: {  	s2 =	sadd.s32 s2, s16  }
0x8e: {  	[smem:$0x3FBA] =	sst s2  }
0x8f: {  	_ = 	snop  }
0x90: {  	(tm) =	ssettm $0x1  }
0x91: {  	s17 =	sld [smem:$0x3FFB];
	_ =	sdelay $0x3  }
0x92: {  	_ =	strace s17  }
0x93: {  	s2 =	sld [smem:$0x3FFC];
	_ =	sdelay $0x3  }
0x94: {  	_ =	strace s2  }
0x95: {  	s2 =	sld [smem:$0x3FFD];
	_ =	sdelay $0x3  }
0x96: {  	_ =	strace s2  }
0x97: {  	_ =	strace $0x8FFFFFFF  }
0x98: {  	s18 =	sld [smem:$0x3FDB];
	_ =	sdelay $0x1  }
0x99: {  	s19 =	simm.s32 $_scs_section_size  }
0x9a: {  	s4 =	simm.s32 $_size__tile_overlayer_lowered;
	s5 =	simm.s32 $_tile_overlayer_lowered  }
0x9b: {  	s22 =	simm.s32 $0x1BFF;
	s21 =	sshll.u32 s5, $0x1;
	s2 =	sadd.s32 s19, s18  }
0x9c: {  	s6 =	simm.s32 $0x0;
	s20 =	sshll.u32 s4, $0x1;
	s4 =	sadd.s32 s21, s2  }
0x9d: {  	[timem:s6], [sflag:s22] =	dma.local [hbm:s4], s20  }
0x9e: {  	_ =	swait.ge [sflag:s22], s20  }
0x9f: {  	s3 =	ssub.s32 $0x0, s20;
	[sflag:s22] =	ssyncset.done $0x0  }
0xa0: {  	[sflag:s22] =	ssyncadd.s32 s3;
	_ =	sdelay $0x1  }
0xa1: {  	s23 =	simm.s32 $0x1B8B  }
0xa2: {  	_ =	swait.ge [sflag:s23], $0x1  }
0xa3: {  	[sflag:s23] =	ssyncset.done $0x0  }
0xa4: {  	s25 =	simm.s32 $0x1B8E;
	s24 =	sld [smem:$0x3FFE];
	[sflag:s23] =	ssyncadd.s32 $0xFFFFFFFF  }
0xa5: {  	s26 =	simm.s32 $execute0_lowered;
	[smem:$0x3FD2] =	sst s25  }
0xa6: {  	s4 =	sshll.u32 s26, $0x1;
	_ =	strace $0x8000004C;
	[dreg:$0x1] =	wrdreg $0xFFFFFFFF  }
0xa7: {  	s28 =	simm.s32 $_size_execute0_lowered;
	s2 =	sadd.s32 s2, s4;
	[dreg:$0x0] =	wrdreg $0x0  }
0xa8: {  	s4 =	sshll.u32 s28, $0x1;
	[dreg:$0x2] =	wrdreg s2  }
0xa9: {  	[dreg:$0x3] =	wrdreg s4  }
0xaa: {  	[dreg:$0x4] =	wrdreg $0xC0  }
0xab: {  	_ =	task [dreg:s6], $0x5FFFF  }
0xac: {  	[dreg:$0x1] =	wrdreg $0xFFFFFFFF  }
0xad: {  	[dreg:$0x0] =	wrdreg $0x60  }
0xae: {  	[dreg:$0x2] =	wrdreg s24  }
0xaf: {  	[dreg:$0x3] =	wrdreg $0x51000  }
0xb0: {  	[dreg:$0x4] =	wrdreg $0x191000  }
0xb1: {  	[dreg:$0x5] =	wrdreg $0x9  }
0xb2: {  	_ =	task.clear_ibuf [dreg:s6], $0x6FFFF;
	_ =	strace $0x9000004C  }
0xb3: {  	s29 =	simm.s32 $0x9;
	_ =	strace $0x8000004E  }
0xb4: {  	_ =	swait.ge [sflag:s29], $0x1  }
0xb5: {  	[sflag:s29] =	ssyncadd.s32 $0xFFFFFFFF  }
0xb6: {  	_ =	strace $0x9000004E  }
0xb7: {  	_ =	sfence  }
0xb8: {  	s30 =	sld [smem:$0x0];
	_ =	sdelay $0x2  }
0xb9: {  	s31 =	sshll.u32 s1, $0xD;
	s1 =	sshrl.u32 s1, $0x2  }
0xba: {  	s3 =	sand.u32 $0x4000, s31;
	s1 =	sadd.s32 s1, s30  }
0xbb: {  	s0 =	sor.u32 s3, s0;
	s1 =	sshll.u32 s1, $0x11  }
0xbc: {  	s0 =	sor.u32 s1, s0  }
0xbd: {  	s0 =	sadd.s32 $0x8F2B, s0  }
0xbe: {  	[sflag:s0] =	ssyncadd.remote.s32 $0x1  }
0xbf: {  	_ =	sfence.sel $0xFFFF  }
0xc0: {  	[dreg:$0x0] =	wrdreg $0xFFFFFFFF;
	(pc) =	sbr.abs _section_cstart, $3  }
0xc1: {  	[dreg:$0x1] =	wrdreg $0xFFFFFFFF  }
0xc2: {  	_ =	task.clear_ibuf [dreg:s6], $0x2FFFF;
	_ =	strace $0x9FFFFFFF  }
0xc3: {  	(tm) =	ssettm $0x7FFFFFFF  }
tec
execute0_lowered:
.L_overlay_start_1:
0x0: {  	(tag) =	ssettag $0x1  }
0x1: {  	s8 =	rddreg [dreg:$0x0]  }
0x2: {  	s1 =	rddreg [dreg:$0x1]  }
0x3: {  	s2 =	rddreg [dreg:$0x2]  }
0x4: {  	s3 =	srdreg.scid;
	s20 =	stileid.u32  }
0x5: {  	s16 =	sand.u32 $0x1, s3;
	s3 =	simm.s32 $0x0;
	s17 =	sadd.s32 $0x1963200, s8  }
0x6: {  	s6 =	smul.u32 $0x14000, s20;
	s18 =	sadd.s32 $0x1E45200, s8;
	s4 =	sadd.s32 $0x12800, s8  }
0x7: {  	s0 =	sadd.s32 $0x1D600, s8;
	s21 =	sadd.s32 $0x1FE00, s8;
	s13 =	smul.u32 $0x50000, s20  }
0x8: {  	s12 =	sshll.u32 s20, $0x1;
	s29 =	sshll.u32 s20, $0x6;
	s5 =	smul.u32 $0x140000, s16  }
0x9: {  	p0 =	sne.s32 s20, $0x0;
	s22 =	smul.u32 $0x1400, s16;
	s24 =	sor.u32 s16, s12  }
0xa: {  	[smem:$0x7FF] =	sst s3;
	s11 =	ssub.s32 $0x2, s16;
	s28 =	smul.u32 $0x2710, s24  }
0xb: {  	_ =	strace $0x8000004D;
	[dreg:$0x4] =	wrdreg s0;
	s19 =	smul.u32 $0x27100, s24  }
0xc: {  	[dreg:$0x5] =	wrdreg s21;
	s23 =	sshrl.u32 s11, $0x1;
	s21 =	smul.u32 $0x4E200, s20  }
0xd: {  	s26 =	sshrl.u32 s13, $0x2;
	s24 =	smul.u32 $0x2710, s16;
	s7 =	sadd.s32 s6, s5  }
0xe: {  	s5 =	sadd.s32 $0x1959400, s8;
	s14 =	sadd.s32 s22, s8;
	s22 =	smul.u32 $0x27100, s16  }
0xf: {  	s25 =	ssub.s32 s11, s23;
	s23 =	smul.u32 $0x4E20, s20;
	s20 =	simm.s32 $0x2  }
0x10: {  	s9 =	sshrl.u32 s7, $0x3;
	s11 =	sadd.s32 $0x21200, s14;
	s30 =	sshrl.u32 s28, $0x3  }
0x11: {  	s12 =	smax.u32 s25, $0x1;
	s15 =	sadd.s32 s17, s19;
	s16 =	sadd.s32 s18, s19  }
0x12: {  	s17 =	sadd.s32 s21, s17;
	s18 =	sadd.s32 s21, s18;
	s21 =	simm.s32 $0x80  }
0x13: {  	s25 =	simm.s32 $0x50;
	s10 =	sadd.s32 s9, s8;
	s8 =	sadd.s32 s26, s1  }
0x14: {  	s9 =	sor.u32 $0x1C02, s29;
	s13 =	sadd.s32 s4, s30;
	s14 =	sadd.s32 s5, s30  }
0x15: {  	s17 =	sadd.s32 s22, s17;
	s18 =	sadd.s32 s22, s18;
	s31 =	sadd.s32 s24, s23  }
0x16: {  	s22 =	simm.s32 $0x100;
	s23 =	simm.s32 $0x2900;
	s24 =	simm.s32 $0x1  }
0x17: {  	s26 =	simm.s32 $0x0;
	s10 =	sadd.s32 $0x6D600, s10;
	s19 =	sadd.s32 $0x50, s31  }
.LBB2_1:
0x18: {  	s28 =	sshrl.u32 s8, $0x3;
	s0 =	rddreg [dreg:$0x4]  }
0x19: {  	[spmem:s28], [sflag:s9] =	dma.local [hbm:s0], $0x2800  }
0x1a: {  	_ =	swait.ge [sflag:s20], $0x2800  }
0x1b: {  	s29 =	sshrl.u32 @!p0 s2, $0x3;
	[sflag:s20] =	ssyncset.done $0x0  }
0x1c: {  	s30 =	simm.s32 @!p0 $0x2;
	s0 =	rddreg [dreg:$0x5];
	[sflag:s20] =	ssyncadd.s32 $0xFFFFD800  }
0x1d: {  	[spmem:s29], [sflag:s9] =	dma.local @!p0 [hbm:s0], $0x1400  }
0x1e: {  	_ =	swait.ge @!p0 [sflag:s30], $0x1400  }
0x1f: {  	[sflag:s30] =	ssyncset.done @!p0 $0x0  }
0x20: {  	[sflag:s30] =	ssyncadd.s32 @!p0 $0xFFFFEC00  }
0x21: {  	[bflag:$0x0] =	sbarrier.arrive $0xFFFF  }
0x22: {  	[tilespmem:s3], [sflag:$0x1] =	stream.linear.gather [hbm4b:s13+s3], $0x50, $0x38;
	[tilespmem:$0x19B00] =	vst v63  }
0x23: {  	_ = 	snop  }
0x24: {  	[tilespmem:s21], [sflag:$0x1] =	stream.linear.gather [hbm4b:s14+s3], $0x50, $0x38;
	[tilespmem:$0x19B00] =	vst v63  }
0x25: {  	_ = 	snop  }
0x26: {  	[tilespmem:s22], [sflag:$0x1] =	stream.linear.gather [hbm4b:s15+s3], $0x2800, $0x38;
	[tilespmem:$0x19B00] =	vst v63  }
0x27: {  	_ = 	snop  }
0x28: {  	[tilespmem:s23], [sflag:$0x1] =	stream.linear.gather [hbm4b:s16+s3], $0x2800, $0x38;
	[tilespmem:$0x19B00] =	vst v63  }
0x29: {  	_ =	swait.ge [sflag:s24], $0x50  }
0x2a: {  	[sflag:s24] =	ssyncset.done $0x0  }
0x2b: {  	[sflag:s24] =	ssyncadd.s32 $0xFFFFFFB0  }
0x2c: {  	_ =	swait.ge [sflag:s24], $0x50  }
0x2d: {  	[sflag:s24] =	ssyncset.done $0x0  }
0x2e: {  	[sflag:s24] =	ssyncadd.s32 $0xFFFFFFB0  }
0x2f: {  	_ =	swait.ge [sflag:s24], $0x2800  }
0x30: {  	[sflag:s24] =	ssyncset.done $0x0  }
0x31: {  	[sflag:s24] =	ssyncadd.s32 $0xFFFFD800  }
0x32: {  	_ =	swait.ge [sflag:s24], $0x2800  }
0x33: {  	[sflag:s24] =	ssyncset.done $0x0  }
0x34: {  	[sflag:s24] =	ssyncadd.s32 $0xFFFFD800  }
0x35: {  	[spmem:s1] =	stream.indirect.scatter.add.f32 [tilespmem:s22], [sflag:$0x1], $0x80, s3, s25, $0xb8;
	[tilespmem:$0x19B00] =	vst v63  }
0x36: {  	_ = 	snop  }
0x37: {  	[spmem:s2] =	stream.indirect.scatter.add.f32 [tilespmem:s23], [sflag:$0x1], $0x80, s21, s25, $0xb8;
	[tilespmem:$0x19B00] =	vst v63  }
0x38: {  	_ =	swait.ge [sflag:s24], $0x2800  }
0x39: {  	[sflag:s24] =	ssyncset.done $0x0  }
0x3a: {  	[sflag:s24] =	ssyncadd.s32 $0xFFFFD800  }
0x3b: {  	_ =	swait.ge [sflag:s24], $0x2800  }
0x3c: {  	s30 =	sshrl.u32 s19, $0x3;
	[sflag:s24] =	ssyncset.done $0x0  }
0x3d: {  	s31 =	sadd.s32 s4, s30;
	[sflag:s24] =	ssyncadd.s32 $0xFFFFD800  }
0x3e: {  	[tilespmem:s3], [sflag:$0x1] =	stream.linear.gather [hbm4b:s31+s3], $0x50, $0x38;
	[tilespmem:$0x19B00] =	vst v63  }
0x3f: {  	s30 =	sadd.s32 s5, s30  }
0x40: {  	[tilespmem:s21], [sflag:$0x1] =	stream.linear.gather [hbm4b:s30+s3], $0x50, $0x38;
	[tilespmem:$0x19B00] =	vst v63  }
0x41: {  	s30 =	sadd.s32 $0x500, s17  }
0x42: {  	[tilespmem:s22], [sflag:$0x1] =	stream.linear.gather [hbm4b:s30+s3], $0x2800, $0x38;
	[tilespmem:$0x19B00] =	vst v63  }
0x43: {  	s30 =	sadd.s32 $0x500, s18  }
0x44: {  	[tilespmem:s23], [sflag:$0x1] =	stream.linear.gather [hbm4b:s30+s3], $0x2800, $0x38;
	[tilespmem:$0x19B00] =	vst v63  }
0x45: {  	_ =	swait.ge [sflag:s24], $0x50  }
0x46: {  	[sflag:s24] =	ssyncset.done $0x0  }
0x47: {  	[sflag:s24] =	ssyncadd.s32 $0xFFFFFFB0  }
0x48: {  	_ =	swait.ge [sflag:s24], $0x50  }
0x49: {  	[sflag:s24] =	ssyncset.done $0x0  }
0x4a: {  	[sflag:s24] =	ssyncadd.s32 $0xFFFFFFB0  }
0x4b: {  	_ =	swait.ge [sflag:s24], $0x2800  }
0x4c: {  	[sflag:s24] =	ssyncset.done $0x0  }
0x4d: {  	[sflag:s24] =	ssyncadd.s32 $0xFFFFD800  }
0x4e: {  	_ =	swait.ge [sflag:s24], $0x2800  }
0x4f: {  	[sflag:s24] =	ssyncset.done $0x0  }
0x50: {  	s31 =	sadd.s32 $0x50, s19;
	s30 =	simm.s32 $0xA00;
	[sflag:s24] =	ssyncadd.s32 $0xFFFFD800  }
0x51: {  	[spmem:s1] =	stream.indirect.scatter.add.f32 [tilespmem:s22], [sflag:$0x1], $0x80, s3, s25, $0xb8;
	[tilespmem:$0x19B00] =	vst v63  }
.LBB2_2:
0x52: {  	[spmem:s2] =	stream.indirect.scatter.add.f32 [tilespmem:s23], [sflag:$0x1], $0x80, s21, s25, $0xb8;
	[tilespmem:$0x19B00] =	vst v63  }
0x53: {  	s0 =	smov.u32 s30  }
0x54: {  	p1 =	sne.s32 s30, $0x26C00;
	s30 =	sadd.s32 $0x500, s30;
	_ =	swait.ge [sflag:s24], $0x2800  }
0x55: {  	[sflag:s24] =	ssyncset.done $0x0  }
0x56: {  	[sflag:s24] =	ssyncadd.s32 $0xFFFFD800  }
0x57: {  	_ =	swait.ge [sflag:s24], $0x2800  }
0x58: {  	s6 =	sshrl.u32 s31, $0x3;
	[sflag:s24] =	ssyncset.done $0x0  }
0x59: {  	s7 =	sadd.s32 s4, s6;
	[sflag:s24] =	ssyncadd.s32 $0xFFFFD800  }
0x5a: {  	[tilespmem:s3], [sflag:$0x1] =	stream.linear.gather [hbm4b:s7+s3], $0x50, $0x38;
	[tilespmem:$0x19B00] =	vst v63  }
0x5b: {  	s6 =	sadd.s32 s5, s6  }
0x5c: {  	[tilespmem:s21], [sflag:$0x1] =	stream.linear.gather [hbm4b:s6+s3], $0x50, $0x38;
	[tilespmem:$0x19B00] =	vst v63  }
0x5d: {  	s6 =	sadd.s32 s0, s17  }
0x5e: {  	[tilespmem:s22], [sflag:$0x1] =	stream.linear.gather [hbm4b:s6+s3], $0x2800, $0x38;
	[tilespmem:$0x19B00] =	vst v63  }
0x5f: {  	s0 =	sadd.s32 s0, s18  }
0x60: {  	[tilespmem:s23], [sflag:$0x1] =	stream.linear.gather [hbm4b:s0+s3], $0x2800, $0x38;
	[tilespmem:$0x19B00] =	vst v63  }
0x61: {  	_ =	swait.ge [sflag:s24], $0x50  }
0x62: {  	[sflag:s24] =	ssyncset.done $0x0  }
0x63: {  	[sflag:s24] =	ssyncadd.s32 $0xFFFFFFB0  }
0x64: {  	_ =	swait.ge [sflag:s24], $0x50  }
0x65: {  	[sflag:s24] =	ssyncset.done $0x0  }
0x66: {  	[sflag:s24] =	ssyncadd.s32 $0xFFFFFFB0  }
0x67: {  	_ =	swait.ge [sflag:s24], $0x2800  }
0x68: {  	[sflag:s24] =	ssyncset.done $0x0  }
0x69: {  	[sflag:s24] =	ssyncadd.s32 $0xFFFFD800  }
.Ltmp0:
0x6a: {  	_ =	swait.ge [sflag:s24], $0x2800;
	(pc) =	sbr.rel @p1 .LBB2_2-.Ltmp0, $4  }
0x6b: {  	[sflag:s24] =	ssyncset.done $0x0  }
0x6c: {  	[sflag:s24] =	ssyncadd.s32 $0xFFFFD800  }
0x6d: {  	[spmem:s1] =	stream.indirect.scatter.add.f32 [tilespmem:s22], [sflag:$0x1], $0x80, s3, s25, $0xb8;
	[tilespmem:$0x19B00] =	vst v63  }
0x6e: {  	s31 =	sadd.s32 $0x50, s31  }
0x6f: {  	[spmem:s2] =	stream.indirect.scatter.add.f32 [tilespmem:s23], [sflag:$0x1], $0x80, s21, s25, $0xb8;
	[tilespmem:$0x19B00] =	vst v63  }
0x70: {  	_ =	swait.ge [sflag:s24], $0x2800  }
0x71: {  	[sflag:s24] =	ssyncset.done $0x0  }
0x72: {  	[sflag:s24] =	ssyncadd.s32 $0xFFFFD800  }
0x73: {  	_ =	swait.ge [sflag:s24], $0x2800  }
0x74: {  	[sflag:s24] =	ssyncset.done $0x0  }
0x75: {  	[sflag:s24] =	ssyncadd.s32 $0xFFFFD800  }
0x76: {  	[bflag:$0x0] =	sbarrier.arrive $0xFFFF  }
0x77: {  	[hbm:s10], [sflag:s9] =	dma.local [spmem:s28], $0x2800  }
0x78: {  	s26 =	sadd.s32 $0x1, s26;
	_ =	swait.ge [sflag:s20], $0x2800  }
0x79: {  	p1 =	sne.s32 s26, s12;
	[sflag:s20] =	ssyncset.done $0x0  }
.Ltmp1:
0x7a: {  	s0 =	simm.s32 @!p0 $0x2;
	[sflag:s20] =	ssyncadd.s32 $0xFFFFD800;
	(pc) =	sbr.rel @p1 .LBB2_1-.Ltmp1, $4  }
0x7b: {  	[hbm:s11], [sflag:s9] =	dma.local @!p0 [spmem:s29], $0x1400  }
0x7c: {  	_ =	swait.ge @!p0 [sflag:s0], $0x1400  }
0x7d: {  	[sflag:s0] =	ssyncset.done @!p0 $0x0  }
0x7e: {  	[sflag:s0] =	ssyncadd.s32 @!p0 $0xFFFFEC00  }
0x7f: {  	_ =	sfence.sel $0x180000  }
0x80: {  	[bflag:$0x0] =	sbarrier.arrive $0xFFFF  }
0x81: {  	_ =	strace $0x9000004D  }
0x82: {  	[bflag:$0x2] =	sbarrier.arrive $0xFFFF  }
0x83: {  	s0 =	rddreg [dreg:$0x3]  }
0x84: {  	s0 =	sadd.s32 @!p0 $0x100000, s0  }
0x85: {  	[sflag:s0] =	ssyncadd.tile.s32 @!p0 $0x1;
	_ =	shalt  }
.Lfunc_end2:
_tile_overlayer_lowered:
.L_overlay_start_2:
0x86: {  	(tag) =	ssettag $0x2  }
0x87: {  	s0 =	rddreg [dreg:$0x0];
	s2 =	stileid.u32  }
0x88: {  	s1 =	rddreg [dreg:$0x1];
	p0 =	sne.s32 s2, $0x0  }
0x89: {  	s3 =	rddreg [dreg:$0x2];
	[bflag:$0x3] =	sbarrier.arrive $0xFFFF;
	s2 =	simm.s32 @!p0 $0x1C02  }
0x8a: {  	[timem:s3], [sflag:s2] =	dma.local @!p0 [hbm:s0], s1  }
0x8b: {  	s0 =	simm.s32 @!p0 $0x2  }
0x8c: {  	_ =	swait.ge @!p0 [sflag:s0], s1  }
0x8d: {  	s1 =	ssub.s32 @!p0 $0x0, s1;
	[sflag:s0] =	ssyncset.done @!p0 $0x0  }
0x8e: {  	[sflag:s0] =	ssyncadd.s32 @!p0 s1  }
0x8f: {  	[bflag:$0x3] =	sbarrier.arrive $0xFFFF  }
0x90: {  	_ =	shalt  }

// kernel: kernel.24.cloned.1.call-start
scs
__scs_entry_jumppad:
0x0: {  	(pc) =	sbr.rel $0x88, $3  }
0x1: {  	(tag) =	ssettag $0x0;
	lr =	simm.s32 $0x1  }
0x2: {  	[smem:$0x3F93] =	sst lr;
	_ =	strace $0xD0000000  }
0x3: {  	_ = 	snop  }
0x4: {  	_ = 	snop  }
0x5: {  	_ = 	snop  }
0x6: {  	_ = 	snop  }
0x7: {  	_ = 	snop  }
__scs_overlays_trampoline_lowered:
0x8: {  	[smem:$0x3FA2] =	sst s0  }
0x9: {  	[smem:$0x3FA3] =	sst s1  }
0xa: {  	[smem:$0x3FA4] =	sst s2  }
0xb: {  	[smem:$0x3FA5] =	sst s3  }
0xc: {  	[smem:$0x3FA6] =	sst s4  }
0xd: {  	[smem:$0x3FA7] =	sst s5  }
0xe: {  	[smem:$0x3FA8] =	sst s6  }
0xf: {  	[smem:$0x3FA9] =	sst s7  }
0x10: {  	[smem:$0x3FAA] =	sst s8  }
0x11: {  	[smem:$0x3FAB] =	sst s9;
	s0 =	simm.s32 @!p0 $0x0  }
0x12: {  	s1 =	sld [smem:$0x3F91];
	s0 =	simm.s32 @p0 $0x1  }
0x13: {  	[smem:$0x3FAC] =	sst s0;
	s0 =	simm.s32 @!p1 $0x0  }
0x14: {  	s2 =	sld [smem:$0x3F90];
	s0 =	simm.s32 @p1 $0x1  }
0x15: {  	[smem:$0x3FAD] =	sst s0;
	s0 =	simm.s32 @!p2 $0x0  }
0x16: {  	s3 =	sld [smem:$0x3FDB];
	s0 =	simm.s32 @p2 $0x1  }
0x17: {  	s4 =	simm.s32 $0x1BF5;
	[smem:$0x3FAF] =	sst s0  }
0x18: {  	s0 =	sld [smem:$0x3F92];
	_ =	swait.ge [sflag:s4], $0x0  }
0x19: {  	s7 =	sld [smem:$0x3F93]  }
0x1a: {  	s8 =	sadd.s32 $0xFFFFE003, lr  }
0x1b: {  	s9 =	sadd.s32 $0xFFFFFEF7, lr;
	s5 =	simm.s32 $0xFFFFFFFF;
	p2 =	slt.u32 s8, $0xFFFFF086  }
0x1c: {  	p1 =	slt.u32 s9, $0xF7A;
	s5 =	simm.s32 @!p2 $0x0  }
0x1d: {  	s5 =	simm.s32 @p1 $0x1;
	p0 =	seq.s32 s7, s2  }
0x1e: {  	s7 =	smul.u32 @!p0 $0xF7A, s2;
	p2 =	seq.s32 @!p0 s5, $0x0  }
0x1f: {  	s9 =	smul.u32 $0xF7A, s1;
	s8 =	simm.s32 @!p0 $0x1BF5;
	p2 =	por !p2, p0  }
0x20: {  	[sflag:s8] =	ssyncset.s32 @!p0 $0xFFFFF086;
	s6 =	sadd.s32 @!p0 s3, s7;
	s7 =	simm.s32 @!p0 $0x108  }
0x21: {  	s3 =	sadd.s32 s3, s9;
	s6 =	sadd.s32 @!p0 $0x88, s6;
	s7 =	simm.s32 @p2 $0x1082  }
0x22: {  	[simem:s7], [sflag:s8] =	dma.local @!p0 [hbm:s6], $0xF7A  }
0x23: {  	s9 =	sor.u32 $0xD0000000, s2;
	s6 =	simm.s32 $0x108;
	_ =	swait.ge @!p0 [sflag:s8], $0x0  }
0x24: {  	s3 =	sadd.s32 $0x88, s3;
	s6 =	simm.s32 @!p1 $0x1082;
	[sflag:s4] =	ssyncset.s32 $0xFFFFF086  }
0x25: {  	[simem:s6], [sflag:s4] =	dma.local [hbm:s3], $0xF7A  }
0x26: {  	[smem:$0x3F93] =	sst s1;
	(tag) =	ssettag s2;
	_ =	strace s9  }
0x27: {  	s1 =	sld [smem:$0x3FA3]  }
0x28: {  	s2 =	sld [smem:$0x3FA4]  }
0x29: {  	s4 =	sld [smem:$0x3FA6]  }
0x2a: {  	p0 =	seq.s32 s5, $0x0;
	s5 =	sld [smem:$0x3FA7]  }
0x2b: {  	s6 =	sld [smem:$0x3FA8]  }
0x2c: {  	s7 =	sld [smem:$0x3FA9]  }
0x2d: {  	s3 =	simm.s32 $0x108;
	s8 =	sld [smem:$0x3FAA]  }
0x2e: {  	s3 =	simm.s32 @!p0 $0x1082;
	s9 =	sld [smem:$0x3FAB]  }
0x2f: {  	lr =	sadd.s32 s0, s3;
	s0 =	sld [smem:$0x3FA2]  }
0x30: {  	s3 =	sld [smem:$0x3FA5]  }
0x31: {  	[smem:$0x3FAE] =	sst s10  }
0x32: {  	s10 =	sld [smem:$0x3FAC];
	_ =	sdelay $0x3  }
0x33: {  	p0 =	seq.s32 s10, $0x1;
	s10 =	sld [smem:$0x3FAE];
	_ =	sdelay $0x3  }
0x34: {  	[smem:$0x3FAE] =	sst s10  }
0x35: {  	s10 =	sld [smem:$0x3FAD];
	_ =	sdelay $0x3  }
0x36: {  	p1 =	seq.s32 s10, $0x1;
	s10 =	sld [smem:$0x3FAE];
	_ =	sdelay $0x3  }
0x37: {  	[smem:$0x3FAE] =	sst s10  }
0x38: {  	s10 =	sld [smem:$0x3FAF]  }
0x39: {  	_ = 	snop;
	(pc) =	sbr.ind lr, $3  }
0x3a: {  	_ = 	snop  }
0x3b: {  	_ = 	snop  }
0x3c: {  	p2 =	seq.s32 s10, $0x1;
	s10 =	sld [smem:$0x3FAE]  }
0x3d: {  	_ =	shalt  }
0x3e: {  	_ =	shalt  }
0x3f: {  	_ =	shalt  }
0x40: {  	_ =	shalt  }
0x41: {  	_ =	shalt  }
0x42: {  	_ =	shalt  }
0x43: {  	_ =	shalt  }
0x44: {  	_ =	shalt  }
0x45: {  	_ =	shalt  }
0x46: {  	_ =	shalt  }
0x47: {  	_ =	shalt  }
0x48: {  	_ =	shalt  }
0x49: {  	_ =	shalt  }
0x4a: {  	_ =	shalt  }
0x4b: {  	_ =	shalt  }
0x4c: {  	_ =	shalt  }
0x4d: {  	_ =	shalt  }
0x4e: {  	_ =	shalt  }
0x4f: {  	_ =	shalt  }
0x50: {  	_ =	shalt  }
0x51: {  	_ =	shalt  }
0x52: {  	_ =	shalt  }
0x53: {  	_ =	shalt  }
0x54: {  	_ =	shalt  }
0x55: {  	_ =	shalt  }
0x56: {  	_ =	shalt  }
0x57: {  	_ =	shalt  }
0x58: {  	_ =	shalt  }
0x59: {  	_ =	shalt  }
0x5a: {  	_ =	shalt  }
0x5b: {  	_ =	shalt  }
0x5c: {  	_ =	shalt  }
0x5d: {  	_ =	shalt  }
0x5e: {  	_ =	shalt  }
0x5f: {  	_ =	shalt  }
0x60: {  	_ =	shalt  }
0x61: {  	_ =	shalt  }
0x62: {  	_ =	shalt  }
0x63: {  	_ =	shalt  }
0x64: {  	_ =	shalt  }
0x65: {  	_ =	shalt  }
0x66: {  	_ =	shalt  }
0x67: {  	_ =	shalt  }
0x68: {  	_ =	shalt  }
0x69: {  	_ =	shalt  }
0x6a: {  	_ =	shalt  }
0x6b: {  	_ =	shalt  }
0x6c: {  	_ =	shalt  }
0x6d: {  	_ =	shalt  }
0x6e: {  	_ =	shalt  }
0x6f: {  	_ =	shalt  }
0x70: {  	_ =	shalt  }
0x71: {  	_ =	shalt  }
0x72: {  	_ =	shalt  }
0x73: {  	_ =	shalt  }
0x74: {  	_ =	shalt  }
0x75: {  	_ =	shalt  }
0x76: {  	_ =	shalt  }
0x77: {  	_ =	shalt  }
0x78: {  	_ =	shalt  }
0x79: {  	_ =	shalt  }
0x7a: {  	_ =	shalt  }
0x7b: {  	_ =	shalt  }
0x7c: {  	_ =	shalt  }
0x7d: {  	_ =	shalt  }
0x7e: {  	_ =	shalt  }
0x7f: {  	_ =	shalt  }
0x80: {  	_ =	shalt  }
0x81: {  	_ =	shalt  }
0x82: {  	_ =	shalt  }
0x83: {  	_ =	shalt  }
0x84: {  	_ =	shalt  }
0x85: {  	_ =	shalt  }
0x86: {  	_ =	shalt  }
0x87: {  	_ =	shalt  }
.Lfunc_end0:
.L_simem_size_0:
called_computation.3_lowered:
.L_overlay_start_0:
0x88: {  	s2 =	sld [smem:$0x3FD9]  }
0x89: {  	s3 =	sld [smem:$0x3FFE];
	_ =	sdelay $0x1  }
0x8a: {  	s1 =	srdreg.scid  }
0x8b: {  	s0 =	sand.u32 $0x1, s1  }
0x8c: {  	s16 =	sshll.u32 s0, $0xA;
	s2 =	sadd.s32 s3, s2  }
0x8d: {  	s2 =	sadd.s32 s2, s16  }
0x8e: {  	[smem:$0x3FBA] =	sst s2  }
0x8f: {  	_ = 	snop  }
0x90: {  	(tm) =	ssettm $0x1  }
0x91: {  	s17 =	sld [smem:$0x3FFB];
	_ =	sdelay $0x3  }
0x92: {  	_ =	strace s17  }
0x93: {  	s2 =	sld [smem:$0x3FFC];
	_ =	sdelay $0x3  }
0x94: {  	_ =	strace s2  }
0x95: {  	s2 =	sld [smem:$0x3FFD];
	_ =	sdelay $0x3  }
0x96: {  	_ =	strace s2  }
0x97: {  	_ =	strace $0x8FFFFFFF  }
0x98: {  	s18 =	sld [smem:$0x3FDB];
	_ =	sdelay $0x1  }
0x99: {  	s19 =	simm.s32 $_scs_section_size  }
0x9a: {  	s4 =	simm.s32 $_size__tile_overlayer_lowered;
	s5 =	simm.s32 $_tile_overlayer_lowered  }
0x9b: {  	s22 =	simm.s32 $0x1BFF;
	s21 =	sshll.u32 s5, $0x1;
	s2 =	sadd.s32 s19, s18  }
0x9c: {  	s6 =	simm.s32 $0x0;
	s20 =	sshll.u32 s4, $0x1;
	s4 =	sadd.s32 s21, s2  }
0x9d: {  	[timem:s6], [sflag:s22] =	dma.local [hbm:s4], s20  }
0x9e: {  	_ =	swait.ge [sflag:s22], s20  }
0x9f: {  	s3 =	ssub.s32 $0x0, s20;
	[sflag:s22] =	ssyncset.done $0x0  }
0xa0: {  	[sflag:s22] =	ssyncadd.s32 s3;
	_ =	sdelay $0x1  }
0xa1: {  	s23 =	simm.s32 $0x1B8B  }
0xa2: {  	_ =	swait.ge [sflag:s23], $0x1  }
0xa3: {  	[sflag:s23] =	ssyncset.done $0x0  }
0xa4: {  	s25 =	simm.s32 $0x1B8E;
	s24 =	sld [smem:$0x3FFE];
	[sflag:s23] =	ssyncadd.s32 $0xFFFFFFFF  }
0xa5: {  	s26 =	simm.s32 $execute0_lowered;
	[smem:$0x3FD2] =	sst s25  }
0xa6: {  	s4 =	sshll.u32 s26, $0x1;
	_ =	strace $0x8000004F;
	[dreg:$0x1] =	wrdreg $0xFFFFFFFF  }
0xa7: {  	s28 =	simm.s32 $_size_execute0_lowered;
	s2 =	sadd.s32 s2, s4;
	[dreg:$0x0] =	wrdreg $0x0  }
0xa8: {  	s4 =	sshll.u32 s28, $0x1;
	[dreg:$0x2] =	wrdreg s2  }
0xa9: {  	[dreg:$0x3] =	wrdreg s4  }
0xaa: {  	[dreg:$0x4] =	wrdreg $0xC0  }
0xab: {  	_ =	task [dreg:s6], $0x5FFFF  }
0xac: {  	[dreg:$0x1] =	wrdreg $0xFFFFFFFF  }
0xad: {  	[dreg:$0x0] =	wrdreg $0x60  }
0xae: {  	[dreg:$0x2] =	wrdreg s24  }
0xaf: {  	[dreg:$0x3] =	wrdreg $0x9  }
0xb0: {  	_ =	task.clear_ibuf [dreg:s6], $0x4FFFF;
	_ =	strace $0x9000004F  }
0xb1: {  	s29 =	simm.s32 $0x9;
	_ =	strace $0x80000051  }
0xb2: {  	_ =	swait.ge [sflag:s29], $0x1  }
0xb3: {  	[sflag:s29] =	ssyncadd.s32 $0xFFFFFFFF  }
0xb4: {  	_ =	strace $0x90000051  }
0xb5: {  	_ =	sfence  }
0xb6: {  	s30 =	sld [smem:$0x0];
	_ =	sdelay $0x2  }
0xb7: {  	s31 =	sshll.u32 s1, $0xD;
	s1 =	sshrl.u32 s1, $0x2  }
0xb8: {  	s3 =	sand.u32 $0x4000, s31;
	s1 =	sadd.s32 s1, s30  }
0xb9: {  	s0 =	sor.u32 s3, s0;
	s1 =	sshll.u32 s1, $0x11  }
0xba: {  	s0 =	sor.u32 s1, s0  }
0xbb: {  	s0 =	sadd.s32 $0x8F2B, s0  }
0xbc: {  	[sflag:s0] =	ssyncadd.remote.s32 $0x1  }
0xbd: {  	_ =	sfence.sel $0xFFFF  }
0xbe: {  	[dreg:$0x0] =	wrdreg $0xFFFFFFFF;
	(pc) =	sbr.abs _section_cstart, $3  }
0xbf: {  	[dreg:$0x1] =	wrdreg $0xFFFFFFFF  }
0xc0: {  	_ =	task.clear_ibuf [dreg:s6], $0x2FFFF;
	_ =	strace $0x9FFFFFFF  }
0xc1: {  	(tm) =	ssettm $0x7FFFFFFF  }
tec
execute0_lowered:
.L_overlay_start_1:
0x0: {  	(tag) =	ssettag $0x1  }
0x1: {  	s1 =	srdreg.scid  }
0x2: {  	s0 =	stileid.u32;
	s6 =	rddreg [dreg:$0x0];
	s2 =	simm.s32 $0x0  }
0x3: {  	s14 =	simm.s32 $0x1080;
	s15 =	simm.s32 $0x1880;
	s16 =	simm.s32 $0x2080  }
0x4: {  	s17 =	simm.s32 $0x2880;
	s18 =	simm.s32 $0x3080;
	s19 =	simm.s32 $0x3880  }
0x5: {  	s20 =	simm.s32 $0x4080;
	s21 =	simm.s32 $0x4880;
	s3 =	smul.u32 $0x4E20, s0  }
0x6: {  	s22 =	simm.s32 $0x50;
	s23 =	simm.s32 $0x5100;
	s7 =	smul.u32 $0x9C400, s0  }
0x7: {  	s5 =	sand.u32 $0x1, s1;
	s1 =	rddreg [dreg:$0x1];
	s8 =	smul.u32 $0x4E200, s0  }
0x8: {  	s24 =	simm.s32 $0x0;
	[smem:$0x7FF] =	sst s2;
	s4 =	smul.u32 $0x2710, s5  }
0x9: {  	_ =	strace $0x80000050;
	s10 =	ssub.s32 $0x2, s5;
	s11 =	smul.u32 $0x27100, s5  }
0xa: {  	s13 =	smul.u32 $0x4E200, s5;
	s8 =	sadd.s32 s8, s6;
	s12 =	sshrl.u32 s10, $0x1  }
0xb: {  	s7 =	sadd.s32 s7, s6;
	s3 =	sadd.s32 s4, s3;
	s30 =	ssub.s32 s10, s12  }
0xc: {  	s31 =	sadd.s32 s11, s8;
	s7 =	sadd.s32 s13, s7;
	s10 =	simm.s32 $0x5080  }
0xd: {  	s11 =	simm.s32 $0x1;
	s12 =	simm.s32 $0x80;
	s13 =	simm.s32 $0x880  }
0xe: {  	v2 =	vlaneseq.u32;
	s4 =	sshrl.u32 s3, $0x3;
	s3 =	sadd.s32 $0x4CC00, s6;
	s5 =	smax.u32 s30, $0x1  }
0xf: {  	vm0 =	vmmov $0xffff;
	v1 =	vshrl.u32 v2, $0x3;
	s7 =	sadd.s32 $0xC4C00, s7;
	s9 =	sadd.s32 s4, s6;
	s4 =	sadd.s32 $0x9CC00, s6  }
0x10: {  	v0 =	vand.u32 $0x7, v2;
	v2 =	vor.u32 $0x8, v2;
	v1 =	vmul.u32 $0x8, v1;
	s6 =	sadd.s32 $0xA88C00, s31;
	s8 =	sadd.s32 $0x12800, s9;
	s9 =	sadd.s32 $0x8A00, s9  }
.LBB2_1:
0x11: {  	s25 =	smov.u32 s7;
	s26 =	smov.u32 s6;
	s28 =	simm.s32 $0x0  }
.LBB2_2:
0x12: {  	s29 =	sadd.s32 s28, s9  }
0x13: {  	[tilespmem:s2], [sflag:$0x1] =	stream.linear.gather [hbm4b:s29+s2], $0x50, $0x38;
	[tilespmem:$0x7900] =	vst v63  }
0x14: {  	s31 =	sadd.s32 s28, s8  }
0x15: {  	[tilespmem:s10], [sflag:$0x1] =	stream.linear.gather [hbm4b:s31+s2], $0x50, $0x38;
	[tilespmem:$0x7900] =	vst v63  }
0x16: {  	_ =	swait.ge [sflag:s11], $0x50  }
0x17: {  	[sflag:s11] =	ssyncset.done $0x0  }
0x18: {  	[sflag:s11] =	ssyncadd.s32 $0xFFFFFFB0  }
0x19: {  	_ =	swait.ge [sflag:s11], $0x50  }
0x1a: {  	p0 =	seq.s32 s28, $0x0;
	[sflag:s11] =	ssyncset.done $0x0  }
0x1b: {  	s29 =	simm.s32 @!p0 $0x1;
	[sflag:s11] =	ssyncadd.s32 $0xFFFFFFB0  }
0x1c: {  	_ =	swait.ge @!p0 [sflag:s29], $0x5000  }
0x1d: {  	[sflag:s29] =	ssyncset.done @!p0 $0x0  }
0x1e: {  	[sflag:s29] =	ssyncadd.s32 @!p0 $0xFFFFB000  }
0x1f: {  	_ =	swait.ge @!p0 [sflag:s29], $0x2800  }
0x20: {  	[sflag:s29] =	ssyncset.done @!p0 $0x0  }
0x21: {  	[sflag:s29] =	ssyncadd.s32 @!p0 $0xFFFFD800  }
0x22: {  	v3 =	vld [tilespmem:$0x0];
	_ =	sdelay $0x4  }
0x23: {  	v4 =	vshll.u32 v3, $0x1  }
0x24: {  	v3 =	vand.u32 $0x7, v3;
	v4 =	vand.u32 $0xFFFFFFF0, v4  }
0x25: {  	v3 =	vor.u32 v3, v4  }
0x26: {  	v4 =	vperm.xlane v3, v0;
	_ =	sdelay $0x1  }
0x27: {  	v3 =	vperm.xlane v3, v2;
	v4 =	vadd.s32 v1, v4;
	_ =	sdelay $0x1  }
0x28: {  	v3 =	vadd.s32 v1, v3;
	_ =	sdelay $0x2  }
0x29: {  	[tilespmem:s12], [sflag:$0x1] =	stream.indirect_vreg.gather [hbm4b:s3+s2], $0x80, v4, vm0, $0xb8;
	[tilespmem:$0x7900] =	vst v63  }
0x2a: {  	_ = 	snop  }
0x2b: {  	[tilespmem:s13], [sflag:$0x1] =	stream.indirect_vreg.gather [hbm4b:s3+s2], $0x80, v3, vm0, $0xb8;
	[tilespmem:$0x7900] =	vst v63  }
0x2c: {  	v3 =	vld [tilespmem:$0x10];
	_ =	sdelay $0x4  }
0x2d: {  	v60 =	vshll.u32 v3, $0x1  }
0x2e: {  	v3 =	vand.u32 $0x7, v3;
	v4 =	vand.u32 $0xFFFFFFF0, v60  }
0x2f: {  	v3 =	vor.u32 v3, v4  }
0x30: {  	v4 =	vperm.xlane v3, v0;
	_ =	sdelay $0x1  }
0x31: {  	v3 =	vperm.xlane v3, v2;
	v4 =	vadd.s32 v1, v4;
	_ =	sdelay $0x1  }
0x32: {  	v3 =	vadd.s32 v1, v3;
	_ =	sdelay $0x2  }
0x33: {  	[tilespmem:s14], [sflag:$0x1] =	stream.indirect_vreg.gather [hbm4b:s3+s2], $0x80, v4, vm0, $0xb8;
	[tilespmem:$0x7900] =	vst v63  }
0x34: {  	_ = 	snop  }
0x35: {  	[tilespmem:s15], [sflag:$0x1] =	stream.indirect_vreg.gather [hbm4b:s3+s2], $0x80, v3, vm0, $0xb8;
	[tilespmem:$0x7900] =	vst v63  }
0x36: {  	v3 =	vld [tilespmem:$0x20];
	_ =	sdelay $0x4  }
0x37: {  	v61 =	vshll.u32 v3, $0x1  }
0x38: {  	v3 =	vand.u32 $0x7, v3;
	v4 =	vand.u32 $0xFFFFFFF0, v61  }
0x39: {  	v3 =	vor.u32 v3, v4  }
0x3a: {  	v4 =	vperm.xlane v3, v0;
	_ =	sdelay $0x1  }
0x3b: {  	v3 =	vperm.xlane v3, v2;
	v4 =	vadd.s32 v1, v4;
	_ =	sdelay $0x1  }
0x3c: {  	v3 =	vadd.s32 v1, v3;
	_ =	sdelay $0x2  }
0x3d: {  	[tilespmem:s16], [sflag:$0x1] =	stream.indirect_vreg.gather [hbm4b:s3+s2], $0x80, v4, vm0, $0xb8;
	[tilespmem:$0x7900] =	vst v63  }
0x3e: {  	_ = 	snop  }
0x3f: {  	[tilespmem:s17], [sflag:$0x1] =	stream.indirect_vreg.gather [hbm4b:s3+s2], $0x80, v3, vm0, $0xb8;
	[tilespmem:$0x7900] =	vst v63  }
0x40: {  	v3 =	vld [tilespmem:$0x30];
	_ =	sdelay $0x4  }
0x41: {  	v62 =	vshll.u32 v3, $0x1  }
0x42: {  	v3 =	vand.u32 $0x7, v3;
	v4 =	vand.u32 $0xFFFFFFF0, v62  }
0x43: {  	v3 =	vor.u32 v3, v4  }
0x44: {  	v4 =	vperm.xlane v3, v0;
	_ =	sdelay $0x1  }
0x45: {  	v3 =	vperm.xlane v3, v2;
	v4 =	vadd.s32 v1, v4;
	_ =	sdelay $0x1  }
0x46: {  	v3 =	vadd.s32 v1, v3;
	_ =	sdelay $0x2  }
0x47: {  	[tilespmem:s18], [sflag:$0x1] =	stream.indirect_vreg.gather [hbm4b:s3+s2], $0x80, v4, vm0, $0xb8;
	[tilespmem:$0x7900] =	vst v63  }
0x48: {  	_ = 	snop  }
0x49: {  	[tilespmem:s19], [sflag:$0x1] =	stream.indirect_vreg.gather [hbm4b:s3+s2], $0x80, v3, vm0, $0xb8;
	[tilespmem:$0x7900] =	vst v63  }
0x4a: {  	v3 =	vld [tilespmem:$0x40];
	_ =	sdelay $0x4  }
0x4b: {  	v63 =	vshll.u32 v3, $0x1  }
0x4c: {  	v3 =	vand.u32 $0x7, v3;
	v4 =	vand.u32 $0xFFFFFFF0, v63  }
0x4d: {  	v3 =	vor.u32 v3, v4  }
0x4e: {  	v4 =	vperm.xlane v3, v0;
	_ =	sdelay $0x1  }
0x4f: {  	v3 =	vperm.xlane v3, v2;
	v4 =	vadd.s32 v1, v4;
	_ =	sdelay $0x1  }
0x50: {  	v3 =	vadd.s32 v1, v3;
	_ =	sdelay $0x2  }
0x51: {  	[tilespmem:s20], [sflag:$0x1] =	stream.indirect_vreg.gather [hbm4b:s3+s2], $0x80, v4, vm0, $0xb8;
	[tilespmem:$0x7900] =	vst v63  }
0x52: {  	_ = 	snop  }
0x53: {  	[tilespmem:s21], [sflag:$0x1] =	stream.indirect_vreg.gather [hbm4b:s3+s2], $0x80, v3, vm0, $0xb8;
	[tilespmem:$0x7900] =	vst v63  }
0x54: {  	_ = 	snop  }
0x55: {  	[tilespmem:s23], [sflag:$0x1] =	stream.indirect.gather [hbm4b:s4+s22], $0x80, s10, s22, $0xb8;
	[tilespmem:$0x7900] =	vst v63  }
0x56: {  	_ =	swait.ge [sflag:s11], $0x5000  }
0x57: {  	[sflag:s11] =	ssyncset.done $0x0  }
0x58: {  	[sflag:s11] =	ssyncadd.s32 $0xFFFFB000  }
0x59: {  	s28 =	sadd.s32 $0xA, s28;
	_ =	swait.ge [sflag:s11], $0x2800  }
0x5a: {  	p0 =	sne.s32 s28, $0x4E2;
	[sflag:s11] =	ssyncset.done $0x0  }
.Ltmp0:
0x5b: {  	[sflag:s11] =	ssyncadd.s32 $0xFFFFD800;
	(pc) =	sbr.rel @p0 .LBB2_2-.Ltmp0, $4  }
0x5c: {  	[hbm4b:s25+s2] =	stream.linear.scatter [tilespmem:s12], [sflag:$0x1], $0x5000, $0x38;
	[tilespmem:$0x7900] =	vst v63  }
0x5d: {  	_ = 	snop  }
0x5e: {  	[hbm4b:s26+s2] =	stream.linear.scatter [tilespmem:s23], [sflag:$0x1], $0x2800, $0x38;
	[tilespmem:$0x7900] =	vst v63  }
0x5f: {  	s25 =	sadd.s32 $0xA00, s25;
	s26 =	sadd.s32 $0x500, s26  }
0x60: {  	s24 =	sadd.s32 $0x1, s24  }
0x61: {  	_ =	swait.ge [sflag:s11], $0x5000;
	p0 =	sne.s32 s24, s5  }
.Ltmp1:
0x62: {  	[sflag:s11] =	ssyncset.done $0x0;
	(pc) =	sbr.rel @p0 .LBB2_1-.Ltmp1, $4  }
0x63: {  	[sflag:s11] =	ssyncadd.s32 $0xFFFFB000  }
0x64: {  	_ =	swait.ge [sflag:s11], $0x2800  }
0x65: {  	[sflag:s11] =	ssyncset.done $0x0  }
0x66: {  	[sflag:s11] =	ssyncadd.s32 $0xFFFFD800  }
0x67: {  	_ =	sfence.sel $0x180000  }
0x68: {  	[bflag:$0x0] =	sbarrier.arrive $0xFFFF  }
0x69: {  	p0 =	sne.s32 s0, $0x0;
	_ =	strace $0x90000050  }
0x6a: {  	s0 =	sadd.s32 @!p0 $0x100000, s1;
	[bflag:$0x2] =	sbarrier.arrive $0xFFFF  }
0x6b: {  	[sflag:s0] =	ssyncadd.tile.s32 @!p0 $0x1;
	_ =	shalt  }
.Lfunc_end2:
_tile_overlayer_lowered:
.L_overlay_start_2:
0x6c: {  	(tag) =	ssettag $0x2  }
0x6d: {  	s0 =	rddreg [dreg:$0x0];
	s2 =	stileid.u32  }
0x6e: {  	s1 =	rddreg [dreg:$0x1];
	p0 =	sne.s32 s2, $0x0  }
0x6f: {  	s3 =	rddreg [dreg:$0x2];
	[bflag:$0x3] =	sbarrier.arrive $0xFFFF;
	s2 =	simm.s32 @!p0 $0x1C02  }
0x70: {  	[timem:s3], [sflag:s2] =	dma.local @!p0 [hbm:s0], s1  }
0x71: {  	s0 =	simm.s32 @!p0 $0x2  }
0x72: {  	_ =	swait.ge @!p0 [sflag:s0], s1  }
0x73: {  	s1 =	ssub.s32 @!p0 $0x0, s1;
	[sflag:s0] =	ssyncset.done @!p0 $0x0  }
0x74: {  	[sflag:s0] =	ssyncadd.s32 @!p0 s1  }
0x75: {  	[bflag:$0x3] =	sbarrier.arrive $0xFFFF  }
0x76: {  	_ =	shalt  }

// kernel: kernel.27.cloned.1.call-start
scs
__scs_entry_jumppad:
0x0: {  	(pc) =	sbr.rel $0x88, $3  }
0x1: {  	(tag) =	ssettag $0x0;
	lr =	simm.s32 $0x1  }
0x2: {  	[smem:$0x3F93] =	sst lr;
	_ =	strace $0xD0000000  }
0x3: {  	_ = 	snop  }
0x4: {  	_ = 	snop  }
0x5: {  	_ = 	snop  }
0x6: {  	_ = 	snop  }
0x7: {  	_ = 	snop  }
__scs_overlays_trampoline_lowered:
0x8: {  	[smem:$0x3FA2] =	sst s0  }
0x9: {  	[smem:$0x3FA3] =	sst s1  }
0xa: {  	[smem:$0x3FA4] =	sst s2  }
0xb: {  	[smem:$0x3FA5] =	sst s3  }
0xc: {  	[smem:$0x3FA6] =	sst s4  }
0xd: {  	[smem:$0x3FA7] =	sst s5  }
0xe: {  	[smem:$0x3FA8] =	sst s6  }
0xf: {  	[smem:$0x3FA9] =	sst s7  }
0x10: {  	[smem:$0x3FAA] =	sst s8  }
0x11: {  	[smem:$0x3FAB] =	sst s9;
	s0 =	simm.s32 @!p0 $0x0  }
0x12: {  	s1 =	sld [smem:$0x3F91];
	s0 =	simm.s32 @p0 $0x1  }
0x13: {  	[smem:$0x3FAC] =	sst s0;
	s0 =	simm.s32 @!p1 $0x0  }
0x14: {  	s2 =	sld [smem:$0x3F90];
	s0 =	simm.s32 @p1 $0x1  }
0x15: {  	[smem:$0x3FAD] =	sst s0;
	s0 =	simm.s32 @!p2 $0x0  }
0x16: {  	s3 =	sld [smem:$0x3FDB];
	s0 =	simm.s32 @p2 $0x1  }
0x17: {  	s4 =	simm.s32 $0x1BF5;
	[smem:$0x3FAF] =	sst s0  }
0x18: {  	s0 =	sld [smem:$0x3F92];
	_ =	swait.ge [sflag:s4], $0x0  }
0x19: {  	s7 =	sld [smem:$0x3F93]  }
0x1a: {  	s8 =	sadd.s32 $0xFFFFE003, lr  }
0x1b: {  	s9 =	sadd.s32 $0xFFFFFEF7, lr;
	s5 =	simm.s32 $0xFFFFFFFF;
	p2 =	slt.u32 s8, $0xFFFFF086  }
0x1c: {  	p1 =	slt.u32 s9, $0xF7A;
	s5 =	simm.s32 @!p2 $0x0  }
0x1d: {  	s5 =	simm.s32 @p1 $0x1;
	p0 =	seq.s32 s7, s2  }
0x1e: {  	s7 =	smul.u32 @!p0 $0xF7A, s2;
	p2 =	seq.s32 @!p0 s5, $0x0  }
0x1f: {  	s9 =	smul.u32 $0xF7A, s1;
	s8 =	simm.s32 @!p0 $0x1BF5;
	p2 =	por !p2, p0  }
0x20: {  	[sflag:s8] =	ssyncset.s32 @!p0 $0xFFFFF086;
	s6 =	sadd.s32 @!p0 s3, s7;
	s7 =	simm.s32 @!p0 $0x108  }
0x21: {  	s3 =	sadd.s32 s3, s9;
	s6 =	sadd.s32 @!p0 $0x88, s6;
	s7 =	simm.s32 @p2 $0x1082  }
0x22: {  	[simem:s7], [sflag:s8] =	dma.local @!p0 [hbm:s6], $0xF7A  }
0x23: {  	s9 =	sor.u32 $0xD0000000, s2;
	s6 =	simm.s32 $0x108;
	_ =	swait.ge @!p0 [sflag:s8], $0x0  }
0x24: {  	s3 =	sadd.s32 $0x88, s3;
	s6 =	simm.s32 @!p1 $0x1082;
	[sflag:s4] =	ssyncset.s32 $0xFFFFF086  }
0x25: {  	[simem:s6], [sflag:s4] =	dma.local [hbm:s3], $0xF7A  }
0x26: {  	[smem:$0x3F93] =	sst s1;
	(tag) =	ssettag s2;
	_ =	strace s9  }
0x27: {  	s1 =	sld [smem:$0x3FA3]  }
0x28: {  	s2 =	sld [smem:$0x3FA4]  }
0x29: {  	s4 =	sld [smem:$0x3FA6]  }
0x2a: {  	p0 =	seq.s32 s5, $0x0;
	s5 =	sld [smem:$0x3FA7]  }
0x2b: {  	s6 =	sld [smem:$0x3FA8]  }
0x2c: {  	s7 =	sld [smem:$0x3FA9]  }
0x2d: {  	s3 =	simm.s32 $0x108;
	s8 =	sld [smem:$0x3FAA]  }
0x2e: {  	s3 =	simm.s32 @!p0 $0x1082;
	s9 =	sld [smem:$0x3FAB]  }
0x2f: {  	lr =	sadd.s32 s0, s3;
	s0 =	sld [smem:$0x3FA2]  }
0x30: {  	s3 =	sld [smem:$0x3FA5]  }
0x31: {  	[smem:$0x3FAE] =	sst s10  }
0x32: {  	s10 =	sld [smem:$0x3FAC];
	_ =	sdelay $0x3  }
0x33: {  	p0 =	seq.s32 s10, $0x1;
	s10 =	sld [smem:$0x3FAE];
	_ =	sdelay $0x3  }
0x34: {  	[smem:$0x3FAE] =	sst s10  }
0x35: {  	s10 =	sld [smem:$0x3FAD];
	_ =	sdelay $0x3  }
0x36: {  	p1 =	seq.s32 s10, $0x1;
	s10 =	sld [smem:$0x3FAE];
	_ =	sdelay $0x3  }
0x37: {  	[smem:$0x3FAE] =	sst s10  }
0x38: {  	s10 =	sld [smem:$0x3FAF]  }
0x39: {  	_ = 	snop;
	(pc) =	sbr.ind lr, $3  }
0x3a: {  	_ = 	snop  }
0x3b: {  	_ = 	snop  }
0x3c: {  	p2 =	seq.s32 s10, $0x1;
	s10 =	sld [smem:$0x3FAE]  }
0x3d: {  	_ =	shalt  }
0x3e: {  	_ =	shalt  }
0x3f: {  	_ =	shalt  }
0x40: {  	_ =	shalt  }
0x41: {  	_ =	shalt  }
0x42: {  	_ =	shalt  }
0x43: {  	_ =	shalt  }
0x44: {  	_ =	shalt  }
0x45: {  	_ =	shalt  }
0x46: {  	_ =	shalt  }
0x47: {  	_ =	shalt  }
0x48: {  	_ =	shalt  }
0x49: {  	_ =	shalt  }
0x4a: {  	_ =	shalt  }
0x4b: {  	_ =	shalt  }
0x4c: {  	_ =	shalt  }
0x4d: {  	_ =	shalt  }
0x4e: {  	_ =	shalt  }
0x4f: {  	_ =	shalt  }
0x50: {  	_ =	shalt  }
0x51: {  	_ =	shalt  }
0x52: {  	_ =	shalt  }
0x53: {  	_ =	shalt  }
0x54: {  	_ =	shalt  }
0x55: {  	_ =	shalt  }
0x56: {  	_ =	shalt  }
0x57: {  	_ =	shalt  }
0x58: {  	_ =	shalt  }
0x59: {  	_ =	shalt  }
0x5a: {  	_ =	shalt  }
0x5b: {  	_ =	shalt  }
0x5c: {  	_ =	shalt  }
0x5d: {  	_ =	shalt  }
0x5e: {  	_ =	shalt  }
0x5f: {  	_ =	shalt  }
0x60: {  	_ =	shalt  }
0x61: {  	_ =	shalt  }
0x62: {  	_ =	shalt  }
0x63: {  	_ =	shalt  }
0x64: {  	_ =	shalt  }
0x65: {  	_ =	shalt  }
0x66: {  	_ =	shalt  }
0x67: {  	_ =	shalt  }
0x68: {  	_ =	shalt  }
0x69: {  	_ =	shalt  }
0x6a: {  	_ =	shalt  }
0x6b: {  	_ =	shalt  }
0x6c: {  	_ =	shalt  }
0x6d: {  	_ =	shalt  }
0x6e: {  	_ =	shalt  }
0x6f: {  	_ =	shalt  }
0x70: {  	_ =	shalt  }
0x71: {  	_ =	shalt  }
0x72: {  	_ =	shalt  }
0x73: {  	_ =	shalt  }
0x74: {  	_ =	shalt  }
0x75: {  	_ =	shalt  }
0x76: {  	_ =	shalt  }
0x77: {  	_ =	shalt  }
0x78: {  	_ =	shalt  }
0x79: {  	_ =	shalt  }
0x7a: {  	_ =	shalt  }
0x7b: {  	_ =	shalt  }
0x7c: {  	_ =	shalt  }
0x7d: {  	_ =	shalt  }
0x7e: {  	_ =	shalt  }
0x7f: {  	_ =	shalt  }
0x80: {  	_ =	shalt  }
0x81: {  	_ =	shalt  }
0x82: {  	_ =	shalt  }
0x83: {  	_ =	shalt  }
0x84: {  	_ =	shalt  }
0x85: {  	_ =	shalt  }
0x86: {  	_ =	shalt  }
0x87: {  	_ =	shalt  }
.Lfunc_end0:
.L_simem_size_0:
called_computation.4_lowered:
.L_overlay_start_0:
0x88: {  	s2 =	sld [smem:$0x3FD9]  }
0x89: {  	s3 =	sld [smem:$0x3FFE];
	_ =	sdelay $0x1  }
0x8a: {  	s1 =	srdreg.scid  }
0x8b: {  	s0 =	sand.u32 $0x1, s1  }
0x8c: {  	s16 =	sshll.u32 s0, $0xA;
	s2 =	sadd.s32 s3, s2  }
0x8d: {  	s2 =	sadd.s32 s2, s16  }
0x8e: {  	[smem:$0x3FBA] =	sst s2  }
0x8f: {  	_ = 	snop  }
0x90: {  	(tm) =	ssettm $0x1  }
0x91: {  	s17 =	sld [smem:$0x3FFB];
	_ =	sdelay $0x3  }
0x92: {  	_ =	strace s17  }
0x93: {  	s2 =	sld [smem:$0x3FFC];
	_ =	sdelay $0x3  }
0x94: {  	_ =	strace s2  }
0x95: {  	s2 =	sld [smem:$0x3FFD];
	_ =	sdelay $0x3  }
0x96: {  	_ =	strace s2  }
0x97: {  	_ =	strace $0x8FFFFFFF  }
0x98: {  	s18 =	sld [smem:$0x3FDB];
	_ =	sdelay $0x1  }
0x99: {  	s19 =	simm.s32 $_scs_section_size  }
0x9a: {  	s4 =	simm.s32 $_size__tile_overlayer_lowered;
	s5 =	simm.s32 $_tile_overlayer_lowered  }
0x9b: {  	s22 =	simm.s32 $0x1BFF;
	s21 =	sshll.u32 s5, $0x1;
	s2 =	sadd.s32 s19, s18  }
0x9c: {  	s6 =	simm.s32 $0x0;
	s20 =	sshll.u32 s4, $0x1;
	s4 =	sadd.s32 s21, s2  }
0x9d: {  	[timem:s6], [sflag:s22] =	dma.local [hbm:s4], s20  }
0x9e: {  	_ =	swait.ge [sflag:s22], s20  }
0x9f: {  	s3 =	ssub.s32 $0x0, s20;
	[sflag:s22] =	ssyncset.done $0x0  }
0xa0: {  	[sflag:s22] =	ssyncadd.s32 s3;
	_ =	sdelay $0x1  }
0xa1: {  	s23 =	simm.s32 $0x1B8B  }
0xa2: {  	_ =	swait.ge [sflag:s23], $0x1  }
0xa3: {  	[sflag:s23] =	ssyncset.done $0x0  }
0xa4: {  	s25 =	simm.s32 $0x1B8E;
	s24 =	sld [smem:$0x3FFE];
	[sflag:s23] =	ssyncadd.s32 $0xFFFFFFFF  }
0xa5: {  	s26 =	simm.s32 $execute0_lowered;
	[smem:$0x3FD2] =	sst s25  }
0xa6: {  	s4 =	sshll.u32 s26, $0x1;
	_ =	strace $0x80000052;
	[dreg:$0x1] =	wrdreg $0xFFFFFFFF  }
0xa7: {  	s28 =	simm.s32 $_size_execute0_lowered;
	s2 =	sadd.s32 s2, s4;
	[dreg:$0x0] =	wrdreg $0x0  }
0xa8: {  	s4 =	sshll.u32 s28, $0x1;
	[dreg:$0x2] =	wrdreg s2  }
0xa9: {  	[dreg:$0x3] =	wrdreg s4  }
0xaa: {  	[dreg:$0x4] =	wrdreg $0xC0  }
0xab: {  	_ =	task [dreg:s6], $0x5FFFF  }
0xac: {  	[dreg:$0x1] =	wrdreg $0xFFFFFFFF  }
0xad: {  	[dreg:$0x0] =	wrdreg $0x60  }
0xae: {  	[dreg:$0x2] =	wrdreg s24  }
0xaf: {  	[dreg:$0x3] =	wrdreg $0x51000  }
0xb0: {  	[dreg:$0x4] =	wrdreg $0x191000  }
0xb1: {  	[dreg:$0x5] =	wrdreg $0x9  }
0xb2: {  	_ =	task.clear_ibuf [dreg:s6], $0x6FFFF;
	_ =	strace $0x90000052  }
0xb3: {  	s29 =	simm.s32 $0x9;
	_ =	strace $0x80000054  }
0xb4: {  	_ =	swait.ge [sflag:s29], $0x1  }
0xb5: {  	[sflag:s29] =	ssyncadd.s32 $0xFFFFFFFF  }
0xb6: {  	_ =	strace $0x90000054  }
0xb7: {  	_ =	sfence  }
0xb8: {  	s30 =	sld [smem:$0x0];
	_ =	sdelay $0x2  }
0xb9: {  	s31 =	sshll.u32 s1, $0xD;
	s1 =	sshrl.u32 s1, $0x2  }
0xba: {  	s3 =	sand.u32 $0x4000, s31;
	s1 =	sadd.s32 s1, s30  }
0xbb: {  	s0 =	sor.u32 s3, s0;
	s1 =	sshll.u32 s1, $0x11  }
0xbc: {  	s0 =	sor.u32 s1, s0  }
0xbd: {  	s0 =	sadd.s32 $0x8F2B, s0  }
0xbe: {  	[sflag:s0] =	ssyncadd.remote.s32 $0x1  }
0xbf: {  	_ =	sfence.sel $0xFFFF  }
0xc0: {  	[dreg:$0x0] =	wrdreg $0xFFFFFFFF;
	(pc) =	sbr.abs _section_cstart, $3  }
0xc1: {  	[dreg:$0x1] =	wrdreg $0xFFFFFFFF  }
0xc2: {  	_ =	task.clear_ibuf [dreg:s6], $0x2FFFF;
	_ =	strace $0x9FFFFFFF  }
0xc3: {  	(tm) =	ssettm $0x7FFFFFFF  }
tec
execute0_lowered:
.L_overlay_start_1:
0x0: {  	(tag) =	ssettag $0x1  }
0x1: {  	s8 =	rddreg [dreg:$0x0]  }
0x2: {  	s1 =	rddreg [dreg:$0x1]  }
0x3: {  	s2 =	rddreg [dreg:$0x2]  }
0x4: {  	s3 =	srdreg.scid;
	s20 =	stileid.u32  }
0x5: {  	s16 =	sand.u32 $0x1, s3;
	s3 =	simm.s32 $0x0;
	s17 =	sadd.s32 $0x1963200, s8  }
0x6: {  	s6 =	smul.u32 $0x14000, s20;
	s18 =	sadd.s32 $0x1E45200, s8;
	s4 =	sadd.s32 $0x12800, s8  }
0x7: {  	s0 =	sadd.s32 $0x1D600, s8;
	s21 =	sadd.s32 $0x1FE00, s8;
	s13 =	smul.u32 $0x50000, s20  }
0x8: {  	s12 =	sshll.u32 s20, $0x1;
	s29 =	sshll.u32 s20, $0x6;
	s5 =	smul.u32 $0x140000, s16  }
0x9: {  	p0 =	sne.s32 s20, $0x0;
	s22 =	smul.u32 $0x1400, s16;
	s24 =	sor.u32 s16, s12  }
0xa: {  	[smem:$0x7FF] =	sst s3;
	s11 =	ssub.s32 $0x2, s16;
	s28 =	smul.u32 $0x2710, s24  }
0xb: {  	_ =	strace $0x80000053;
	[dreg:$0x4] =	wrdreg s0;
	s19 =	smul.u32 $0x27100, s24  }
0xc: {  	[dreg:$0x5] =	wrdreg s21;
	s23 =	sshrl.u32 s11, $0x1;
	s21 =	smul.u32 $0x4E200, s20  }
0xd: {  	s26 =	sshrl.u32 s13, $0x2;
	s24 =	smul.u32 $0x2710, s16;
	s7 =	sadd.s32 s6, s5  }
0xe: {  	s5 =	sadd.s32 $0x1959400, s8;
	s14 =	sadd.s32 s22, s8;
	s22 =	smul.u32 $0x27100, s16  }
0xf: {  	s25 =	ssub.s32 s11, s23;
	s23 =	smul.u32 $0x4E20, s20;
	s20 =	simm.s32 $0x2  }
0x10: {  	s9 =	sshrl.u32 s7, $0x3;
	s11 =	sadd.s32 $0x21200, s14;
	s30 =	sshrl.u32 s28, $0x3  }
0x11: {  	s12 =	smax.u32 s25, $0x1;
	s15 =	sadd.s32 s17, s19;
	s16 =	sadd.s32 s18, s19  }
0x12: {  	s17 =	sadd.s32 s21, s17;
	s18 =	sadd.s32 s21, s18;
	s21 =	simm.s32 $0x80  }
0x13: {  	s25 =	simm.s32 $0x50;
	s10 =	sadd.s32 s9, s8;
	s8 =	sadd.s32 s26, s1  }
0x14: {  	s9 =	sor.u32 $0x1C02, s29;
	s13 =	sadd.s32 s4, s30;
	s14 =	sadd.s32 s5, s30  }
0x15: {  	s17 =	sadd.s32 s22, s17;
	s18 =	sadd.s32 s22, s18;
	s31 =	sadd.s32 s24, s23  }
0x16: {  	s22 =	simm.s32 $0x100;
	s23 =	simm.s32 $0x2900;
	s24 =	simm.s32 $0x1  }
0x17: {  	s26 =	simm.s32 $0x0;
	s10 =	sadd.s32 $0x4CC00, s10;
	s19 =	sadd.s32 $0x50, s31  }
.LBB2_1:
0x18: {  	s28 =	sshrl.u32 s8, $0x3;
	s0 =	rddreg [dreg:$0x4]  }
0x19: {  	[spmem:s28], [sflag:s9] =	dma.local [hbm:s0], $0x2800  }
0x1a: {  	_ =	swait.ge [sflag:s20], $0x2800  }
0x1b: {  	s29 =	sshrl.u32 @!p0 s2, $0x3;
	[sflag:s20] =	ssyncset.done $0x0  }
0x1c: {  	s30 =	simm.s32 @!p0 $0x2;
	s0 =	rddreg [dreg:$0x5];
	[sflag:s20] =	ssyncadd.s32 $0xFFFFD800  }
0x1d: {  	[spmem:s29], [sflag:s9] =	dma.local @!p0 [hbm:s0], $0x1400  }
0x1e: {  	_ =	swait.ge @!p0 [sflag:s30], $0x1400  }
0x1f: {  	[sflag:s30] =	ssyncset.done @!p0 $0x0  }
0x20: {  	[sflag:s30] =	ssyncadd.s32 @!p0 $0xFFFFEC00  }
0x21: {  	[bflag:$0x0] =	sbarrier.arrive $0xFFFF  }
0x22: {  	[tilespmem:s3], [sflag:$0x1] =	stream.linear.gather [hbm4b:s13+s3], $0x50, $0x38;
	[tilespmem:$0x19B00] =	vst v63  }
0x23: {  	_ = 	snop  }
0x24: {  	[tilespmem:s21], [sflag:$0x1] =	stream.linear.gather [hbm4b:s14+s3], $0x50, $0x38;
	[tilespmem:$0x19B00] =	vst v63  }
0x25: {  	_ = 	snop  }
0x26: {  	[tilespmem:s22], [sflag:$0x1] =	stream.linear.gather [hbm4b:s15+s3], $0x2800, $0x38;
	[tilespmem:$0x19B00] =	vst v63  }
0x27: {  	_ = 	snop  }
0x28: {  	[tilespmem:s23], [sflag:$0x1] =	stream.linear.gather [hbm4b:s16+s3], $0x2800, $0x38;
	[tilespmem:$0x19B00] =	vst v63  }
0x29: {  	_ =	swait.ge [sflag:s24], $0x50  }
0x2a: {  	[sflag:s24] =	ssyncset.done $0x0  }
0x2b: {  	[sflag:s24] =	ssyncadd.s32 $0xFFFFFFB0  }
0x2c: {  	_ =	swait.ge [sflag:s24], $0x50  }
0x2d: {  	[sflag:s24] =	ssyncset.done $0x0  }
0x2e: {  	[sflag:s24] =	ssyncadd.s32 $0xFFFFFFB0  }
0x2f: {  	_ =	swait.ge [sflag:s24], $0x2800  }
0x30: {  	[sflag:s24] =	ssyncset.done $0x0  }
0x31: {  	[sflag:s24] =	ssyncadd.s32 $0xFFFFD800  }
0x32: {  	_ =	swait.ge [sflag:s24], $0x2800  }
0x33: {  	[sflag:s24] =	ssyncset.done $0x0  }
0x34: {  	[sflag:s24] =	ssyncadd.s32 $0xFFFFD800  }
0x35: {  	[spmem:s1] =	stream.indirect.scatter.add.f32 [tilespmem:s22], [sflag:$0x1], $0x80, s3, s25, $0xb8;
	[tilespmem:$0x19B00] =	vst v63  }
0x36: {  	_ = 	snop  }
0x37: {  	[spmem:s2] =	stream.indirect.scatter.add.f32 [tilespmem:s23], [sflag:$0x1], $0x80, s21, s25, $0xb8;
	[tilespmem:$0x19B00] =	vst v63  }
0x38: {  	_ =	swait.ge [sflag:s24], $0x2800  }
0x39: {  	[sflag:s24] =	ssyncset.done $0x0  }
0x3a: {  	[sflag:s24] =	ssyncadd.s32 $0xFFFFD800  }
0x3b: {  	_ =	swait.ge [sflag:s24], $0x2800  }
0x3c: {  	s30 =	sshrl.u32 s19, $0x3;
	[sflag:s24] =	ssyncset.done $0x0  }
0x3d: {  	s31 =	sadd.s32 s4, s30;
	[sflag:s24] =	ssyncadd.s32 $0xFFFFD800  }
0x3e: {  	[tilespmem:s3], [sflag:$0x1] =	stream.linear.gather [hbm4b:s31+s3], $0x50, $0x38;
	[tilespmem:$0x19B00] =	vst v63  }
0x3f: {  	s30 =	sadd.s32 s5, s30  }
0x40: {  	[tilespmem:s21], [sflag:$0x1] =	stream.linear.gather [hbm4b:s30+s3], $0x50, $0x38;
	[tilespmem:$0x19B00] =	vst v63  }
0x41: {  	s30 =	sadd.s32 $0x500, s17  }
0x42: {  	[tilespmem:s22], [sflag:$0x1] =	stream.linear.gather [hbm4b:s30+s3], $0x2800, $0x38;
	[tilespmem:$0x19B00] =	vst v63  }
0x43: {  	s30 =	sadd.s32 $0x500, s18  }
0x44: {  	[tilespmem:s23], [sflag:$0x1] =	stream.linear.gather [hbm4b:s30+s3], $0x2800, $0x38;
	[tilespmem:$0x19B00] =	vst v63  }
0x45: {  	_ =	swait.ge [sflag:s24], $0x50  }
0x46: {  	[sflag:s24] =	ssyncset.done $0x0  }
0x47: {  	[sflag:s24] =	ssyncadd.s32 $0xFFFFFFB0  }
0x48: {  	_ =	swait.ge [sflag:s24], $0x50  }
0x49: {  	[sflag:s24] =	ssyncset.done $0x0  }
0x4a: {  	[sflag:s24] =	ssyncadd.s32 $0xFFFFFFB0  }
0x4b: {  	_ =	swait.ge [sflag:s24], $0x2800  }
0x4c: {  	[sflag:s24] =	ssyncset.done $0x0  }
0x4d: {  	[sflag:s24] =	ssyncadd.s32 $0xFFFFD800  }
0x4e: {  	_ =	swait.ge [sflag:s24], $0x2800  }
0x4f: {  	[sflag:s24] =	ssyncset.done $0x0  }
0x50: {  	s31 =	sadd.s32 $0x50, s19;
	s30 =	simm.s32 $0xA00;
	[sflag:s24] =	ssyncadd.s32 $0xFFFFD800  }
0x51: {  	[spmem:s1] =	stream.indirect.scatter.add.f32 [tilespmem:s22], [sflag:$0x1], $0x80, s3, s25, $0xb8;
	[tilespmem:$0x19B00] =	vst v63  }
.LBB2_2:
0x52: {  	[spmem:s2] =	stream.indirect.scatter.add.f32 [tilespmem:s23], [sflag:$0x1], $0x80, s21, s25, $0xb8;
	[tilespmem:$0x19B00] =	vst v63  }
0x53: {  	s0 =	smov.u32 s30  }
0x54: {  	p1 =	sne.s32 s30, $0x26C00;
	s30 =	sadd.s32 $0x500, s30;
	_ =	swait.ge [sflag:s24], $0x2800  }
0x55: {  	[sflag:s24] =	ssyncset.done $0x0  }
0x56: {  	[sflag:s24] =	ssyncadd.s32 $0xFFFFD800  }
0x57: {  	_ =	swait.ge [sflag:s24], $0x2800  }
0x58: {  	s6 =	sshrl.u32 s31, $0x3;
	[sflag:s24] =	ssyncset.done $0x0  }
0x59: {  	s7 =	sadd.s32 s4, s6;
	[sflag:s24] =	ssyncadd.s32 $0xFFFFD800  }
0x5a: {  	[tilespmem:s3], [sflag:$0x1] =	stream.linear.gather [hbm4b:s7+s3], $0x50, $0x38;
	[tilespmem:$0x19B00] =	vst v63  }
0x5b: {  	s6 =	sadd.s32 s5, s6  }
0x5c: {  	[tilespmem:s21], [sflag:$0x1] =	stream.linear.gather [hbm4b:s6+s3], $0x50, $0x38;
	[tilespmem:$0x19B00] =	vst v63  }
0x5d: {  	s6 =	sadd.s32 s0, s17  }
0x5e: {  	[tilespmem:s22], [sflag:$0x1] =	stream.linear.gather [hbm4b:s6+s3], $0x2800, $0x38;
	[tilespmem:$0x19B00] =	vst v63  }
0x5f: {  	s0 =	sadd.s32 s0, s18  }
0x60: {  	[tilespmem:s23], [sflag:$0x1] =	stream.linear.gather [hbm4b:s0+s3], $0x2800, $0x38;
	[tilespmem:$0x19B00] =	vst v63  }
0x61: {  	_ =	swait.ge [sflag:s24], $0x50  }
0x62: {  	[sflag:s24] =	ssyncset.done $0x0  }
0x63: {  	[sflag:s24] =	ssyncadd.s32 $0xFFFFFFB0  }
0x64: {  	_ =	swait.ge [sflag:s24], $0x50  }
0x65: {  	[sflag:s24] =	ssyncset.done $0x0  }
0x66: {  	[sflag:s24] =	ssyncadd.s32 $0xFFFFFFB0  }
0x67: {  	_ =	swait.ge [sflag:s24], $0x2800  }
0x68: {  	[sflag:s24] =	ssyncset.done $0x0  }
0x69: {  	[sflag:s24] =	ssyncadd.s32 $0xFFFFD800  }
.Ltmp0:
0x6a: {  	_ =	swait.ge [sflag:s24], $0x2800;
	(pc) =	sbr.rel @p1 .LBB2_2-.Ltmp0, $4  }
0x6b: {  	[sflag:s24] =	ssyncset.done $0x0  }
0x6c: {  	[sflag:s24] =	ssyncadd.s32 $0xFFFFD800  }
0x6d: {  	[spmem:s1] =	stream.indirect.scatter.add.f32 [tilespmem:s22], [sflag:$0x1], $0x80, s3, s25, $0xb8;
	[tilespmem:$0x19B00] =	vst v63  }
0x6e: {  	s31 =	sadd.s32 $0x50, s31  }
0x6f: {  	[spmem:s2] =	stream.indirect.scatter.add.f32 [tilespmem:s23], [sflag:$0x1], $0x80, s21, s25, $0xb8;
	[tilespmem:$0x19B00] =	vst v63  }
0x70: {  	_ =	swait.ge [sflag:s24], $0x2800  }
0x71: {  	[sflag:s24] =	ssyncset.done $0x0  }
0x72: {  	[sflag:s24] =	ssyncadd.s32 $0xFFFFD800  }
0x73: {  	_ =	swait.ge [sflag:s24], $0x2800  }
0x74: {  	[sflag:s24] =	ssyncset.done $0x0  }
0x75: {  	[sflag:s24] =	ssyncadd.s32 $0xFFFFD800  }
0x76: {  	[bflag:$0x0] =	sbarrier.arrive $0xFFFF  }
0x77: {  	[hbm:s10], [sflag:s9] =	dma.local [spmem:s28], $0x2800  }
0x78: {  	s26 =	sadd.s32 $0x1, s26;
	_ =	swait.ge [sflag:s20], $0x2800  }
0x79: {  	p1 =	sne.s32 s26, s12;
	[sflag:s20] =	ssyncset.done $0x0  }
.Ltmp1:
0x7a: {  	s0 =	simm.s32 @!p0 $0x2;
	[sflag:s20] =	ssyncadd.s32 $0xFFFFD800;
	(pc) =	sbr.rel @p1 .LBB2_1-.Ltmp1, $4  }
0x7b: {  	[hbm:s11], [sflag:s9] =	dma.local @!p0 [spmem:s29], $0x1400  }
0x7c: {  	_ =	swait.ge @!p0 [sflag:s0], $0x1400  }
0x7d: {  	[sflag:s0] =	ssyncset.done @!p0 $0x0  }
0x7e: {  	[sflag:s0] =	ssyncadd.s32 @!p0 $0xFFFFEC00  }
0x7f: {  	_ =	sfence.sel $0x180000  }
0x80: {  	[bflag:$0x0] =	sbarrier.arrive $0xFFFF  }
0x81: {  	_ =	strace $0x90000053  }
0x82: {  	[bflag:$0x2] =	sbarrier.arrive $0xFFFF  }
0x83: {  	s0 =	rddreg [dreg:$0x3]  }
0x84: {  	s0 =	sadd.s32 @!p0 $0x100000, s0  }
0x85: {  	[sflag:s0] =	ssyncadd.tile.s32 @!p0 $0x1;
	_ =	shalt  }
.Lfunc_end2:
_tile_overlayer_lowered:
.L_overlay_start_2:
0x86: {  	(tag) =	ssettag $0x2  }
0x87: {  	s0 =	rddreg [dreg:$0x0];
	s2 =	stileid.u32  }
0x88: {  	s1 =	rddreg [dreg:$0x1];
	p0 =	sne.s32 s2, $0x0  }
0x89: {  	s3 =	rddreg [dreg:$0x2];
	[bflag:$0x3] =	sbarrier.arrive $0xFFFF;
	s2 =	simm.s32 @!p0 $0x1C02  }
0x8a: {  	[timem:s3], [sflag:s2] =	dma.local @!p0 [hbm:s0], s1  }
0x8b: {  	s0 =	simm.s32 @!p0 $0x2  }
0x8c: {  	_ =	swait.ge @!p0 [sflag:s0], s1  }
0x8d: {  	s1 =	ssub.s32 @!p0 $0x0, s1;
	[sflag:s0] =	ssyncset.done @!p0 $0x0  }
0x8e: {  	[sflag:s0] =	ssyncadd.s32 @!p0 s1  }
0x8f: {  	[bflag:$0x3] =	sbarrier.arrive $0xFFFF  }
0x90: {  	_ =	shalt  }

</sc_bundles>
